<compile_context>
chip_gen: v7x
topology: tpu7x:2x2x1
jax: 0.10.2.dev20260603
libtpu: 0.0.44.dev20260713+nightly
codegen_flags: <defaults>
</compile_context>

<pallas_src>
import functools

import jax
import jax.numpy as jnp
from jax import lax
from jax.experimental import pallas as pl
from jax.experimental.pallas import tpu as pltpu
from jax.experimental.pallas import tpu_sc as plsc

N_NODES = 100000
N_EDGES = 6400000
C = 1.0
R_C = 1.0
GAMMA = 0.1
MIN_R = 0.1
EPS = 1e-12

NC = 2
NS = 16
NW = NC * NS
L = 16

G = 128
K = 16
CHUNK_E = K * G
NCHUNK = 98
GROUPS_PER_TILE = NCHUNK * K
NG = NW * GROUPS_PER_TILE
E_PAD = NG * G

ROWS_PER_TILE = 6272
N_PAD = NS * ROWS_PER_TILE
NROW = N_PAD // 128


def _sc_body(x0_hbm, x1_hbm, srcg_hbm, dstg_hbm, zeros_hbm, out_hbm,
             acc0, acc1, src_v, dst_v, xs0_v, xs1_v, xd0_v, xd1_v,
             m0_v, m1_v, sem_g, sem_s):
    c = lax.axis_index("c")
    s = lax.axis_index("s")
    w = c * NS + s

    rbase = s * ROWS_PER_TILE
    pltpu.sync_copy(zeros_hbm.at[pl.ds(rbase, ROWS_PER_TILE)],
                    acc0.at[pl.ds(rbase, ROWS_PER_TILE)])
    pltpu.sync_copy(zeros_hbm.at[pl.ds(rbase, ROWS_PER_TILE)],
                    acc1.at[pl.ds(rbase, ROWS_PER_TILE)])
    plsc.subcore_barrier()

    def chunk(cb, carry):
        gbase = w * GROUPS_PER_TILE + cb * K
        pltpu.sync_copy(srcg_hbm.at[pl.ds(gbase, K)], src_v)
        pltpu.sync_copy(dstg_hbm.at[pl.ds(gbase, K)], dst_v)

        descs = []
        for j in range(K):
            sl = pl.ds(j * G, G)
            for tab, idx, dest in ((x0_hbm, src_v, xs0_v),
                                   (x1_hbm, src_v, xs1_v),
                                   (x0_hbm, dst_v, xd0_v),
                                   (x1_hbm, dst_v, xd1_v)):
                d = pltpu.make_async_copy(tab.at[idx.at[j]], dest.at[sl], sem_g)
                d.start()
                descs.append(d)
        for d in descs:
            d.wait()

        def compute(i, carry2):
            sl = pl.ds(i * L, L)
            dx = xd0_v[sl] - xs0_v[sl]
            dy = xd1_v[sl] - xs1_v[sl]
            r2 = dx * dx + dy * dy
            yi = jnp.int32(0x5F3759DF) - lax.shift_right_logical(
                lax.bitcast_convert_type(r2, jnp.int32), 1)
            y = lax.bitcast_convert_type(yi, jnp.float32)
            h = 0.5 * r2
            y = y * (1.5 - h * y * y)
            y = y * (1.5 - h * y * y)
            y = y * (1.5 - h * y * y)
            r = r2 * y
            u = jnp.where(r > MIN_R, y, 1.0 / MIN_R)
            u2 = u * u
            u6 = u2 * u2 * u2
            f = (48.0 * C * u6 - 24.0 * C) * u6 * u
            inv = 1.0 / jnp.maximum(r, EPS)
            coef = f * inv
            m0_v[sl] = coef * dx
            m1_v[sl] = coef * dy
            return carry2

        lax.fori_loop(0, CHUNK_E // L, compute, 0)

        descs = []
        for j in range(K):
            sl = pl.ds(j * G, G)
            d = pltpu.make_async_copy(m0_v.at[sl], acc0.at[dst_v.at[j]], sem_s)
            d.start(add=True)
            descs.append(d)
            d = pltpu.make_async_copy(m1_v.at[sl], acc1.at[dst_v.at[j]], sem_s)
            d.start(add=True)
            descs.append(d)
        for d in descs:
            d.wait()
        return carry

    lax.fori_loop(0, NCHUNK, chunk, 0)

    plsc.subcore_barrier()
    pltpu.sync_copy(acc0.at[pl.ds(rbase, ROWS_PER_TILE)],
                    out_hbm.at[c, 0, pl.ds(rbase, ROWS_PER_TILE)])
    pltpu.sync_copy(acc1.at[pl.ds(rbase, ROWS_PER_TILE)],
                    out_hbm.at[c, 1, pl.ds(rbase, ROWS_PER_TILE)])


_sc_kernel = functools.partial(
    pl.kernel,
    mesh=plsc.VectorSubcoreMesh(
        core_axis_name="c", subcore_axis_name="s",
        num_cores=NC, num_subcores=NS),
    out_type=jax.ShapeDtypeStruct((NC, 2, N_PAD), jnp.float32),
    scratch_types=[
        pltpu.VMEM_SHARED((N_PAD,), jnp.float32),
        pltpu.VMEM_SHARED((N_PAD,), jnp.float32),
        pltpu.VMEM((K, G), jnp.int32),
        pltpu.VMEM((K, G), jnp.int32),
        pltpu.VMEM((CHUNK_E,), jnp.float32),
        pltpu.VMEM((CHUNK_E,), jnp.float32),
        pltpu.VMEM((CHUNK_E,), jnp.float32),
        pltpu.VMEM((CHUNK_E,), jnp.float32),
        pltpu.VMEM((CHUNK_E,), jnp.float32),
        pltpu.VMEM((CHUNK_E,), jnp.float32),
        pltpu.SemaphoreType.DMA,
        pltpu.SemaphoreType.DMA,
    ],
)(_sc_body)


def _combine_body(p_ref, v_ref, o_ref):
    o_ref[0] = p_ref[0, 0] + p_ref[1, 0] - GAMMA * v_ref[0]
    o_ref[1] = p_ref[0, 1] + p_ref[1, 1] - GAMMA * v_ref[1]


def kernel(x, v, edge_index):
    x0 = x[:, 0]
    x1 = x[:, 1]
    src = edge_index[0]
    dst = edge_index[1]
    pad = E_PAD - N_EDGES
    srcg = jnp.concatenate([src, jnp.zeros((pad,), jnp.int32)]).reshape(NG, G)
    dstg = jnp.concatenate([dst, jnp.zeros((pad,), jnp.int32)]).reshape(NG, G)
    zeros = jnp.zeros((N_PAD,), jnp.float32)

    partial = _sc_kernel(x0, x1, srcg, dstg, zeros)

    p4 = partial.reshape(NC, 2, NROW, 128)
    v3 = jnp.pad(v.T, ((0, 0), (0, N_PAD - N_NODES))).reshape(2, NROW, 128)
    out = pl.pallas_call(
        _combine_body,
        out_shape=jax.ShapeDtypeStruct((2, NROW, 128), jnp.float32),
    )(p4, v3)
    return out.reshape(2, N_PAD)[:, :N_NODES].T

# --- scband reference (transcript-rebuilt; emitter-appended) ---
"""Pipeline reference for scband-interaction-module-9517647528245 (READ-ONLY COPY).

The authoritative reference and input builder live on the scoring server;
editing this copy changes nothing except your own understanding.
"""

import jax, jax.numpy as jnp
import numpy as np

N_NODES = 100000
N_EDGES = 6400000
C = 1.0
R_C = 1.0
P = 12
Q = 6
GAMMA = 0.1
MIN_R = 0.1
EPS = 1e-12


def setup_inputs(seed: int = 0) -> dict:
    key = jax.random.key(seed)
    k1, k2, k3 = jax.random.split(key, 3)
    x = jax.random.uniform(k1, (N_NODES, 2), dtype=jnp.float32)
    v = jax.random.normal(k2, (N_NODES, 2), dtype=jnp.float32)
    edge_index = jax.random.randint(k3, (2, N_EDGES), 0, N_NODES, dtype=jnp.int32)
    return {"x": x, "v": v, "edge_index": edge_index}


def _lj_force(r_in):
    # r = r_in * (r_in > min_r) + min_r * (r_in <= min_r)
    r = jnp.where(r_in > MIN_R, r_in, MIN_R)
    return 4.0 * C * (R_C / r) ** Q * (P * (R_C / r) ** (P - Q) - Q) / r


def reference(x, v, edge_index):
    src = edge_index[0]
    dst = edge_index[1]
    # message along each edge: dr = pos[dst] - pos[src] (non-periodic euclid distance)
    dr = jnp.take(x, dst, axis=0) - jnp.take(x, src, axis=0)
    abs_dr = jnp.linalg.norm(dr, axis=-1, keepdims=True)
    # F.normalize(dr, dim=-1): dr / max(||dr||, eps)
    unit_dr = dr / jnp.maximum(abs_dr, EPS)
    msg = _lj_force(abs_dr) * unit_dr
    # update_all with fn.sum: scatter-add messages onto destination nodes
    a = jax.ops.segment_sum(msg, dst, num_segments=x.shape[0])
    # a = a - gamma * v (damping)
    a = a - GAMMA * v
    return a

if __name__ == "__main__":
    import jax
    _d = setup_inputs()
    print(jax.jit(kernel)(*tuple(_d.values())))

</pallas_src>

<mosaic_0001>
#map = affine_map<(d0, d1) -> (0)>
#map1 = affine_map<(d0, d1) -> (0, 0)>
#map2 = affine_map<(d0, d1) -> (0, 0, 0)>
module attributes {stable_mosaic.version = 14 : i64} {
  func.func @_sc_body(%arg0: i32, %arg1: i32, %arg2: memref<100000xf32, #tpu.memory_space<hbm>>, %arg3: memref<100000xf32, #tpu.memory_space<hbm>>, %arg4: memref<50176x128xi32, #tpu.memory_space<hbm>>, %arg5: memref<50176x128xi32, #tpu.memory_space<hbm>>, %arg6: memref<100352xf32, #tpu.memory_space<hbm>>, %arg7: memref<2x2x100352xf32, #tpu.memory_space<hbm>>, %arg8: memref<100352xf32, #tpu.memory_space<vmem_shared>>, %arg9: memref<100352xf32, #tpu.memory_space<vmem_shared>>, %arg10: memref<16x128xi32, #tpu.memory_space<vmem>>, %arg11: memref<16x128xi32, #tpu.memory_space<vmem>>, %arg12: memref<2048xf32, #tpu.memory_space<vmem>>, %arg13: memref<2048xf32, #tpu.memory_space<vmem>>, %arg14: memref<2048xf32, #tpu.memory_space<vmem>>, %arg15: memref<2048xf32, #tpu.memory_space<vmem>>, %arg16: memref<2048xf32, #tpu.memory_space<vmem>>, %arg17: memref<2048xf32, #tpu.memory_space<vmem>>, %arg18: memref<!tpu.dma_semaphore, #tpu.memory_space<semaphore_mem>>, %arg19: memref<!tpu.dma_semaphore, #tpu.memory_space<semaphore_mem>>) attributes {dimension_semantics = [#tpu.dimension_semantics<core_parallel>, #tpu.dimension_semantics<subcore_parallel>], iteration_bounds = array<i64: 2, 16>, scalar_prefetch = 0 : i64, scratch_operands = 12 : i64, tpu.core_type = #tpu.core_type<sc_vector_subcore>, window_params = [{transform_indices = #map}, {transform_indices = #map}, {transform_indices = #map1}, {transform_indices = #map1}, {transform_indices = #map}, {transform_indices = #map2}]} {
    %mul3A = arith.constant 16 : i32
    %mul3A_0 = arith.muli %arg0, %mul3A : i32
    %add3A = arith.addi %mul3A_0, %arg1 : i32
    %mul3A_1 = arith.constant 6272 : i32
    %mul3A_2 = arith.muli %arg1, %mul3A_1 : i32
    "tpu.region"() ({
      %run_scoped3A_10 = tpu.sem_alloc : memref<!tpu.dma_semaphore, #tpu.memory_space<semaphore_mem>>
      %dma_start3A = tpu.memref_slice %arg8[%mul3A_2] : memref<100352xf32, #tpu.memory_space<vmem_shared>> -> memref<6272xf32, #tpu.memory_space<vmem_shared>>
      %dma_start3A_11 = tpu.memref_slice %arg6[%mul3A_2] : memref<100352xf32, #tpu.memory_space<hbm>> -> memref<6272xf32, #tpu.memory_space<hbm>>
      tpu.enqueue_dma source(%dma_start3A_11 : memref<6272xf32, #tpu.memory_space<hbm>>) target(%dma_start3A : memref<6272xf32, #tpu.memory_space<vmem_shared>>) target_semaphore(%run_scoped3A_10 : memref<!tpu.dma_semaphore, #tpu.memory_space<semaphore_mem>>)
      %dma_wait3A = tpu.memref_slice %arg8[%mul3A_2] : memref<100352xf32, #tpu.memory_space<vmem_shared>> -> memref<6272xf32, #tpu.memory_space<vmem_shared>>
      %dma_wait3A_12 = tpu.memref_slice %arg6[%mul3A_2] : memref<100352xf32, #tpu.memory_space<hbm>> -> memref<6272xf32, #tpu.memory_space<hbm>>
      tpu.wait_dma2 semaphore(%run_scoped3A_10 : memref<!tpu.dma_semaphore, #tpu.memory_space<semaphore_mem>>) src(%dma_wait3A_12 : memref<6272xf32, #tpu.memory_space<hbm>>) dst(%dma_wait3A : memref<6272xf32, #tpu.memory_space<vmem_shared>>)
      tpu.yield
    }) : () -> ()
    "tpu.region"() ({
      %run_scoped3A_10 = tpu.sem_alloc : memref<!tpu.dma_semaphore, #tpu.memory_space<semaphore_mem>>
      %dma_start3A = tpu.memref_slice %arg9[%mul3A_2] : memref<100352xf32, #tpu.memory_space<vmem_shared>> -> memref<6272xf32, #tpu.memory_space<vmem_shared>>
      %dma_start3A_11 = tpu.memref_slice %arg6[%mul3A_2] : memref<100352xf32, #tpu.memory_space<hbm>> -> memref<6272xf32, #tpu.memory_space<hbm>>
      tpu.enqueue_dma source(%dma_start3A_11 : memref<6272xf32, #tpu.memory_space<hbm>>) target(%dma_start3A : memref<6272xf32, #tpu.memory_space<vmem_shared>>) target_semaphore(%run_scoped3A_10 : memref<!tpu.dma_semaphore, #tpu.memory_space<semaphore_mem>>)
      %dma_wait3A = tpu.memref_slice %arg9[%mul3A_2] : memref<100352xf32, #tpu.memory_space<vmem_shared>> -> memref<6272xf32, #tpu.memory_space<vmem_shared>>
      %dma_wait3A_12 = tpu.memref_slice %arg6[%mul3A_2] : memref<100352xf32, #tpu.memory_space<hbm>> -> memref<6272xf32, #tpu.memory_space<hbm>>
      tpu.wait_dma2 semaphore(%run_scoped3A_10 : memref<!tpu.dma_semaphore, #tpu.memory_space<semaphore_mem>>) src(%dma_wait3A_12 : memref<6272xf32, #tpu.memory_space<hbm>>) dst(%dma_wait3A : memref<6272xf32, #tpu.memory_space<vmem_shared>>)
      tpu.yield
    }) : () -> ()
    %barrier3A = arith.constant 0 : index
    tpu.barrier barrier_id(%barrier3A)
    %scan3A = arith.constant 0 : i32
    %scan3A_3 = arith.constant 0 : i32
    %scan3A_4 = arith.constant 98 : i32
    %scan3A_5 = arith.addi %scan3A_3, %scan3A_4 : i32
    %scan3A_6 = arith.constant 1 : i32
    scf.for %scan3A_10 = %scan3A_3 to %scan3A_5 step %scan3A_6  : i32 {
      %mul3A_11 = arith.constant 1568 : i32
      %mul3A_12 = arith.muli %add3A, %mul3A_11 : i32
      %mul3A_13 = arith.constant 16 : i32
      %mul3A_14 = arith.muli %scan3A_10, %mul3A_13 : i32
      %add3A_15 = arith.addi %mul3A_12, %mul3A_14 : i32
      "tpu.region"() ({
        %run_scoped3A_1556 = tpu.sem_alloc : memref<!tpu.dma_semaphore, #tpu.memory_space<semaphore_mem>>
        %dma_start3A_1557 = arith.constant 0 : i32
        %dma_start3A_1558 = tpu.memref_slice %arg4[%add3A_15, %dma_start3A_1557] : memref<50176x128xi32, #tpu.memory_space<hbm>> -> memref<16x128xi32, #tpu.memory_space<hbm>>
        %dma_start3A_1559 = arith.constant 0 : i32
        %dma_start3A_1560 = tpu.memref_slice %arg4[%add3A_15, %dma_start3A_1559] : memref<50176x128xi32, #tpu.memory_space<hbm>> -> memref<16x128xi32, #tpu.memory_space<hbm>>
        tpu.enqueue_dma source(%dma_start3A_1560 : memref<16x128xi32, #tpu.memory_space<hbm>>) target(%arg10 : memref<16x128xi32, #tpu.memory_space<vmem>>) target_semaphore(%run_scoped3A_1556 : memref<!tpu.dma_semaphore, #tpu.memory_space<semaphore_mem>>)
        %dma_wait3A_1561 = arith.constant 0 : i32
        %dma_wait3A_1562 = tpu.memref_slice %arg4[%add3A_15, %dma_wait3A_1561] : memref<50176x128xi32, #tpu.memory_space<hbm>> -> memref<16x128xi32, #tpu.memory_space<hbm>>
        %dma_wait3A_1563 = arith.constant 0 : i32
        %dma_wait3A_1564 = tpu.memref_slice %arg4[%add3A_15, %dma_wait3A_1563] : memref<50176x128xi32, #tpu.memory_space<hbm>> -> memref<16x128xi32, #tpu.memory_space<hbm>>
        tpu.wait_dma2 semaphore(%run_scoped3A_1556 : memref<!tpu.dma_semaphore, #tpu.memory_space<semaphore_mem>>) src(%dma_wait3A_1564 : memref<16x128xi32, #tpu.memory_space<hbm>>) dst(%arg10 : memref<16x128xi32, #tpu.memory_space<vmem>>)
        tpu.yield
      }) : () -> ()
      "tpu.region"() ({
        %run_scoped3A_1556 = tpu.sem_alloc : memref<!tpu.dma_semaphore, #tpu.memory_space<semaphore_mem>>
        %dma_start3A_1557 = arith.constant 0 : i32
        %dma_start3A_1558 = tpu.memref_slice %arg5[%add3A_15, %dma_start3A_1557] : memref<50176x128xi32, #tpu.memory_space<hbm>> -> memref<16x128xi32, #tpu.memory_space<hbm>>
        %dma_start3A_1559 = arith.constant 0 : i32
        %dma_start3A_1560 = tpu.memref_slice %arg5[%add3A_15, %dma_start3A_1559] : memref<50176x128xi32, #tpu.memory_space<hbm>> -> memref<16x128xi32, #tpu.memory_space<hbm>>
        tpu.enqueue_dma source(%dma_start3A_1560 : memref<16x128xi32, #tpu.memory_space<hbm>>) target(%arg11 : memref<16x128xi32, #tpu.memory_space<vmem>>) target_semaphore(%run_scoped3A_1556 : memref<!tpu.dma_semaphore, #tpu.memory_space<semaphore_mem>>)
        %dma_wait3A_1561 = arith.constant 0 : i32
        %dma_wait3A_1562 = tpu.memref_slice %arg5[%add3A_15, %dma_wait3A_1561] : memref<50176x128xi32, #tpu.memory_space<hbm>> -> memref<16x128xi32, #tpu.memory_space<hbm>>
        %dma_wait3A_1563 = arith.constant 0 : i32
        %dma_wait3A_1564 = tpu.memref_slice %arg5[%add3A_15, %dma_wait3A_1563] : memref<50176x128xi32, #tpu.memory_space<hbm>> -> memref<16x128xi32, #tpu.memory_space<hbm>>
        tpu.wait_dma2 semaphore(%run_scoped3A_1556 : memref<!tpu.dma_semaphore, #tpu.memory_space<semaphore_mem>>) src(%dma_wait3A_1564 : memref<16x128xi32, #tpu.memory_space<hbm>>) dst(%arg11 : memref<16x128xi32, #tpu.memory_space<vmem>>)
        tpu.yield
      }) : () -> ()
      %dma_start3A = arith.constant 0 : i32
      %dma_start3A_16 = arith.constant 0 : i32
      %dma_start3A_17 = tpu.memref_slice %arg12[%dma_start3A_16] : memref<2048xf32, #tpu.memory_space<vmem>> -> memref<128xf32, #tpu.memory_space<vmem>>
      %dma_start3A_18 = arith.constant 0 : i32
      %dma_start3A_19 = tpu.memref_slice %arg10[%dma_start3A, %dma_start3A_18] : memref<16x128xi32, #tpu.memory_space<vmem>> -> memref<1x128xi32, #tpu.memory_space<vmem>>
      %dma_start3A_20 = tpu.memref_squeeze %dma_start3A_19 : memref<1x128xi32, #tpu.memory_space<vmem>> -> memref<128xi32, #tpu.memory_space<vmem>>
      %dma_start3A_21 = arith.constant 0 : i32
      %dma_start3A_22 = tpu.memref_slice %arg2[%dma_start3A_21] : memref<100000xf32, #tpu.memory_space<hbm>> -> memref<100000xf32, #tpu.memory_space<hbm>>
      tpu.enqueue_indirect_dma source(%dma_start3A_22 : memref<100000xf32, #tpu.memory_space<hbm>>) target(%dma_start3A_17 : memref<128xf32, #tpu.memory_space<vmem>>) offsets(%dma_start3A_20 : memref<128xi32, #tpu.memory_space<vmem>>) semaphore(%arg18 : memref<!tpu.dma_semaphore, #tpu.memory_space<semaphore_mem>>)
      %dma_start3A_23 = arith.constant 0 : i32
      %dma_start3A_24 = arith.constant 0 : i32
      %dma_start3A_25 = tpu.memref_slice %arg13[%dma_start3A_24] : memref<2048xf32, #tpu.memory_space<vmem>> -> memref<128xf32, #tpu.memory_space<vmem>>
      %dma_start3A_26 = arith.constant 0 : i32
      %dma_start3A_27 = tpu.memref_slice %arg10[%dma_start3A_23, %dma_start3A_26] : memref<16x128xi32, #tpu.memory_space<vmem>> -> memref<1x128xi32, #tpu.memory_space<vmem>>
      %dma_start3A_28 = tpu.memref_squeeze %dma_start3A_27 : memref<1x128xi32, #tpu.memory_space<vmem>> -> memref<128xi32, #tpu.memory_space<vmem>>
      %dma_start3A_29 = arith.constant 0 : i32
      %dma_start3A_30 = tpu.memref_slice %arg3[%dma_start3A_29] : memref<100000xf32, #tpu.memory_space<hbm>> -> memref<100000xf32, #tpu.memory_space<hbm>>
      tpu.enqueue_indirect_dma source(%dma_start3A_30 : memref<100000xf32, #tpu.memory_space<hbm>>) target(%dma_start3A_25 : memref<128xf32, #tpu.memory_space<vmem>>) offsets(%dma_start3A_28 : memref<128xi32, #tpu.memory_space<vmem>>) semaphore(%arg18 : memref<!tpu.dma_semaphore, #tpu.memory_space<semaphore_mem>>)
      %dma_start3A_31 = arith.constant 0 : i32
      %dma_start3A_32 = arith.constant 0 : i32
      %dma_start3A_33 = tpu.memref_slice %arg14[%dma_start3A_32] : memref<2048xf32, #tpu.memory_space<vmem>> -> memref<128xf32, #tpu.memory_space<vmem>>
      %dma_start3A_34 = arith.constant 0 : i32
      %dma_start3A_35 = tpu.memref_slice %arg11[%dma_start3A_31, %dma_start3A_34] : memref<16x128xi32, #tpu.memory_space<vmem>> -> memref<1x128xi32, #tpu.memory_space<vmem>>
      %dma_start3A_36 = tpu.memref_squeeze %dma_start3A_35 : memref<1x128xi32, #tpu.memory_space<vmem>> -> memref<128xi32, #tpu.memory_space<vmem>>
      %dma_start3A_37 = arith.constant 0 : i32
      %dma_start3A_38 = tpu.memref_slice %arg2[%dma_start3A_37] : memref<100000xf32, #tpu.memory_space<hbm>> -> memref<100000xf32, #tpu.memory_space<hbm>>
      tpu.enqueue_indirect_dma source(%dma_start3A_38 : memref<100000xf32, #tpu.memory_space<hbm>>) target(%dma_start3A_33 : memref<128xf32, #tpu.memory_space<vmem>>) offsets(%dma_start3A_36 : memref<128xi32, #tpu.memory_space<vmem>>) semaphore(%arg18 : memref<!tpu.dma_semaphore, #tpu.memory_space<semaphore_mem>>)
      %dma_start3A_39 = arith.constant 0 : i32
      %dma_start3A_40 = arith.constant 0 : i32
      %dma_start3A_41 = tpu.memref_slice %arg15[%dma_start3A_40] : memref<2048xf32, #tpu.memory_space<vmem>> -> memref<128xf32, #tpu.memory_space<vmem>>
      %dma_start3A_42 = arith.constant 0 : i32
      %dma_start3A_43 = tpu.memref_slice %arg11[%dma_start3A_39, %dma_start3A_42] : memref<16x128xi32, #tpu.memory_space<vmem>> -> memref<1x128xi32, #tpu.memory_space<vmem>>
      %dma_start3A_44 = tpu.memref_squeeze %dma_start3A_43 : memref<1x128xi32, #tpu.memory_space<vmem>> -> memref<128xi32, #tpu.memory_space<vmem>>
      %dma_start3A_45 = arith.constant 0 : i32
      %dma_start3A_46 = tpu.memref_slice %arg3[%dma_start3A_45] : memref<100000xf32, #tpu.memory_space<hbm>> -> memref<100000xf32, #tpu.memory_space<hbm>>
      tpu.enqueue_indirect_dma source(%dma_start3A_46 : memref<100000xf32, #tpu.memory_space<hbm>>) target(%dma_start3A_41 : memref<128xf32, #tpu.memory_space<vmem>>) offsets(%dma_start3A_44 : memref<128xi32, #tpu.memory_space<vmem>>) semaphore(%arg18 : memref<!tpu.dma_semaphore, #tpu.memory_space<semaphore_mem>>)
      %dma_start3A_47 = arith.constant 1 : i32
      %dma_start3A_48 = arith.constant 128 : i32
      %dma_start3A_49 = tpu.memref_slice %arg12[%dma_start3A_48] : memref<2048xf32, #tpu.memory_space<vmem>> -> memref<128xf32, #tpu.memory_space<vmem>>
      %dma_start3A_50 = arith.constant 0 : i32
      %dma_start3A_51 = tpu.memref_slice %arg10[%dma_start3A_47, %dma_start3A_50] : memref<16x128xi32, #tpu.memory_space<vmem>> -> memref<1x128xi32, #tpu.memory_space<vmem>>
      %dma_start3A_52 = tpu.memref_squeeze %dma_start3A_51 : memref<1x128xi32, #tpu.memory_space<vmem>> -> memref<128xi32, #tpu.memory_space<vmem>>
      %dma_start3A_53 = arith.constant 0 : i32
      %dma_start3A_54 = tpu.memref_slice %arg2[%dma_start3A_53] : memref<100000xf32, #tpu.memory_space<hbm>> -> memref<100000xf32, #tpu.memory_space<hbm>>
      tpu.enqueue_indirect_dma source(%dma_start3A_54 : memref<100000xf32, #tpu.memory_space<hbm>>) target(%dma_start3A_49 : memref<128xf32, #tpu.memory_space<vmem>>) offsets(%dma_start3A_52 : memref<128xi32, #tpu.memory_space<vmem>>) semaphore(%arg18 : memref<!tpu.dma_semaphore, #tpu.memory_space<semaphore_mem>>)
      %dma_start3A_55 = arith.constant 1 : i32
      %dma_start3A_56 = arith.constant 128 : i32
      %dma_start3A_57 = tpu.memref_slice %arg13[%dma_start3A_56] : memref<2048xf32, #tpu.memory_space<vmem>> -> memref<128xf32, #tpu.memory_space<vmem>>
      %dma_start3A_58 = arith.constant 0 : i32
      %dma_start3A_59 = tpu.memref_slice %arg10[%dma_start3A_55, %dma_start3A_58] : memref<16x128xi32, #tpu.memory_space<vmem>> -> memref<1x128xi32, #tpu.memory_space<vmem>>
      %dma_start3A_60 = tpu.memref_squeeze %dma_start3A_59 : memref<1x128xi32, #tpu.memory_space<vmem>> -> memref<128xi32, #tpu.memory_space<vmem>>
      %dma_start3A_61 = arith.constant 0 : i32
      %dma_start3A_62 = tpu.memref_slice %arg3[%dma_start3A_61] : memref<100000xf32, #tpu.memory_space<hbm>> -> memref<100000xf32, #tpu.memory_space<hbm>>
      tpu.enqueue_indirect_dma source(%dma_start3A_62 : memref<100000xf32, #tpu.memory_space<hbm>>) target(%dma_start3A_57 : memref<128xf32, #tpu.memory_space<vmem>>) offsets(%dma_start3A_60 : memref<128xi32, #tpu.memory_space<vmem>>) semaphore(%arg18 : memref<!tpu.dma_semaphore, #tpu.memory_space<semaphore_mem>>)
      %dma_start3A_63 = arith.constant 1 : i32
      %dma_start3A_64 = arith.constant 128 : i32
      %dma_start3A_65 = tpu.memref_slice %arg14[%dma_start3A_64] : memref<2048xf32, #tpu.memory_space<vmem>> -> memref<128xf32, #tpu.memory_space<vmem>>
      %dma_start3A_66 = arith.constant 0 : i32
      %dma_start3A_67 = tpu.memref_slice %arg11[%dma_start3A_63, %dma_start3A_66] : memref<16x128xi32, #tpu.memory_space<vmem>> -> memref<1x128xi32, #tpu.memory_space<vmem>>
      %dma_start3A_68 = tpu.memref_squeeze %dma_start3A_67 : memref<1x128xi32, #tpu.memory_space<vmem>> -> memref<128xi32, #tpu.memory_space<vmem>>
      %dma_start3A_69 = arith.constant 0 : i32
      %dma_start3A_70 = tpu.memref_slice %arg2[%dma_start3A_69] : memref<100000xf32, #tpu.memory_space<hbm>> -> memref<100000xf32, #tpu.memory_space<hbm>>
      tpu.enqueue_indirect_dma source(%dma_start3A_70 : memref<100000xf32, #tpu.memory_space<hbm>>) target(%dma_start3A_65 : memref<128xf32, #tpu.memory_space<vmem>>) offsets(%dma_start3A_68 : memref<128xi32, #tpu.memory_space<vmem>>) semaphore(%arg18 : memref<!tpu.dma_semaphore, #tpu.memory_space<semaphore_mem>>)
      %dma_start3A_71 = arith.constant 1 : i32
      %dma_start3A_72 = arith.constant 128 : i32
      %dma_start3A_73 = tpu.memref_slice %arg15[%dma_start3A_72] : memref<2048xf32, #tpu.memory_space<vmem>> -> memref<128xf32, #tpu.memory_space<vmem>>
      %dma_start3A_74 = arith.constant 0 : i32
      %dma_start3A_75 = tpu.memref_slice %arg11[%dma_start3A_71, %dma_start3A_74] : memref<16x128xi32, #tpu.memory_space<vmem>> -> memref<1x128xi32, #tpu.memory_space<vmem>>
      %dma_start3A_76 = tpu.memref_squeeze %dma_start3A_75 : memref<1x128xi32, #tpu.memory_space<vmem>> -> memref<128xi32, #tpu.memory_space<vmem>>
      %dma_start3A_77 = arith.constant 0 : i32
      %dma_start3A_78 = tpu.memref_slice %arg3[%dma_start3A_77] : memref<100000xf32, #tpu.memory_space<hbm>> -> memref<100000xf32, #tpu.memory_space<hbm>>
      tpu.enqueue_indirect_dma source(%dma_start3A_78 : memref<100000xf32, #tpu.memory_space<hbm>>) target(%dma_start3A_73 : memref<128xf32, #tpu.memory_space<vmem>>) offsets(%dma_start3A_76 : memref<128xi32, #tpu.memory_space<vmem>>) semaphore(%arg18 : memref<!tpu.dma_semaphore, #tpu.memory_space<semaphore_mem>>)
      %dma_start3A_79 = arith.constant 2 : i32
      %dma_start3A_80 = arith.constant 256 : i32
      %dma_start3A_81 = tpu.memref_slice %arg12[%dma_start3A_80] : memref<2048xf32, #tpu.memory_space<vmem>> -> memref<128xf32, #tpu.memory_space<vmem>>
      %dma_start3A_82 = arith.constant 0 : i32
      %dma_start3A_83 = tpu.memref_slice %arg10[%dma_start3A_79, %dma_start3A_82] : memref<16x128xi32, #tpu.memory_space<vmem>> -> memref<1x128xi32, #tpu.memory_space<vmem>>
      %dma_start3A_84 = tpu.memref_squeeze %dma_start3A_83 : memref<1x128xi32, #tpu.memory_space<vmem>> -> memref<128xi32, #tpu.memory_space<vmem>>
      %dma_start3A_85 = arith.constant 0 : i32
      %dma_start3A_86 = tpu.memref_slice %arg2[%dma_start3A_85] : memref<100000xf32, #tpu.memory_space<hbm>> -> memref<100000xf32, #tpu.memory_space<hbm>>
      tpu.enqueue_indirect_dma source(%dma_start3A_86 : memref<100000xf32, #tpu.memory_space<hbm>>) target(%dma_start3A_81 : memref<128xf32, #tpu.memory_space<vmem>>) offsets(%dma_start3A_84 : memref<128xi32, #tpu.memory_space<vmem>>) semaphore(%arg18 : memref<!tpu.dma_semaphore, #tpu.memory_space<semaphore_mem>>)
      %dma_start3A_87 = arith.constant 2 : i32
      %dma_start3A_88 = arith.constant 256 : i32
      %dma_start3A_89 = tpu.memref_slice %arg13[%dma_start3A_88] : memref<2048xf32, #tpu.memory_space<vmem>> -> memref<128xf32, #tpu.memory_space<vmem>>
      %dma_start3A_90 = arith.constant 0 : i32
      %dma_start3A_91 = tpu.memref_slice %arg10[%dma_start3A_87, %dma_start3A_90] : memref<16x128xi32, #tpu.memory_space<vmem>> -> memref<1x128xi32, #tpu.memory_space<vmem>>
      %dma_start3A_92 = tpu.memref_squeeze %dma_start3A_91 : memref<1x128xi32, #tpu.memory_space<vmem>> -> memref<128xi32, #tpu.memory_space<vmem>>
      %dma_start3A_93 = arith.constant 0 : i32
      %dma_start3A_94 = tpu.memref_slice %arg3[%dma_start3A_93] : memref<100000xf32, #tpu.memory_space<hbm>> -> memref<100000xf32, #tpu.memory_space<hbm>>
      tpu.enqueue_indirect_dma source(%dma_start3A_94 : memref<100000xf32, #tpu.memory_space<hbm>>) target(%dma_start3A_89 : memref<128xf32, #tpu.memory_space<vmem>>) offsets(%dma_start3A_92 : memref<128xi32, #tpu.memory_space<vmem>>) semaphore(%arg18 : memref<!tpu.dma_semaphore, #tpu.memory_space<semaphore_mem>>)
      %dma_start3A_95 = arith.constant 2 : i32
      %dma_start3A_96 = arith.constant 256 : i32
      %dma_start3A_97 = tpu.memref_slice %arg14[%dma_start3A_96] : memref<2048xf32, #tpu.memory_space<vmem>> -> memref<128xf32, #tpu.memory_space<vmem>>
      %dma_start3A_98 = arith.constant 0 : i32
      %dma_start3A_99 = tpu.memref_slice %arg11[%dma_start3A_95, %dma_start3A_98] : memref<16x128xi32, #tpu.memory_space<vmem>> -> memref<1x128xi32, #tpu.memory_space<vmem>>
      %dma_start3A_100 = tpu.memref_squeeze %dma_start3A_99 : memref<1x128xi32, #tpu.memory_space<vmem>> -> memref<128xi32, #tpu.memory_space<vmem>>
      %dma_start3A_101 = arith.constant 0 : i32
      %dma_start3A_102 = tpu.memref_slice %arg2[%dma_start3A_101] : memref<100000xf32, #tpu.memory_space<hbm>> -> memref<100000xf32, #tpu.memory_space<hbm>>
      tpu.enqueue_indirect_dma source(%dma_start3A_102 : memref<100000xf32, #tpu.memory_space<hbm>>) target(%dma_start3A_97 : memref<128xf32, #tpu.memory_space<vmem>>) offsets(%dma_start3A_100 : memref<128xi32, #tpu.memory_space<vmem>>) semaphore(%arg18 : memref<!tpu.dma_semaphore, #tpu.memory_space<semaphore_mem>>)
      %dma_start3A_103 = arith.constant 2 : i32
      %dma_start3A_104 = arith.constant 256 : i32
      %dma_start3A_105 = tpu.memref_slice %arg15[%dma_start3A_104] : memref<2048xf32, #tpu.memory_space<vmem>> -> memref<128xf32, #tpu.memory_space<vmem>>
      %dma_start3A_106 = arith.constant 0 : i32
      %dma_start3A_107 = tpu.memref_slice %arg11[%dma_start3A_103, %dma_start3A_106] : memref<16x128xi32, #tpu.memory_space<vmem>> -> memref<1x128xi32, #tpu.memory_space<vmem>>
      %dma_start3A_108 = tpu.memref_squeeze %dma_start3A_107 : memref<1x128xi32, #tpu.memory_space<vmem>> -> memref<128xi32, #tpu.memory_space<vmem>>
      %dma_start3A_109 = arith.constant 0 : i32
      %dma_start3A_110 = tpu.memref_slice %arg3[%dma_start3A_109] : memref<100000xf32, #tpu.memory_space<hbm>> -> memref<100000xf32, #tpu.memory_space<hbm>>
      tpu.enqueue_indirect_dma source(%dma_start3A_110 : memref<100000xf32, #tpu.memory_space<hbm>>) target(%dma_start3A_105 : memref<128xf32, #tpu.memory_space<vmem>>) offsets(%dma_start3A_108 : memref<128xi32, #tpu.memory_space<vmem>>) semaphore(%arg18 : memref<!tpu.dma_semaphore, #tpu.memory_space<semaphore_mem>>)
      %dma_start3A_111 = arith.constant 3 : i32
      %dma_start3A_112 = arith.constant 384 : i32
      %dma_start3A_113 = tpu.memref_slice %arg12[%dma_start3A_112] : memref<2048xf32, #tpu.memory_space<vmem>> -> memref<128xf32, #tpu.memory_space<vmem>>
      %dma_start3A_114 = arith.constant 0 : i32
      %dma_start3A_115 = tpu.memref_slice %arg10[%dma_start3A_111, %dma_start3A_114] : memref<16x128xi32, #tpu.memory_space<vmem>> -> memref<1x128xi32, #tpu.memory_space<vmem>>
      %dma_start3A_116 = tpu.memref_squeeze %dma_start3A_115 : memref<1x128xi32, #tpu.memory_space<vmem>> -> memref<128xi32, #tpu.memory_space<vmem>>
      %dma_start3A_117 = arith.constant 0 : i32
      %dma_start3A_118 = tpu.memref_slice %arg2[%dma_start3A_117] : memref<100000xf32, #tpu.memory_space<hbm>> -> memref<100000xf32, #tpu.memory_space<hbm>>
      tpu.enqueue_indirect_dma source(%dma_start3A_118 : memref<100000xf32, #tpu.memory_space<hbm>>) target(%dma_start3A_113 : memref<128xf32, #tpu.memory_space<vmem>>) offsets(%dma_start3A_116 : memref<128xi32, #tpu.memory_space<vmem>>) semaphore(%arg18 : memref<!tpu.dma_semaphore, #tpu.memory_space<semaphore_mem>>)
      %dma_start3A_119 = arith.constant 3 : i32
      %dma_start3A_120 = arith.constant 384 : i32
      %dma_start3A_121 = tpu.memref_slice %arg13[%dma_start3A_120] : memref<2048xf32, #tpu.memory_space<vmem>> -> memref<128xf32, #tpu.memory_space<vmem>>
      %dma_start3A_122 = arith.constant 0 : i32
      %dma_start3A_123 = tpu.memref_slice %arg10[%dma_start3A_119, %dma_start3A_122] : memref<16x128xi32, #tpu.memory_space<vmem>> -> memref<1x128xi32, #tpu.memory_space<vmem>>
      %dma_start3A_124 = tpu.memref_squeeze %dma_start3A_123 : memref<1x128xi32, #tpu.memory_space<vmem>> -> memref<128xi32, #tpu.memory_space<vmem>>
      %dma_start3A_125 = arith.constant 0 : i32
      %dma_start3A_126 = tpu.memref_slice %arg3[%dma_start3A_125] : memref<100000xf32, #tpu.memory_space<hbm>> -> memref<100000xf32, #tpu.memory_space<hbm>>
      tpu.enqueue_indirect_dma source(%dma_start3A_126 : memref<100000xf32, #tpu.memory_space<hbm>>) target(%dma_start3A_121 : memref<128xf32, #tpu.memory_space<vmem>>) offsets(%dma_start3A_124 : memref<128xi32, #tpu.memory_space<vmem>>) semaphore(%arg18 : memref<!tpu.dma_semaphore, #tpu.memory_space<semaphore_mem>>)
      %dma_start3A_127 = arith.constant 3 : i32
      %dma_start3A_128 = arith.constant 384 : i32
      %dma_start3A_129 = tpu.memref_slice %arg14[%dma_start3A_128] : memref<2048xf32, #tpu.memory_space<vmem>> -> memref<128xf32, #tpu.memory_space<vmem>>
      %dma_start3A_130 = arith.constant 0 : i32
      %dma_start3A_131 = tpu.memref_slice %arg11[%dma_start3A_127, %dma_start3A_130] : memref<16x128xi32, #tpu.memory_space<vmem>> -> memref<1x128xi32, #tpu.memory_space<vmem>>
      %dma_start3A_132 = tpu.memref_squeeze %dma_start3A_131 : memref<1x128xi32, #tpu.memory_space<vmem>> -> memref<128xi32, #tpu.memory_space<vmem>>
      %dma_start3A_133 = arith.constant 0 : i32
      %dma_start3A_134 = tpu.memref_slice %arg2[%dma_start3A_133] : memref<100000xf32, #tpu.memory_space<hbm>> -> memref<100000xf32, #tpu.memory_space<hbm>>
      tpu.enqueue_indirect_dma source(%dma_start3A_134 : memref<100000xf32, #tpu.memory_space<hbm>>) target(%dma_start3A_129 : memref<128xf32, #tpu.memory_space<vmem>>) offsets(%dma_start3A_132 : memref<128xi32, #tpu.memory_space<vmem>>) semaphore(%arg18 : memref<!tpu.dma_semaphore, #tpu.memory_space<semaphore_mem>>)
      %dma_start3A_135 = arith.constant 3 : i32
      %dma_start3A_136 = arith.constant 384 : i32
      %dma_start3A_137 = tpu.memref_slice %arg15[%dma_start3A_136] : memref<2048xf32, #tpu.memory_space<vmem>> -> memref<128xf32, #tpu.memory_space<vmem>>
      %dma_start3A_138 = arith.constant 0 : i32
      %dma_start3A_139 = tpu.memref_slice %arg11[%dma_start3A_135, %dma_start3A_138] : memref<16x128xi32, #tpu.memory_space<vmem>> -> memref<1x128xi32, #tpu.memory_space<vmem>>
      %dma_start3A_140 = tpu.memref_squeeze %dma_start3A_139 : memref<1x128xi32, #tpu.memory_space<vmem>> -> memref<128xi32, #tpu.memory_space<vmem>>
      %dma_start3A_141 = arith.constant 0 : i32
      %dma_start3A_142 = tpu.memref_slice %arg3[%dma_start3A_141] : memref<100000xf32, #tpu.memory_space<hbm>> -> memref<100000xf32, #tpu.memory_space<hbm>>
      tpu.enqueue_indirect_dma source(%dma_start3A_142 : memref<100000xf32, #tpu.memory_space<hbm>>) target(%dma_start3A_137 : memref<128xf32, #tpu.memory_space<vmem>>) offsets(%dma_start3A_140 : memref<128xi32, #tpu.memory_space<vmem>>) semaphore(%arg18 : memref<!tpu.dma_semaphore, #tpu.memory_space<semaphore_mem>>)
      %dma_start3A_143 = arith.constant 4 : i32
      %dma_start3A_144 = arith.constant 512 : i32
      %dma_start3A_145 = tpu.memref_slice %arg12[%dma_start3A_144] : memref<2048xf32, #tpu.memory_space<vmem>> -> memref<128xf32, #tpu.memory_space<vmem>>
      %dma_start3A_146 = arith.constant 0 : i32
      %dma_start3A_147 = tpu.memref_slice %arg10[%dma_start3A_143, %dma_start3A_146] : memref<16x128xi32, #tpu.memory_space<vmem>> -> memref<1x128xi32, #tpu.memory_space<vmem>>
      %dma_start3A_148 = tpu.memref_squeeze %dma_start3A_147 : memref<1x128xi32, #tpu.memory_space<vmem>> -> memref<128xi32, #tpu.memory_space<vmem>>
      %dma_start3A_149 = arith.constant 0 : i32
      %dma_start3A_150 = tpu.memref_slice %arg2[%dma_start3A_149] : memref<100000xf32, #tpu.memory_space<hbm>> -> memref<100000xf32, #tpu.memory_space<hbm>>
      tpu.enqueue_indirect_dma source(%dma_start3A_150 : memref<100000xf32, #tpu.memory_space<hbm>>) target(%dma_start3A_145 : memref<128xf32, #tpu.memory_space<vmem>>) offsets(%dma_start3A_148 : memref<128xi32, #tpu.memory_space<vmem>>) semaphore(%arg18 : memref<!tpu.dma_semaphore, #tpu.memory_space<semaphore_mem>>)
      %dma_start3A_151 = arith.constant 4 : i32
      %dma_start3A_152 = arith.constant 512 : i32
      %dma_start3A_153 = tpu.memref_slice %arg13[%dma_start3A_152] : memref<2048xf32, #tpu.memory_space<vmem>> -> memref<128xf32, #tpu.memory_space<vmem>>
      %dma_start3A_154 = arith.constant 0 : i32
      %dma_start3A_155 = tpu.memref_slice %arg10[%dma_start3A_151, %dma_start3A_154] : memref<16x128xi32, #tpu.memory_space<vmem>> -> memref<1x128xi32, #tpu.memory_space<vmem>>
      %dma_start3A_156 = tpu.memref_squeeze %dma_start3A_155 : memref<1x128xi32, #tpu.memory_space<vmem>> -> memref<128xi32, #tpu.memory_space<vmem>>
      %dma_start3A_157 = arith.constant 0 : i32
      %dma_start3A_158 = tpu.memref_slice %arg3[%dma_start3A_157] : memref<100000xf32, #tpu.memory_space<hbm>> -> memref<100000xf32, #tpu.memory_space<hbm>>
      tpu.enqueue_indirect_dma source(%dma_start3A_158 : memref<100000xf32, #tpu.memory_space<hbm>>) target(%dma_start3A_153 : memref<128xf32, #tpu.memory_space<vmem>>) offsets(%dma_start3A_156 : memref<128xi32, #tpu.memory_space<vmem>>) semaphore(%arg18 : memref<!tpu.dma_semaphore, #tpu.memory_space<semaphore_mem>>)
      %dma_start3A_159 = arith.constant 4 : i32
      %dma_start3A_160 = arith.constant 512 : i32
      %dma_start3A_161 = tpu.memref_slice %arg14[%dma_start3A_160] : memref<2048xf32, #tpu.memory_space<vmem>> -> memref<128xf32, #tpu.memory_space<vmem>>
      %dma_start3A_162 = arith.constant 0 : i32
      %dma_start3A_163 = tpu.memref_slice %arg11[%dma_start3A_159, %dma_start3A_162] : memref<16x128xi32, #tpu.memory_space<vmem>> -> memref<1x128xi32, #tpu.memory_space<vmem>>
      %dma_start3A_164 = tpu.memref_squeeze %dma_start3A_163 : memref<1x128xi32, #tpu.memory_space<vmem>> -> memref<128xi32, #tpu.memory_space<vmem>>
      %dma_start3A_165 = arith.constant 0 : i32
      %dma_start3A_166 = tpu.memref_slice %arg2[%dma_start3A_165] : memref<100000xf32, #tpu.memory_space<hbm>> -> memref<100000xf32, #tpu.memory_space<hbm>>
      tpu.enqueue_indirect_dma source(%dma_start3A_166 : memref<100000xf32, #tpu.memory_space<hbm>>) target(%dma_start3A_161 : memref<128xf32, #tpu.memory_space<vmem>>) offsets(%dma_start3A_164 : memref<128xi32, #tpu.memory_space<vmem>>) semaphore(%arg18 : memref<!tpu.dma_semaphore, #tpu.memory_space<semaphore_mem>>)
      %dma_start3A_167 = arith.constant 4 : i32
      %dma_start3A_168 = arith.constant 512 : i32
      %dma_start3A_169 = tpu.memref_slice %arg15[%dma_start3A_168] : memref<2048xf32, #tpu.memory_space<vmem>> -> memref<128xf32, #tpu.memory_space<vmem>>
      %dma_start3A_170 = arith.constant 0 : i32
      %dma_start3A_171 = tpu.memref_slice %arg11[%dma_start3A_167, %dma_start3A_170] : memref<16x128xi32, #tpu.memory_space<vmem>> -> memref<1x128xi32, #tpu.memory_space<vmem>>
      %dma_start3A_172 = tpu.memref_squeeze %dma_start3A_171 : memref<1x128xi32, #tpu.memory_space<vmem>> -> memref<128xi32, #tpu.memory_space<vmem>>
      %dma_start3A_173 = arith.constant 0 : i32
      %dma_start3A_174 = tpu.memref_slice %arg3[%dma_start3A_173] : memref<100000xf32, #tpu.memory_space<hbm>> -> memref<100000xf32, #tpu.memory_space<hbm>>
      tpu.enqueue_indirect_dma source(%dma_start3A_174 : memref<100000xf32, #tpu.memory_space<hbm>>) target(%dma_start3A_169 : memref<128xf32, #tpu.memory_space<vmem>>) offsets(%dma_start3A_172 : memref<128xi32, #tpu.memory_space<vmem>>) semaphore(%arg18 : memref<!tpu.dma_semaphore, #tpu.memory_space<semaphore_mem>>)
      %dma_start3A_175 = arith.constant 5 : i32
      %dma_start3A_176 = arith.constant 640 : i32
      %dma_start3A_177 = tpu.memref_slice %arg12[%dma_start3A_176] : memref<2048xf32, #tpu.memory_space<vmem>> -> memref<128xf32, #tpu.memory_space<vmem>>
      %dma_start3A_178 = arith.constant 0 : i32
      %dma_start3A_179 = tpu.memref_slice %arg10[%dma_start3A_175, %dma_start3A_178] : memref<16x128xi32, #tpu.memory_space<vmem>> -> memref<1x128xi32, #tpu.memory_space<vmem>>
      %dma_start3A_180 = tpu.memref_squeeze %dma_start3A_179 : memref<1x128xi32, #tpu.memory_space<vmem>> -> memref<128xi32, #tpu.memory_space<vmem>>
      %dma_start3A_181 = arith.constant 0 : i32
      %dma_start3A_182 = tpu.memref_slice %arg2[%dma_start3A_181] : memref<100000xf32, #tpu.memory_space<hbm>> -> memref<100000xf32, #tpu.memory_space<hbm>>
      tpu.enqueue_indirect_dma source(%dma_start3A_182 : memref<100000xf32, #tpu.memory_space<hbm>>) target(%dma_start3A_177 : memref<128xf32, #tpu.memory_space<vmem>>) offsets(%dma_start3A_180 : memref<128xi32, #tpu.memory_space<vmem>>) semaphore(%arg18 : memref<!tpu.dma_semaphore, #tpu.memory_space<semaphore_mem>>)
      %dma_start3A_183 = arith.constant 5 : i32
      %dma_start3A_184 = arith.constant 640 : i32
      %dma_start3A_185 = tpu.memref_slice %arg13[%dma_start3A_184] : memref<2048xf32, #tpu.memory_space<vmem>> -> memref<128xf32, #tpu.memory_space<vmem>>
      %dma_start3A_186 = arith.constant 0 : i32
      %dma_start3A_187 = tpu.memref_slice %arg10[%dma_start3A_183, %dma_start3A_186] : memref<16x128xi32, #tpu.memory_space<vmem>> -> memref<1x128xi32, #tpu.memory_space<vmem>>
      %dma_start3A_188 = tpu.memref_squeeze %dma_start3A_187 : memref<1x128xi32, #tpu.memory_space<vmem>> -> memref<128xi32, #tpu.memory_space<vmem>>
      %dma_start3A_189 = arith.constant 0 : i32
      %dma_start3A_190 = tpu.memref_slice %arg3[%dma_start3A_189] : memref<100000xf32, #tpu.memory_space<hbm>> -> memref<100000xf32, #tpu.memory_space<hbm>>
      tpu.enqueue_indirect_dma source(%dma_start3A_190 : memref<100000xf32, #tpu.memory_space<hbm>>) target(%dma_start3A_185 : memref<128xf32, #tpu.memory_space<vmem>>) offsets(%dma_start3A_188 : memref<128xi32, #tpu.memory_space<vmem>>) semaphore(%arg18 : memref<!tpu.dma_semaphore, #tpu.memory_space<semaphore_mem>>)
      %dma_start3A_191 = arith.constant 5 : i32
      %dma_start3A_192 = arith.constant 640 : i32
      %dma_start3A_193 = tpu.memref_slice %arg14[%dma_start3A_192] : memref<2048xf32, #tpu.memory_space<vmem>> -> memref<128xf32, #tpu.memory_space<vmem>>
      %dma_start3A_194 = arith.constant 0 : i32
      %dma_start3A_195 = tpu.memref_slice %arg11[%dma_start3A_191, %dma_start3A_194] : memref<16x128xi32, #tpu.memory_space<vmem>> -> memref<1x128xi32, #tpu.memory_space<vmem>>
      %dma_start3A_196 = tpu.memref_squeeze %dma_start3A_195 : memref<1x128xi32, #tpu.memory_space<vmem>> -> memref<128xi32, #tpu.memory_space<vmem>>
      %dma_start3A_197 = arith.constant 0 : i32
      %dma_start3A_198 = tpu.memref_slice %arg2[%dma_start3A_197] : memref<100000xf32, #tpu.memory_space<hbm>> -> memref<100000xf32, #tpu.memory_space<hbm>>
      tpu.enqueue_indirect_dma source(%dma_start3A_198 : memref<100000xf32, #tpu.memory_space<hbm>>) target(%dma_start3A_193 : memref<128xf32, #tpu.memory_space<vmem>>) offsets(%dma_start3A_196 : memref<128xi32, #tpu.memory_space<vmem>>) semaphore(%arg18 : memref<!tpu.dma_semaphore, #tpu.memory_space<semaphore_mem>>)
      %dma_start3A_199 = arith.constant 5 : i32
      %dma_start3A_200 = arith.constant 640 : i32
      %dma_start3A_201 = tpu.memref_slice %arg15[%dma_start3A_200] : memref<2048xf32, #tpu.memory_space<vmem>> -> memref<128xf32, #tpu.memory_space<vmem>>
      %dma_start3A_202 = arith.constant 0 : i32
      %dma_start3A_203 = tpu.memref_slice %arg11[%dma_start3A_199, %dma_start3A_202] : memref<16x128xi32, #tpu.memory_space<vmem>> -> memref<1x128xi32, #tpu.memory_space<vmem>>
      %dma_start3A_204 = tpu.memref_squeeze %dma_start3A_203 : memref<1x128xi32, #tpu.memory_space<vmem>> -> memref<128xi32, #tpu.memory_space<vmem>>
      %dma_start3A_205 = arith.constant 0 : i32
      %dma_start3A_206 = tpu.memref_slice %arg3[%dma_start3A_205] : memref<100000xf32, #tpu.memory_space<hbm>> -> memref<100000xf32, #tpu.memory_space<hbm>>
      tpu.enqueue_indirect_dma source(%dma_start3A_206 : memref<100000xf32, #tpu.memory_space<hbm>>) target(%dma_start3A_201 : memref<128xf32, #tpu.memory_space<vmem>>) offsets(%dma_start3A_204 : memref<128xi32, #tpu.memory_space<vmem>>) semaphore(%arg18 : memref<!tpu.dma_semaphore, #tpu.memory_space<semaphore_mem>>)
      %dma_start3A_207 = arith.constant 6 : i32
      %dma_start3A_208 = arith.constant 768 : i32
      %dma_start3A_209 = tpu.memref_slice %arg12[%dma_start3A_208] : memref<2048xf32, #tpu.memory_space<vmem>> -> memref<128xf32, #tpu.memory_space<vmem>>
      %dma_start3A_210 = arith.constant 0 : i32
      %dma_start3A_211 = tpu.memref_slice %arg10[%dma_start3A_207, %dma_start3A_210] : memref<16x128xi32, #tpu.memory_space<vmem>> -> memref<1x128xi32, #tpu.memory_space<vmem>>
      %dma_start3A_212 = tpu.memref_squeeze %dma_start3A_211 : memref<1x128xi32, #tpu.memory_space<vmem>> -> memref<128xi32, #tpu.memory_space<vmem>>
      %dma_start3A_213 = arith.constant 0 : i32
      %dma_start3A_214 = tpu.memref_slice %arg2[%dma_start3A_213] : memref<100000xf32, #tpu.memory_space<hbm>> -> memref<100000xf32, #tpu.memory_space<hbm>>
      tpu.enqueue_indirect_dma source(%dma_start3A_214 : memref<100000xf32, #tpu.memory_space<hbm>>) target(%dma_start3A_209 : memref<128xf32, #tpu.memory_space<vmem>>) offsets(%dma_start3A_212 : memref<128xi32, #tpu.memory_space<vmem>>) semaphore(%arg18 : memref<!tpu.dma_semaphore, #tpu.memory_space<semaphore_mem>>)
      %dma_start3A_215 = arith.constant 6 : i32
      %dma_start3A_216 = arith.constant 768 : i32
      %dma_start3A_217 = tpu.memref_slice %arg13[%dma_start3A_216] : memref<2048xf32, #tpu.memory_space<vmem>> -> memref<128xf32, #tpu.memory_space<vmem>>
      %dma_start3A_218 = arith.constant 0 : i32
      %dma_start3A_219 = tpu.memref_slice %arg10[%dma_start3A_215, %dma_start3A_218] : memref<16x128xi32, #tpu.memory_space<vmem>> -> memref<1x128xi32, #tpu.memory_space<vmem>>
      %dma_start3A_220 = tpu.memref_squeeze %dma_start3A_219 : memref<1x128xi32, #tpu.memory_space<vmem>> -> memref<128xi32, #tpu.memory_space<vmem>>
      %dma_start3A_221 = arith.constant 0 : i32
      %dma_start3A_222 = tpu.memref_slice %arg3[%dma_start3A_221] : memref<100000xf32, #tpu.memory_space<hbm>> -> memref<100000xf32, #tpu.memory_space<hbm>>
      tpu.enqueue_indirect_dma source(%dma_start3A_222 : memref<100000xf32, #tpu.memory_space<hbm>>) target(%dma_start3A_217 : memref<128xf32, #tpu.memory_space<vmem>>) offsets(%dma_start3A_220 : memref<128xi32, #tpu.memory_space<vmem>>) semaphore(%arg18 : memref<!tpu.dma_semaphore, #tpu.memory_space<semaphore_mem>>)
      %dma_start3A_223 = arith.constant 6 : i32
      %dma_start3A_224 = arith.constant 768 : i32
      %dma_start3A_225 = tpu.memref_slice %arg14[%dma_start3A_224] : memref<2048xf32, #tpu.memory_space<vmem>> -> memref<128xf32, #tpu.memory_space<vmem>>
      %dma_start3A_226 = arith.constant 0 : i32
      %dma_start3A_227 = tpu.memref_slice %arg11[%dma_start3A_223, %dma_start3A_226] : memref<16x128xi32, #tpu.memory_space<vmem>> -> memref<1x128xi32, #tpu.memory_space<vmem>>
      %dma_start3A_228 = tpu.memref_squeeze %dma_start3A_227 : memref<1x128xi32, #tpu.memory_space<vmem>> -> memref<128xi32, #tpu.memory_space<vmem>>
      %dma_start3A_229 = arith.constant 0 : i32
      %dma_start3A_230 = tpu.memref_slice %arg2[%dma_start3A_229] : memref<100000xf32, #tpu.memory_space<hbm>> -> memref<100000xf32, #tpu.memory_space<hbm>>
      tpu.enqueue_indirect_dma source(%dma_start3A_230 : memref<100000xf32, #tpu.memory_space<hbm>>) target(%dma_start3A_225 : memref<128xf32, #tpu.memory_space<vmem>>) offsets(%dma_start3A_228 : memref<128xi32, #tpu.memory_space<vmem>>) semaphore(%arg18 : memref<!tpu.dma_semaphore, #tpu.memory_space<semaphore_mem>>)
      %dma_start3A_231 = arith.constant 6 : i32
      %dma_start3A_232 = arith.constant 768 : i32
      %dma_start3A_233 = tpu.memref_slice %arg15[%dma_start3A_232] : memref<2048xf32, #tpu.memory_space<vmem>> -> memref<128xf32, #tpu.memory_space<vmem>>
      %dma_start3A_234 = arith.constant 0 : i32
      %dma_start3A_235 = tpu.memref_slice %arg11[%dma_start3A_231, %dma_start3A_234] : memref<16x128xi32, #tpu.memory_space<vmem>> -> memref<1x128xi32, #tpu.memory_space<vmem>>
      %dma_start3A_236 = tpu.memref_squeeze %dma_start3A_235 : memref<1x128xi32, #tpu.memory_space<vmem>> -> memref<128xi32, #tpu.memory_space<vmem>>
      %dma_start3A_237 = arith.constant 0 : i32
      %dma_start3A_238 = tpu.memref_slice %arg3[%dma_start3A_237] : memref<100000xf32, #tpu.memory_space<hbm>> -> memref<100000xf32, #tpu.memory_space<hbm>>
      tpu.enqueue_indirect_dma source(%dma_start3A_238 : memref<100000xf32, #tpu.memory_space<hbm>>) target(%dma_start3A_233 : memref<128xf32, #tpu.memory_space<vmem>>) offsets(%dma_start3A_236 : memref<128xi32, #tpu.memory_space<vmem>>) semaphore(%arg18 : memref<!tpu.dma_semaphore, #tpu.memory_space<semaphore_mem>>)
      %dma_start3A_239 = arith.constant 7 : i32
      %dma_start3A_240 = arith.constant 896 : i32
      %dma_start3A_241 = tpu.memref_slice %arg12[%dma_start3A_240] : memref<2048xf32, #tpu.memory_space<vmem>> -> memref<128xf32, #tpu.memory_space<vmem>>
      %dma_start3A_242 = arith.constant 0 : i32
      %dma_start3A_243 = tpu.memref_slice %arg10[%dma_start3A_239, %dma_start3A_242] : memref<16x128xi32, #tpu.memory_space<vmem>> -> memref<1x128xi32, #tpu.memory_space<vmem>>
      %dma_start3A_244 = tpu.memref_squeeze %dma_start3A_243 : memref<1x128xi32, #tpu.memory_space<vmem>> -> memref<128xi32, #tpu.memory_space<vmem>>
      %dma_start3A_245 = arith.constant 0 : i32
      %dma_start3A_246 = tpu.memref_slice %arg2[%dma_start3A_245] : memref<100000xf32, #tpu.memory_space<hbm>> -> memref<100000xf32, #tpu.memory_space<hbm>>
      tpu.enqueue_indirect_dma source(%dma_start3A_246 : memref<100000xf32, #tpu.memory_space<hbm>>) target(%dma_start3A_241 : memref<128xf32, #tpu.memory_space<vmem>>) offsets(%dma_start3A_244 : memref<128xi32, #tpu.memory_space<vmem>>) semaphore(%arg18 : memref<!tpu.dma_semaphore, #tpu.memory_space<semaphore_mem>>)
      %dma_start3A_247 = arith.constant 7 : i32
      %dma_start3A_248 = arith.constant 896 : i32
      %dma_start3A_249 = tpu.memref_slice %arg13[%dma_start3A_248] : memref<2048xf32, #tpu.memory_space<vmem>> -> memref<128xf32, #tpu.memory_space<vmem>>
      %dma_start3A_250 = arith.constant 0 : i32
      %dma_start3A_251 = tpu.memref_slice %arg10[%dma_start3A_247, %dma_start3A_250] : memref<16x128xi32, #tpu.memory_space<vmem>> -> memref<1x128xi32, #tpu.memory_space<vmem>>
      %dma_start3A_252 = tpu.memref_squeeze %dma_start3A_251 : memref<1x128xi32, #tpu.memory_space<vmem>> -> memref<128xi32, #tpu.memory_space<vmem>>
      %dma_start3A_253 = arith.constant 0 : i32
      %dma_start3A_254 = tpu.memref_slice %arg3[%dma_start3A_253] : memref<100000xf32, #tpu.memory_space<hbm>> -> memref<100000xf32, #tpu.memory_space<hbm>>
      tpu.enqueue_indirect_dma source(%dma_start3A_254 : memref<100000xf32, #tpu.memory_space<hbm>>) target(%dma_start3A_249 : memref<128xf32, #tpu.memory_space<vmem>>) offsets(%dma_start3A_252 : memref<128xi32, #tpu.memory_space<vmem>>) semaphore(%arg18 : memref<!tpu.dma_semaphore, #tpu.memory_space<semaphore_mem>>)
      %dma_start3A_255 = arith.constant 7 : i32
      %dma_start3A_256 = arith.constant 896 : i32
      %dma_start3A_257 = tpu.memref_slice %arg14[%dma_start3A_256] : memref<2048xf32, #tpu.memory_space<vmem>> -> memref<128xf32, #tpu.memory_space<vmem>>
      %dma_start3A_258 = arith.constant 0 : i32
      %dma_start3A_259 = tpu.memref_slice %arg11[%dma_start3A_255, %dma_start3A_258] : memref<16x128xi32, #tpu.memory_space<vmem>> -> memref<1x128xi32, #tpu.memory_space<vmem>>
      %dma_start3A_260 = tpu.memref_squeeze %dma_start3A_259 : memref<1x128xi32, #tpu.memory_space<vmem>> -> memref<128xi32, #tpu.memory_space<vmem>>
      %dma_start3A_261 = arith.constant 0 : i32
      %dma_start3A_262 = tpu.memref_slice %arg2[%dma_start3A_261] : memref<100000xf32, #tpu.memory_space<hbm>> -> memref<100000xf32, #tpu.memory_space<hbm>>
      tpu.enqueue_indirect_dma source(%dma_start3A_262 : memref<100000xf32, #tpu.memory_space<hbm>>) target(%dma_start3A_257 : memref<128xf32, #tpu.memory_space<vmem>>) offsets(%dma_start3A_260 : memref<128xi32, #tpu.memory_space<vmem>>) semaphore(%arg18 : memref<!tpu.dma_semaphore, #tpu.memory_space<semaphore_mem>>)
      %dma_start3A_263 = arith.constant 7 : i32
      %dma_start3A_264 = arith.constant 896 : i32
      %dma_start3A_265 = tpu.memref_slice %arg15[%dma_start3A_264] : memref<2048xf32, #tpu.memory_space<vmem>> -> memref<128xf32, #tpu.memory_space<vmem>>
      %dma_start3A_266 = arith.constant 0 : i32
      %dma_start3A_267 = tpu.memref_slice %arg11[%dma_start3A_263, %dma_start3A_266] : memref<16x128xi32, #tpu.memory_space<vmem>> -> memref<1x128xi32, #tpu.memory_space<vmem>>
      %dma_start3A_268 = tpu.memref_squeeze %dma_start3A_267 : memref<1x128xi32, #tpu.memory_space<vmem>> -> memref<128xi32, #tpu.memory_space<vmem>>
      %dma_start3A_269 = arith.constant 0 : i32
      %dma_start3A_270 = tpu.memref_slice %arg3[%dma_start3A_269] : memref<100000xf32, #tpu.memory_space<hbm>> -> memref<100000xf32, #tpu.memory_space<hbm>>
      tpu.enqueue_indirect_dma source(%dma_start3A_270 : memref<100000xf32, #tpu.memory_space<hbm>>) target(%dma_start3A_265 : memref<128xf32, #tpu.memory_space<vmem>>) offsets(%dma_start3A_268 : memref<128xi32, #tpu.memory_space<vmem>>) semaphore(%arg18 : memref<!tpu.dma_semaphore, #tpu.memory_space<semaphore_mem>>)
      %dma_start3A_271 = arith.constant 8 : i32
      %dma_start3A_272 = arith.constant 1024 : i32
      %dma_start3A_273 = tpu.memref_slice %arg12[%dma_start3A_272] : memref<2048xf32, #tpu.memory_space<vmem>> -> memref<128xf32, #tpu.memory_space<vmem>>
      %dma_start3A_274 = arith.constant 0 : i32
      %dma_start3A_275 = tpu.memref_slice %arg10[%dma_start3A_271, %dma_start3A_274] : memref<16x128xi32, #tpu.memory_space<vmem>> -> memref<1x128xi32, #tpu.memory_space<vmem>>
      %dma_start3A_276 = tpu.memref_squeeze %dma_start3A_275 : memref<1x128xi32, #tpu.memory_space<vmem>> -> memref<128xi32, #tpu.memory_space<vmem>>
      %dma_start3A_277 = arith.constant 0 : i32
      %dma_start3A_278 = tpu.memref_slice %arg2[%dma_start3A_277] : memref<100000xf32, #tpu.memory_space<hbm>> -> memref<100000xf32, #tpu.memory_space<hbm>>
      tpu.enqueue_indirect_dma source(%dma_start3A_278 : memref<100000xf32, #tpu.memory_space<hbm>>) target(%dma_start3A_273 : memref<128xf32, #tpu.memory_space<vmem>>) offsets(%dma_start3A_276 : memref<128xi32, #tpu.memory_space<vmem>>) semaphore(%arg18 : memref<!tpu.dma_semaphore, #tpu.memory_space<semaphore_mem>>)
      %dma_start3A_279 = arith.constant 8 : i32
      %dma_start3A_280 = arith.constant 1024 : i32
      %dma_start3A_281 = tpu.memref_slice %arg13[%dma_start3A_280] : memref<2048xf32, #tpu.memory_space<vmem>> -> memref<128xf32, #tpu.memory_space<vmem>>
      %dma_start3A_282 = arith.constant 0 : i32
      %dma_start3A_283 = tpu.memref_slice %arg10[%dma_start3A_279, %dma_start3A_282] : memref<16x128xi32, #tpu.memory_space<vmem>> -> memref<1x128xi32, #tpu.memory_space<vmem>>
      %dma_start3A_284 = tpu.memref_squeeze %dma_start3A_283 : memref<1x128xi32, #tpu.memory_space<vmem>> -> memref<128xi32, #tpu.memory_space<vmem>>
      %dma_start3A_285 = arith.constant 0 : i32
      %dma_start3A_286 = tpu.memref_slice %arg3[%dma_start3A_285] : memref<100000xf32, #tpu.memory_space<hbm>> -> memref<100000xf32, #tpu.memory_space<hbm>>
      tpu.enqueue_indirect_dma source(%dma_start3A_286 : memref<100000xf32, #tpu.memory_space<hbm>>) target(%dma_start3A_281 : memref<128xf32, #tpu.memory_space<vmem>>) offsets(%dma_start3A_284 : memref<128xi32, #tpu.memory_space<vmem>>) semaphore(%arg18 : memref<!tpu.dma_semaphore, #tpu.memory_space<semaphore_mem>>)
      %dma_start3A_287 = arith.constant 8 : i32
      %dma_start3A_288 = arith.constant 1024 : i32
      %dma_start3A_289 = tpu.memref_slice %arg14[%dma_start3A_288] : memref<2048xf32, #tpu.memory_space<vmem>> -> memref<128xf32, #tpu.memory_space<vmem>>
      %dma_start3A_290 = arith.constant 0 : i32
      %dma_start3A_291 = tpu.memref_slice %arg11[%dma_start3A_287, %dma_start3A_290] : memref<16x128xi32, #tpu.memory_space<vmem>> -> memref<1x128xi32, #tpu.memory_space<vmem>>
      %dma_start3A_292 = tpu.memref_squeeze %dma_start3A_291 : memref<1x128xi32, #tpu.memory_space<vmem>> -> memref<128xi32, #tpu.memory_space<vmem>>
      %dma_start3A_293 = arith.constant 0 : i32
      %dma_start3A_294 = tpu.memref_slice %arg2[%dma_start3A_293] : memref<100000xf32, #tpu.memory_space<hbm>> -> memref<100000xf32, #tpu.memory_space<hbm>>
      tpu.enqueue_indirect_dma source(%dma_start3A_294 : memref<100000xf32, #tpu.memory_space<hbm>>) target(%dma_start3A_289 : memref<128xf32, #tpu.memory_space<vmem>>) offsets(%dma_start3A_292 : memref<128xi32, #tpu.memory_space<vmem>>) semaphore(%arg18 : memref<!tpu.dma_semaphore, #tpu.memory_space<semaphore_mem>>)
      %dma_start3A_295 = arith.constant 8 : i32
      %dma_start3A_296 = arith.constant 1024 : i32
      %dma_start3A_297 = tpu.memref_slice %arg15[%dma_start3A_296] : memref<2048xf32, #tpu.memory_space<vmem>> -> memref<128xf32, #tpu.memory_space<vmem>>
      %dma_start3A_298 = arith.constant 0 : i32
      %dma_start3A_299 = tpu.memref_slice %arg11[%dma_start3A_295, %dma_start3A_298] : memref<16x128xi32, #tpu.memory_space<vmem>> -> memref<1x128xi32, #tpu.memory_space<vmem>>
      %dma_start3A_300 = tpu.memref_squeeze %dma_start3A_299 : memref<1x128xi32, #tpu.memory_space<vmem>> -> memref<128xi32, #tpu.memory_space<vmem>>
      %dma_start3A_301 = arith.constant 0 : i32
      %dma_start3A_302 = tpu.memref_slice %arg3[%dma_start3A_301] : memref<100000xf32, #tpu.memory_space<hbm>> -> memref<100000xf32, #tpu.memory_space<hbm>>
      tpu.enqueue_indirect_dma source(%dma_start3A_302 : memref<100000xf32, #tpu.memory_space<hbm>>) target(%dma_start3A_297 : memref<128xf32, #tpu.memory_space<vmem>>) offsets(%dma_start3A_300 : memref<128xi32, #tpu.memory_space<vmem>>) semaphore(%arg18 : memref<!tpu.dma_semaphore, #tpu.memory_space<semaphore_mem>>)
      %dma_start3A_303 = arith.constant 9 : i32
      %dma_start3A_304 = arith.constant 1152 : i32
      %dma_start3A_305 = tpu.memref_slice %arg12[%dma_start3A_304] : memref<2048xf32, #tpu.memory_space<vmem>> -> memref<128xf32, #tpu.memory_space<vmem>>
      %dma_start3A_306 = arith.constant 0 : i32
      %dma_start3A_307 = tpu.memref_slice %arg10[%dma_start3A_303, %dma_start3A_306] : memref<16x128xi32, #tpu.memory_space<vmem>> -> memref<1x128xi32, #tpu.memory_space<vmem>>
      %dma_start3A_308 = tpu.memref_squeeze %dma_start3A_307 : memref<1x128xi32, #tpu.memory_space<vmem>> -> memref<128xi32, #tpu.memory_space<vmem>>
      %dma_start3A_309 = arith.constant 0 : i32
      %dma_start3A_310 = tpu.memref_slice %arg2[%dma_start3A_309] : memref<100000xf32, #tpu.memory_space<hbm>> -> memref<100000xf32, #tpu.memory_space<hbm>>
      tpu.enqueue_indirect_dma source(%dma_start3A_310 : memref<100000xf32, #tpu.memory_space<hbm>>) target(%dma_start3A_305 : memref<128xf32, #tpu.memory_space<vmem>>) offsets(%dma_start3A_308 : memref<128xi32, #tpu.memory_space<vmem>>) semaphore(%arg18 : memref<!tpu.dma_semaphore, #tpu.memory_space<semaphore_mem>>)
      %dma_start3A_311 = arith.constant 9 : i32
      %dma_start3A_312 = arith.constant 1152 : i32
      %dma_start3A_313 = tpu.memref_slice %arg13[%dma_start3A_312] : memref<2048xf32, #tpu.memory_space<vmem>> -> memref<128xf32, #tpu.memory_space<vmem>>
      %dma_start3A_314 = arith.constant 0 : i32
      %dma_start3A_315 = tpu.memref_slice %arg10[%dma_start3A_311, %dma_start3A_314] : memref<16x128xi32, #tpu.memory_space<vmem>> -> memref<1x128xi32, #tpu.memory_space<vmem>>
      %dma_start3A_316 = tpu.memref_squeeze %dma_start3A_315 : memref<1x128xi32, #tpu.memory_space<vmem>> -> memref<128xi32, #tpu.memory_space<vmem>>
      %dma_start3A_317 = arith.constant 0 : i32
      %dma_start3A_318 = tpu.memref_slice %arg3[%dma_start3A_317] : memref<100000xf32, #tpu.memory_space<hbm>> -> memref<100000xf32, #tpu.memory_space<hbm>>
      tpu.enqueue_indirect_dma source(%dma_start3A_318 : memref<100000xf32, #tpu.memory_space<hbm>>) target(%dma_start3A_313 : memref<128xf32, #tpu.memory_space<vmem>>) offsets(%dma_start3A_316 : memref<128xi32, #tpu.memory_space<vmem>>) semaphore(%arg18 : memref<!tpu.dma_semaphore, #tpu.memory_space<semaphore_mem>>)
      %dma_start3A_319 = arith.constant 9 : i32
      %dma_start3A_320 = arith.constant 1152 : i32
      %dma_start3A_321 = tpu.memref_slice %arg14[%dma_start3A_320] : memref<2048xf32, #tpu.memory_space<vmem>> -> memref<128xf32, #tpu.memory_space<vmem>>
      %dma_start3A_322 = arith.constant 0 : i32
      %dma_start3A_323 = tpu.memref_slice %arg11[%dma_start3A_319, %dma_start3A_322] : memref<16x128xi32, #tpu.memory_space<vmem>> -> memref<1x128xi32, #tpu.memory_space<vmem>>
      %dma_start3A_324 = tpu.memref_squeeze %dma_start3A_323 : memref<1x128xi32, #tpu.memory_space<vmem>> -> memref<128xi32, #tpu.memory_space<vmem>>
      %dma_start3A_325 = arith.constant 0 : i32
      %dma_start3A_326 = tpu.memref_slice %arg2[%dma_start3A_325] : memref<100000xf32, #tpu.memory_space<hbm>> -> memref<100000xf32, #tpu.memory_space<hbm>>
      tpu.enqueue_indirect_dma source(%dma_start3A_326 : memref<100000xf32, #tpu.memory_space<hbm>>) target(%dma_start3A_321 : memref<128xf32, #tpu.memory_space<vmem>>) offsets(%dma_start3A_324 : memref<128xi32, #tpu.memory_space<vmem>>) semaphore(%arg18 : memref<!tpu.dma_semaphore, #tpu.memory_space<semaphore_mem>>)
      %dma_start3A_327 = arith.constant 9 : i32
      %dma_start3A_328 = arith.constant 1152 : i32
      %dma_start3A_329 = tpu.memref_slice %arg15[%dma_start3A_328] : memref<2048xf32, #tpu.memory_space<vmem>> -> memref<128xf32, #tpu.memory_space<vmem>>
      %dma_start3A_330 = arith.constant 0 : i32
      %dma_start3A_331 = tpu.memref_slice %arg11[%dma_start3A_327, %dma_start3A_330] : memref<16x128xi32, #tpu.memory_space<vmem>> -> memref<1x128xi32, #tpu.memory_space<vmem>>
      %dma_start3A_332 = tpu.memref_squeeze %dma_start3A_331 : memref<1x128xi32, #tpu.memory_space<vmem>> -> memref<128xi32, #tpu.memory_space<vmem>>
      %dma_start3A_333 = arith.constant 0 : i32
      %dma_start3A_334 = tpu.memref_slice %arg3[%dma_start3A_333] : memref<100000xf32, #tpu.memory_space<hbm>> -> memref<100000xf32, #tpu.memory_space<hbm>>
      tpu.enqueue_indirect_dma source(%dma_start3A_334 : memref<100000xf32, #tpu.memory_space<hbm>>) target(%dma_start3A_329 : memref<128xf32, #tpu.memory_space<vmem>>) offsets(%dma_start3A_332 : memref<128xi32, #tpu.memory_space<vmem>>) semaphore(%arg18 : memref<!tpu.dma_semaphore, #tpu.memory_space<semaphore_mem>>)
      %dma_start3A_335 = arith.constant 10 : i32
      %dma_start3A_336 = arith.constant 1280 : i32
      %dma_start3A_337 = tpu.memref_slice %arg12[%dma_start3A_336] : memref<2048xf32, #tpu.memory_space<vmem>> -> memref<128xf32, #tpu.memory_space<vmem>>
      %dma_start3A_338 = arith.constant 0 : i32
      %dma_start3A_339 = tpu.memref_slice %arg10[%dma_start3A_335, %dma_start3A_338] : memref<16x128xi32, #tpu.memory_space<vmem>> -> memref<1x128xi32, #tpu.memory_space<vmem>>
      %dma_start3A_340 = tpu.memref_squeeze %dma_start3A_339 : memref<1x128xi32, #tpu.memory_space<vmem>> -> memref<128xi32, #tpu.memory_space<vmem>>
      %dma_start3A_341 = arith.constant 0 : i32
      %dma_start3A_342 = tpu.memref_slice %arg2[%dma_start3A_341] : memref<100000xf32, #tpu.memory_space<hbm>> -> memref<100000xf32, #tpu.memory_space<hbm>>
      tpu.enqueue_indirect_dma source(%dma_start3A_342 : memref<100000xf32, #tpu.memory_space<hbm>>) target(%dma_start3A_337 : memref<128xf32, #tpu.memory_space<vmem>>) offsets(%dma_start3A_340 : memref<128xi32, #tpu.memory_space<vmem>>) semaphore(%arg18 : memref<!tpu.dma_semaphore, #tpu.memory_space<semaphore_mem>>)
      %dma_start3A_343 = arith.constant 10 : i32
      %dma_start3A_344 = arith.constant 1280 : i32
      %dma_start3A_345 = tpu.memref_slice %arg13[%dma_start3A_344] : memref<2048xf32, #tpu.memory_space<vmem>> -> memref<128xf32, #tpu.memory_space<vmem>>
      %dma_start3A_346 = arith.constant 0 : i32
      %dma_start3A_347 = tpu.memref_slice %arg10[%dma_start3A_343, %dma_start3A_346] : memref<16x128xi32, #tpu.memory_space<vmem>> -> memref<1x128xi32, #tpu.memory_space<vmem>>
      %dma_start3A_348 = tpu.memref_squeeze %dma_start3A_347 : memref<1x128xi32, #tpu.memory_space<vmem>> -> memref<128xi32, #tpu.memory_space<vmem>>
      %dma_start3A_349 = arith.constant 0 : i32
      %dma_start3A_350 = tpu.memref_slice %arg3[%dma_start3A_349] : memref<100000xf32, #tpu.memory_space<hbm>> -> memref<100000xf32, #tpu.memory_space<hbm>>
      tpu.enqueue_indirect_dma source(%dma_start3A_350 : memref<100000xf32, #tpu.memory_space<hbm>>) target(%dma_start3A_345 : memref<128xf32, #tpu.memory_space<vmem>>) offsets(%dma_start3A_348 : memref<128xi32, #tpu.memory_space<vmem>>) semaphore(%arg18 : memref<!tpu.dma_semaphore, #tpu.memory_space<semaphore_mem>>)
      %dma_start3A_351 = arith.constant 10 : i32
      %dma_start3A_352 = arith.constant 1280 : i32
      %dma_start3A_353 = tpu.memref_slice %arg14[%dma_start3A_352] : memref<2048xf32, #tpu.memory_space<vmem>> -> memref<128xf32, #tpu.memory_space<vmem>>
      %dma_start3A_354 = arith.constant 0 : i32
      %dma_start3A_355 = tpu.memref_slice %arg11[%dma_start3A_351, %dma_start3A_354] : memref<16x128xi32, #tpu.memory_space<vmem>> -> memref<1x128xi32, #tpu.memory_space<vmem>>
      %dma_start3A_356 = tpu.memref_squeeze %dma_start3A_355 : memref<1x128xi32, #tpu.memory_space<vmem>> -> memref<128xi32, #tpu.memory_space<vmem>>
      %dma_start3A_357 = arith.constant 0 : i32
      %dma_start3A_358 = tpu.memref_slice %arg2[%dma_start3A_357] : memref<100000xf32, #tpu.memory_space<hbm>> -> memref<100000xf32, #tpu.memory_space<hbm>>
      tpu.enqueue_indirect_dma source(%dma_start3A_358 : memref<100000xf32, #tpu.memory_space<hbm>>) target(%dma_start3A_353 : memref<128xf32, #tpu.memory_space<vmem>>) offsets(%dma_start3A_356 : memref<128xi32, #tpu.memory_space<vmem>>) semaphore(%arg18 : memref<!tpu.dma_semaphore, #tpu.memory_space<semaphore_mem>>)
      %dma_start3A_359 = arith.constant 10 : i32
      %dma_start3A_360 = arith.constant 1280 : i32
      %dma_start3A_361 = tpu.memref_slice %arg15[%dma_start3A_360] : memref<2048xf32, #tpu.memory_space<vmem>> -> memref<128xf32, #tpu.memory_space<vmem>>
      %dma_start3A_362 = arith.constant 0 : i32
      %dma_start3A_363 = tpu.memref_slice %arg11[%dma_start3A_359, %dma_start3A_362] : memref<16x128xi32, #tpu.memory_space<vmem>> -> memref<1x128xi32, #tpu.memory_space<vmem>>
      %dma_start3A_364 = tpu.memref_squeeze %dma_start3A_363 : memref<1x128xi32, #tpu.memory_space<vmem>> -> memref<128xi32, #tpu.memory_space<vmem>>
      %dma_start3A_365 = arith.constant 0 : i32
      %dma_start3A_366 = tpu.memref_slice %arg3[%dma_start3A_365] : memref<100000xf32, #tpu.memory_space<hbm>> -> memref<100000xf32, #tpu.memory_space<hbm>>
      tpu.enqueue_indirect_dma source(%dma_start3A_366 : memref<100000xf32, #tpu.memory_space<hbm>>) target(%dma_start3A_361 : memref<128xf32, #tpu.memory_space<vmem>>) offsets(%dma_start3A_364 : memref<128xi32, #tpu.memory_space<vmem>>) semaphore(%arg18 : memref<!tpu.dma_semaphore, #tpu.memory_space<semaphore_mem>>)
      %dma_start3A_367 = arith.constant 11 : i32
      %dma_start3A_368 = arith.constant 1408 : i32
      %dma_start3A_369 = tpu.memref_slice %arg12[%dma_start3A_368] : memref<2048xf32, #tpu.memory_space<vmem>> -> memref<128xf32, #tpu.memory_space<vmem>>
      %dma_start3A_370 = arith.constant 0 : i32
      %dma_start3A_371 = tpu.memref_slice %arg10[%dma_start3A_367, %dma_start3A_370] : memref<16x128xi32, #tpu.memory_space<vmem>> -> memref<1x128xi32, #tpu.memory_space<vmem>>
      %dma_start3A_372 = tpu.memref_squeeze %dma_start3A_371 : memref<1x128xi32, #tpu.memory_space<vmem>> -> memref<128xi32, #tpu.memory_space<vmem>>
      %dma_start3A_373 = arith.constant 0 : i32
      %dma_start3A_374 = tpu.memref_slice %arg2[%dma_start3A_373] : memref<100000xf32, #tpu.memory_space<hbm>> -> memref<100000xf32, #tpu.memory_space<hbm>>
      tpu.enqueue_indirect_dma source(%dma_start3A_374 : memref<100000xf32, #tpu.memory_space<hbm>>) target(%dma_start3A_369 : memref<128xf32, #tpu.memory_space<vmem>>) offsets(%dma_start3A_372 : memref<128xi32, #tpu.memory_space<vmem>>) semaphore(%arg18 : memref<!tpu.dma_semaphore, #tpu.memory_space<semaphore_mem>>)
      %dma_start3A_375 = arith.constant 11 : i32
      %dma_start3A_376 = arith.constant 1408 : i32
      %dma_start3A_377 = tpu.memref_slice %arg13[%dma_start3A_376] : memref<2048xf32, #tpu.memory_space<vmem>> -> memref<128xf32, #tpu.memory_space<vmem>>
      %dma_start3A_378 = arith.constant 0 : i32
      %dma_start3A_379 = tpu.memref_slice %arg10[%dma_start3A_375, %dma_start3A_378] : memref<16x128xi32, #tpu.memory_space<vmem>> -> memref<1x128xi32, #tpu.memory_space<vmem>>
      %dma_start3A_380 = tpu.memref_squeeze %dma_start3A_379 : memref<1x128xi32, #tpu.memory_space<vmem>> -> memref<128xi32, #tpu.memory_space<vmem>>
      %dma_start3A_381 = arith.constant 0 : i32
      %dma_start3A_382 = tpu.memref_slice %arg3[%dma_start3A_381] : memref<100000xf32, #tpu.memory_space<hbm>> -> memref<100000xf32, #tpu.memory_space<hbm>>
      tpu.enqueue_indirect_dma source(%dma_start3A_382 : memref<100000xf32, #tpu.memory_space<hbm>>) target(%dma_start3A_377 : memref<128xf32, #tpu.memory_space<vmem>>) offsets(%dma_start3A_380 : memref<128xi32, #tpu.memory_space<vmem>>) semaphore(%arg18 : memref<!tpu.dma_semaphore, #tpu.memory_space<semaphore_mem>>)
      %dma_start3A_383 = arith.constant 11 : i32
      %dma_start3A_384 = arith.constant 1408 : i32
      %dma_start3A_385 = tpu.memref_slice %arg14[%dma_start3A_384] : memref<2048xf32, #tpu.memory_space<vmem>> -> memref<128xf32, #tpu.memory_space<vmem>>
      %dma_start3A_386 = arith.constant 0 : i32
      %dma_start3A_387 = tpu.memref_slice %arg11[%dma_start3A_383, %dma_start3A_386] : memref<16x128xi32, #tpu.memory_space<vmem>> -> memref<1x128xi32, #tpu.memory_space<vmem>>
      %dma_start3A_388 = tpu.memref_squeeze %dma_start3A_387 : memref<1x128xi32, #tpu.memory_space<vmem>> -> memref<128xi32, #tpu.memory_space<vmem>>
      %dma_start3A_389 = arith.constant 0 : i32
      %dma_start3A_390 = tpu.memref_slice %arg2[%dma_start3A_389] : memref<100000xf32, #tpu.memory_space<hbm>> -> memref<100000xf32, #tpu.memory_space<hbm>>
      tpu.enqueue_indirect_dma source(%dma_start3A_390 : memref<100000xf32, #tpu.memory_space<hbm>>) target(%dma_start3A_385 : memref<128xf32, #tpu.memory_space<vmem>>) offsets(%dma_start3A_388 : memref<128xi32, #tpu.memory_space<vmem>>) semaphore(%arg18 : memref<!tpu.dma_semaphore, #tpu.memory_space<semaphore_mem>>)
      %dma_start3A_391 = arith.constant 11 : i32
      %dma_start3A_392 = arith.constant 1408 : i32
      %dma_start3A_393 = tpu.memref_slice %arg15[%dma_start3A_392] : memref<2048xf32, #tpu.memory_space<vmem>> -> memref<128xf32, #tpu.memory_space<vmem>>
      %dma_start3A_394 = arith.constant 0 : i32
      %dma_start3A_395 = tpu.memref_slice %arg11[%dma_start3A_391, %dma_start3A_394] : memref<16x128xi32, #tpu.memory_space<vmem>> -> memref<1x128xi32, #tpu.memory_space<vmem>>
      %dma_start3A_396 = tpu.memref_squeeze %dma_start3A_395 : memref<1x128xi32, #tpu.memory_space<vmem>> -> memref<128xi32, #tpu.memory_space<vmem>>
      %dma_start3A_397 = arith.constant 0 : i32
      %dma_start3A_398 = tpu.memref_slice %arg3[%dma_start3A_397] : memref<100000xf32, #tpu.memory_space<hbm>> -> memref<100000xf32, #tpu.memory_space<hbm>>
      tpu.enqueue_indirect_dma source(%dma_start3A_398 : memref<100000xf32, #tpu.memory_space<hbm>>) target(%dma_start3A_393 : memref<128xf32, #tpu.memory_space<vmem>>) offsets(%dma_start3A_396 : memref<128xi32, #tpu.memory_space<vmem>>) semaphore(%arg18 : memref<!tpu.dma_semaphore, #tpu.memory_space<semaphore_mem>>)
      %dma_start3A_399 = arith.constant 12 : i32
      %dma_start3A_400 = arith.constant 1536 : i32
      %dma_start3A_401 = tpu.memref_slice %arg12[%dma_start3A_400] : memref<2048xf32, #tpu.memory_space<vmem>> -> memref<128xf32, #tpu.memory_space<vmem>>
      %dma_start3A_402 = arith.constant 0 : i32
      %dma_start3A_403 = tpu.memref_slice %arg10[%dma_start3A_399, %dma_start3A_402] : memref<16x128xi32, #tpu.memory_space<vmem>> -> memref<1x128xi32, #tpu.memory_space<vmem>>
      %dma_start3A_404 = tpu.memref_squeeze %dma_start3A_403 : memref<1x128xi32, #tpu.memory_space<vmem>> -> memref<128xi32, #tpu.memory_space<vmem>>
      %dma_start3A_405 = arith.constant 0 : i32
      %dma_start3A_406 = tpu.memref_slice %arg2[%dma_start3A_405] : memref<100000xf32, #tpu.memory_space<hbm>> -> memref<100000xf32, #tpu.memory_space<hbm>>
      tpu.enqueue_indirect_dma source(%dma_start3A_406 : memref<100000xf32, #tpu.memory_space<hbm>>) target(%dma_start3A_401 : memref<128xf32, #tpu.memory_space<vmem>>) offsets(%dma_start3A_404 : memref<128xi32, #tpu.memory_space<vmem>>) semaphore(%arg18 : memref<!tpu.dma_semaphore, #tpu.memory_space<semaphore_mem>>)
      %dma_start3A_407 = arith.constant 12 : i32
      %dma_start3A_408 = arith.constant 1536 : i32
      %dma_start3A_409 = tpu.memref_slice %arg13[%dma_start3A_408] : memref<2048xf32, #tpu.memory_space<vmem>> -> memref<128xf32, #tpu.memory_space<vmem>>
      %dma_start3A_410 = arith.constant 0 : i32
      %dma_start3A_411 = tpu.memref_slice %arg10[%dma_start3A_407, %dma_start3A_410] : memref<16x128xi32, #tpu.memory_space<vmem>> -> memref<1x128xi32, #tpu.memory_space<vmem>>
      %dma_start3A_412 = tpu.memref_squeeze %dma_start3A_411 : memref<1x128xi32, #tpu.memory_space<vmem>> -> memref<128xi32, #tpu.memory_space<vmem>>
      %dma_start3A_413 = arith.constant 0 : i32
      %dma_start3A_414 = tpu.memref_slice %arg3[%dma_start3A_413] : memref<100000xf32, #tpu.memory_space<hbm>> -> memref<100000xf32, #tpu.memory_space<hbm>>
      tpu.enqueue_indirect_dma source(%dma_start3A_414 : memref<100000xf32, #tpu.memory_space<hbm>>) target(%dma_start3A_409 : memref<128xf32, #tpu.memory_space<vmem>>) offsets(%dma_start3A_412 : memref<128xi32, #tpu.memory_space<vmem>>) semaphore(%arg18 : memref<!tpu.dma_semaphore, #tpu.memory_space<semaphore_mem>>)
      %dma_start3A_415 = arith.constant 12 : i32
      %dma_start3A_416 = arith.constant 1536 : i32
      %dma_start3A_417 = tpu.memref_slice %arg14[%dma_start3A_416] : memref<2048xf32, #tpu.memory_space<vmem>> -> memref<128xf32, #tpu.memory_space<vmem>>
      %dma_start3A_418 = arith.constant 0 : i32
      %dma_start3A_419 = tpu.memref_slice %arg11[%dma_start3A_415, %dma_start3A_418] : memref<16x128xi32, #tpu.memory_space<vmem>> -> memref<1x128xi32, #tpu.memory_space<vmem>>
      %dma_start3A_420 = tpu.memref_squeeze %dma_start3A_419 : memref<1x128xi32, #tpu.memory_space<vmem>> -> memref<128xi32, #tpu.memory_space<vmem>>
      %dma_start3A_421 = arith.constant 0 : i32
      %dma_start3A_422 = tpu.memref_slice %arg2[%dma_start3A_421] : memref<100000xf32, #tpu.memory_space<hbm>> -> memref<100000xf32, #tpu.memory_space<hbm>>
      tpu.enqueue_indirect_dma source(%dma_start3A_422 : memref<100000xf32, #tpu.memory_space<hbm>>) target(%dma_start3A_417 : memref<128xf32, #tpu.memory_space<vmem>>) offsets(%dma_start3A_420 : memref<128xi32, #tpu.memory_space<vmem>>) semaphore(%arg18 : memref<!tpu.dma_semaphore, #tpu.memory_space<semaphore_mem>>)
      %dma_start3A_423 = arith.constant 12 : i32
      %dma_start3A_424 = arith.constant 1536 : i32
      %dma_start3A_425 = tpu.memref_slice %arg15[%dma_start3A_424] : memref<2048xf32, #tpu.memory_space<vmem>> -> memref<128xf32, #tpu.memory_space<vmem>>
      %dma_start3A_426 = arith.constant 0 : i32
      %dma_start3A_427 = tpu.memref_slice %arg11[%dma_start3A_423, %dma_start3A_426] : memref<16x128xi32, #tpu.memory_space<vmem>> -> memref<1x128xi32, #tpu.memory_space<vmem>>
      %dma_start3A_428 = tpu.memref_squeeze %dma_start3A_427 : memref<1x128xi32, #tpu.memory_space<vmem>> -> memref<128xi32, #tpu.memory_space<vmem>>
      %dma_start3A_429 = arith.constant 0 : i32
      %dma_start3A_430 = tpu.memref_slice %arg3[%dma_start3A_429] : memref<100000xf32, #tpu.memory_space<hbm>> -> memref<100000xf32, #tpu.memory_space<hbm>>
      tpu.enqueue_indirect_dma source(%dma_start3A_430 : memref<100000xf32, #tpu.memory_space<hbm>>) target(%dma_start3A_425 : memref<128xf32, #tpu.memory_space<vmem>>) offsets(%dma_start3A_428 : memref<128xi32, #tpu.memory_space<vmem>>) semaphore(%arg18 : memref<!tpu.dma_semaphore, #tpu.memory_space<semaphore_mem>>)
      %dma_start3A_431 = arith.constant 13 : i32
      %dma_start3A_432 = arith.constant 1664 : i32
      %dma_start3A_433 = tpu.memref_slice %arg12[%dma_start3A_432] : memref<2048xf32, #tpu.memory_space<vmem>> -> memref<128xf32, #tpu.memory_space<vmem>>
      %dma_start3A_434 = arith.constant 0 : i32
      %dma_start3A_435 = tpu.memref_slice %arg10[%dma_start3A_431, %dma_start3A_434] : memref<16x128xi32, #tpu.memory_space<vmem>> -> memref<1x128xi32, #tpu.memory_space<vmem>>
      %dma_start3A_436 = tpu.memref_squeeze %dma_start3A_435 : memref<1x128xi32, #tpu.memory_space<vmem>> -> memref<128xi32, #tpu.memory_space<vmem>>
      %dma_start3A_437 = arith.constant 0 : i32
      %dma_start3A_438 = tpu.memref_slice %arg2[%dma_start3A_437] : memref<100000xf32, #tpu.memory_space<hbm>> -> memref<100000xf32, #tpu.memory_space<hbm>>
      tpu.enqueue_indirect_dma source(%dma_start3A_438 : memref<100000xf32, #tpu.memory_space<hbm>>) target(%dma_start3A_433 : memref<128xf32, #tpu.memory_space<vmem>>) offsets(%dma_start3A_436 : memref<128xi32, #tpu.memory_space<vmem>>) semaphore(%arg18 : memref<!tpu.dma_semaphore, #tpu.memory_space<semaphore_mem>>)
      %dma_start3A_439 = arith.constant 13 : i32
      %dma_start3A_440 = arith.constant 1664 : i32
      %dma_start3A_441 = tpu.memref_slice %arg13[%dma_start3A_440] : memref<2048xf32, #tpu.memory_space<vmem>> -> memref<128xf32, #tpu.memory_space<vmem>>
      %dma_start3A_442 = arith.constant 0 : i32
      %dma_start3A_443 = tpu.memref_slice %arg10[%dma_start3A_439, %dma_start3A_442] : memref<16x128xi32, #tpu.memory_space<vmem>> -> memref<1x128xi32, #tpu.memory_space<vmem>>
      %dma_start3A_444 = tpu.memref_squeeze %dma_start3A_443 : memref<1x128xi32, #tpu.memory_space<vmem>> -> memref<128xi32, #tpu.memory_space<vmem>>
      %dma_start3A_445 = arith.constant 0 : i32
      %dma_start3A_446 = tpu.memref_slice %arg3[%dma_start3A_445] : memref<100000xf32, #tpu.memory_space<hbm>> -> memref<100000xf32, #tpu.memory_space<hbm>>
      tpu.enqueue_indirect_dma source(%dma_start3A_446 : memref<100000xf32, #tpu.memory_space<hbm>>) target(%dma_start3A_441 : memref<128xf32, #tpu.memory_space<vmem>>) offsets(%dma_start3A_444 : memref<128xi32, #tpu.memory_space<vmem>>) semaphore(%arg18 : memref<!tpu.dma_semaphore, #tpu.memory_space<semaphore_mem>>)
      %dma_start3A_447 = arith.constant 13 : i32
      %dma_start3A_448 = arith.constant 1664 : i32
      %dma_start3A_449 = tpu.memref_slice %arg14[%dma_start3A_448] : memref<2048xf32, #tpu.memory_space<vmem>> -> memref<128xf32, #tpu.memory_space<vmem>>
      %dma_start3A_450 = arith.constant 0 : i32
      %dma_start3A_451 = tpu.memref_slice %arg11[%dma_start3A_447, %dma_start3A_450] : memref<16x128xi32, #tpu.memory_space<vmem>> -> memref<1x128xi32, #tpu.memory_space<vmem>>
      %dma_start3A_452 = tpu.memref_squeeze %dma_start3A_451 : memref<1x128xi32, #tpu.memory_space<vmem>> -> memref<128xi32, #tpu.memory_space<vmem>>
      %dma_start3A_453 = arith.constant 0 : i32
      %dma_start3A_454 = tpu.memref_slice %arg2[%dma_start3A_453] : memref<100000xf32, #tpu.memory_space<hbm>> -> memref<100000xf32, #tpu.memory_space<hbm>>
      tpu.enqueue_indirect_dma source(%dma_start3A_454 : memref<100000xf32, #tpu.memory_space<hbm>>) target(%dma_start3A_449 : memref<128xf32, #tpu.memory_space<vmem>>) offsets(%dma_start3A_452 : memref<128xi32, #tpu.memory_space<vmem>>) semaphore(%arg18 : memref<!tpu.dma_semaphore, #tpu.memory_space<semaphore_mem>>)
      %dma_start3A_455 = arith.constant 13 : i32
      %dma_start3A_456 = arith.constant 1664 : i32
      %dma_start3A_457 = tpu.memref_slice %arg15[%dma_start3A_456] : memref<2048xf32, #tpu.memory_space<vmem>> -> memref<128xf32, #tpu.memory_space<vmem>>
      %dma_start3A_458 = arith.constant 0 : i32
      %dma_start3A_459 = tpu.memref_slice %arg11[%dma_start3A_455, %dma_start3A_458] : memref<16x128xi32, #tpu.memory_space<vmem>> -> memref<1x128xi32, #tpu.memory_space<vmem>>
      %dma_start3A_460 = tpu.memref_squeeze %dma_start3A_459 : memref<1x128xi32, #tpu.memory_space<vmem>> -> memref<128xi32, #tpu.memory_space<vmem>>
      %dma_start3A_461 = arith.constant 0 : i32
      %dma_start3A_462 = tpu.memref_slice %arg3[%dma_start3A_461] : memref<100000xf32, #tpu.memory_space<hbm>> -> memref<100000xf32, #tpu.memory_space<hbm>>
      tpu.enqueue_indirect_dma source(%dma_start3A_462 : memref<100000xf32, #tpu.memory_space<hbm>>) target(%dma_start3A_457 : memref<128xf32, #tpu.memory_space<vmem>>) offsets(%dma_start3A_460 : memref<128xi32, #tpu.memory_space<vmem>>) semaphore(%arg18 : memref<!tpu.dma_semaphore, #tpu.memory_space<semaphore_mem>>)
      %dma_start3A_463 = arith.constant 14 : i32
      %dma_start3A_464 = arith.constant 1792 : i32
      %dma_start3A_465 = tpu.memref_slice %arg12[%dma_start3A_464] : memref<2048xf32, #tpu.memory_space<vmem>> -> memref<128xf32, #tpu.memory_space<vmem>>
      %dma_start3A_466 = arith.constant 0 : i32
      %dma_start3A_467 = tpu.memref_slice %arg10[%dma_start3A_463, %dma_start3A_466] : memref<16x128xi32, #tpu.memory_space<vmem>> -> memref<1x128xi32, #tpu.memory_space<vmem>>
      %dma_start3A_468 = tpu.memref_squeeze %dma_start3A_467 : memref<1x128xi32, #tpu.memory_space<vmem>> -> memref<128xi32, #tpu.memory_space<vmem>>
      %dma_start3A_469 = arith.constant 0 : i32
      %dma_start3A_470 = tpu.memref_slice %arg2[%dma_start3A_469] : memref<100000xf32, #tpu.memory_space<hbm>> -> memref<100000xf32, #tpu.memory_space<hbm>>
      tpu.enqueue_indirect_dma source(%dma_start3A_470 : memref<100000xf32, #tpu.memory_space<hbm>>) target(%dma_start3A_465 : memref<128xf32, #tpu.memory_space<vmem>>) offsets(%dma_start3A_468 : memref<128xi32, #tpu.memory_space<vmem>>) semaphore(%arg18 : memref<!tpu.dma_semaphore, #tpu.memory_space<semaphore_mem>>)
      %dma_start3A_471 = arith.constant 14 : i32
      %dma_start3A_472 = arith.constant 1792 : i32
      %dma_start3A_473 = tpu.memref_slice %arg13[%dma_start3A_472] : memref<2048xf32, #tpu.memory_space<vmem>> -> memref<128xf32, #tpu.memory_space<vmem>>
      %dma_start3A_474 = arith.constant 0 : i32
      %dma_start3A_475 = tpu.memref_slice %arg10[%dma_start3A_471, %dma_start3A_474] : memref<16x128xi32, #tpu.memory_space<vmem>> -> memref<1x128xi32, #tpu.memory_space<vmem>>
      %dma_start3A_476 = tpu.memref_squeeze %dma_start3A_475 : memref<1x128xi32, #tpu.memory_space<vmem>> -> memref<128xi32, #tpu.memory_space<vmem>>
      %dma_start3A_477 = arith.constant 0 : i32
      %dma_start3A_478 = tpu.memref_slice %arg3[%dma_start3A_477] : memref<100000xf32, #tpu.memory_space<hbm>> -> memref<100000xf32, #tpu.memory_space<hbm>>
      tpu.enqueue_indirect_dma source(%dma_start3A_478 : memref<100000xf32, #tpu.memory_space<hbm>>) target(%dma_start3A_473 : memref<128xf32, #tpu.memory_space<vmem>>) offsets(%dma_start3A_476 : memref<128xi32, #tpu.memory_space<vmem>>) semaphore(%arg18 : memref<!tpu.dma_semaphore, #tpu.memory_space<semaphore_mem>>)
      %dma_start3A_479 = arith.constant 14 : i32
      %dma_start3A_480 = arith.constant 1792 : i32
      %dma_start3A_481 = tpu.memref_slice %arg14[%dma_start3A_480] : memref<2048xf32, #tpu.memory_space<vmem>> -> memref<128xf32, #tpu.memory_space<vmem>>
      %dma_start3A_482 = arith.constant 0 : i32
      %dma_start3A_483 = tpu.memref_slice %arg11[%dma_start3A_479, %dma_start3A_482] : memref<16x128xi32, #tpu.memory_space<vmem>> -> memref<1x128xi32, #tpu.memory_space<vmem>>
      %dma_start3A_484 = tpu.memref_squeeze %dma_start3A_483 : memref<1x128xi32, #tpu.memory_space<vmem>> -> memref<128xi32, #tpu.memory_space<vmem>>
      %dma_start3A_485 = arith.constant 0 : i32
      %dma_start3A_486 = tpu.memref_slice %arg2[%dma_start3A_485] : memref<100000xf32, #tpu.memory_space<hbm>> -> memref<100000xf32, #tpu.memory_space<hbm>>
      tpu.enqueue_indirect_dma source(%dma_start3A_486 : memref<100000xf32, #tpu.memory_space<hbm>>) target(%dma_start3A_481 : memref<128xf32, #tpu.memory_space<vmem>>) offsets(%dma_start3A_484 : memref<128xi32, #tpu.memory_space<vmem>>) semaphore(%arg18 : memref<!tpu.dma_semaphore, #tpu.memory_space<semaphore_mem>>)
      %dma_start3A_487 = arith.constant 14 : i32
      %dma_start3A_488 = arith.constant 1792 : i32
      %dma_start3A_489 = tpu.memref_slice %arg15[%dma_start3A_488] : memref<2048xf32, #tpu.memory_space<vmem>> -> memref<128xf32, #tpu.memory_space<vmem>>
      %dma_start3A_490 = arith.constant 0 : i32
      %dma_start3A_491 = tpu.memref_slice %arg11[%dma_start3A_487, %dma_start3A_490] : memref<16x128xi32, #tpu.memory_space<vmem>> -> memref<1x128xi32, #tpu.memory_space<vmem>>
      %dma_start3A_492 = tpu.memref_squeeze %dma_start3A_491 : memref<1x128xi32, #tpu.memory_space<vmem>> -> memref<128xi32, #tpu.memory_space<vmem>>
      %dma_start3A_493 = arith.constant 0 : i32
      %dma_start3A_494 = tpu.memref_slice %arg3[%dma_start3A_493] : memref<100000xf32, #tpu.memory_space<hbm>> -> memref<100000xf32, #tpu.memory_space<hbm>>
      tpu.enqueue_indirect_dma source(%dma_start3A_494 : memref<100000xf32, #tpu.memory_space<hbm>>) target(%dma_start3A_489 : memref<128xf32, #tpu.memory_space<vmem>>) offsets(%dma_start3A_492 : memref<128xi32, #tpu.memory_space<vmem>>) semaphore(%arg18 : memref<!tpu.dma_semaphore, #tpu.memory_space<semaphore_mem>>)
      %dma_start3A_495 = arith.constant 15 : i32
      %dma_start3A_496 = arith.constant 1920 : i32
      %dma_start3A_497 = tpu.memref_slice %arg12[%dma_start3A_496] : memref<2048xf32, #tpu.memory_space<vmem>> -> memref<128xf32, #tpu.memory_space<vmem>>
      %dma_start3A_498 = arith.constant 0 : i32
      %dma_start3A_499 = tpu.memref_slice %arg10[%dma_start3A_495, %dma_start3A_498] : memref<16x128xi32, #tpu.memory_space<vmem>> -> memref<1x128xi32, #tpu.memory_space<vmem>>
      %dma_start3A_500 = tpu.memref_squeeze %dma_start3A_499 : memref<1x128xi32, #tpu.memory_space<vmem>> -> memref<128xi32, #tpu.memory_space<vmem>>
      %dma_start3A_501 = arith.constant 0 : i32
      %dma_start3A_502 = tpu.memref_slice %arg2[%dma_start3A_501] : memref<100000xf32, #tpu.memory_space<hbm>> -> memref<100000xf32, #tpu.memory_space<hbm>>
      tpu.enqueue_indirect_dma source(%dma_start3A_502 : memref<100000xf32, #tpu.memory_space<hbm>>) target(%dma_start3A_497 : memref<128xf32, #tpu.memory_space<vmem>>) offsets(%dma_start3A_500 : memref<128xi32, #tpu.memory_space<vmem>>) semaphore(%arg18 : memref<!tpu.dma_semaphore, #tpu.memory_space<semaphore_mem>>)
      %dma_start3A_503 = arith.constant 15 : i32
      %dma_start3A_504 = arith.constant 1920 : i32
      %dma_start3A_505 = tpu.memref_slice %arg13[%dma_start3A_504] : memref<2048xf32, #tpu.memory_space<vmem>> -> memref<128xf32, #tpu.memory_space<vmem>>
      %dma_start3A_506 = arith.constant 0 : i32
      %dma_start3A_507 = tpu.memref_slice %arg10[%dma_start3A_503, %dma_start3A_506] : memref<16x128xi32, #tpu.memory_space<vmem>> -> memref<1x128xi32, #tpu.memory_space<vmem>>
      %dma_start3A_508 = tpu.memref_squeeze %dma_start3A_507 : memref<1x128xi32, #tpu.memory_space<vmem>> -> memref<128xi32, #tpu.memory_space<vmem>>
      %dma_start3A_509 = arith.constant 0 : i32
      %dma_start3A_510 = tpu.memref_slice %arg3[%dma_start3A_509] : memref<100000xf32, #tpu.memory_space<hbm>> -> memref<100000xf32, #tpu.memory_space<hbm>>
      tpu.enqueue_indirect_dma source(%dma_start3A_510 : memref<100000xf32, #tpu.memory_space<hbm>>) target(%dma_start3A_505 : memref<128xf32, #tpu.memory_space<vmem>>) offsets(%dma_start3A_508 : memref<128xi32, #tpu.memory_space<vmem>>) semaphore(%arg18 : memref<!tpu.dma_semaphore, #tpu.memory_space<semaphore_mem>>)
      %dma_start3A_511 = arith.constant 15 : i32
      %dma_start3A_512 = arith.constant 1920 : i32
      %dma_start3A_513 = tpu.memref_slice %arg14[%dma_start3A_512] : memref<2048xf32, #tpu.memory_space<vmem>> -> memref<128xf32, #tpu.memory_space<vmem>>
      %dma_start3A_514 = arith.constant 0 : i32
      %dma_start3A_515 = tpu.memref_slice %arg11[%dma_start3A_511, %dma_start3A_514] : memref<16x128xi32, #tpu.memory_space<vmem>> -> memref<1x128xi32, #tpu.memory_space<vmem>>
      %dma_start3A_516 = tpu.memref_squeeze %dma_start3A_515 : memref<1x128xi32, #tpu.memory_space<vmem>> -> memref<128xi32, #tpu.memory_space<vmem>>
      %dma_start3A_517 = arith.constant 0 : i32
      %dma_start3A_518 = tpu.memref_slice %arg2[%dma_start3A_517] : memref<100000xf32, #tpu.memory_space<hbm>> -> memref<100000xf32, #tpu.memory_space<hbm>>
      tpu.enqueue_indirect_dma source(%dma_start3A_518 : memref<100000xf32, #tpu.memory_space<hbm>>) target(%dma_start3A_513 : memref<128xf32, #tpu.memory_space<vmem>>) offsets(%dma_start3A_516 : memref<128xi32, #tpu.memory_space<vmem>>) semaphore(%arg18 : memref<!tpu.dma_semaphore, #tpu.memory_space<semaphore_mem>>)
      %dma_start3A_519 = arith.constant 15 : i32
      %dma_start3A_520 = arith.constant 1920 : i32
      %dma_start3A_521 = tpu.memref_slice %arg15[%dma_start3A_520] : memref<2048xf32, #tpu.memory_space<vmem>> -> memref<128xf32, #tpu.memory_space<vmem>>
      %dma_start3A_522 = arith.constant 0 : i32
      %dma_start3A_523 = tpu.memref_slice %arg11[%dma_start3A_519, %dma_start3A_522] : memref<16x128xi32, #tpu.memory_space<vmem>> -> memref<1x128xi32, #tpu.memory_space<vmem>>
      %dma_start3A_524 = tpu.memref_squeeze %dma_start3A_523 : memref<1x128xi32, #tpu.memory_space<vmem>> -> memref<128xi32, #tpu.memory_space<vmem>>
      %dma_start3A_525 = arith.constant 0 : i32
      %dma_start3A_526 = tpu.memref_slice %arg3[%dma_start3A_525] : memref<100000xf32, #tpu.memory_space<hbm>> -> memref<100000xf32, #tpu.memory_space<hbm>>
      tpu.enqueue_indirect_dma source(%dma_start3A_526 : memref<100000xf32, #tpu.memory_space<hbm>>) target(%dma_start3A_521 : memref<128xf32, #tpu.memory_space<vmem>>) offsets(%dma_start3A_524 : memref<128xi32, #tpu.memory_space<vmem>>) semaphore(%arg18 : memref<!tpu.dma_semaphore, #tpu.memory_space<semaphore_mem>>)
      %dma_wait3A = arith.constant 0 : i32
      %dma_wait3A_527 = arith.constant 0 : i32
      %dma_wait3A_528 = tpu.memref_slice %arg12[%dma_wait3A_527] : memref<2048xf32, #tpu.memory_space<vmem>> -> memref<128xf32, #tpu.memory_space<vmem>>
      %dma_wait3A_529 = arith.constant 0 : i32
      %dma_wait3A_530 = tpu.memref_slice %arg10[%dma_wait3A, %dma_wait3A_529] : memref<16x128xi32, #tpu.memory_space<vmem>> -> memref<1x128xi32, #tpu.memory_space<vmem>>
      %dma_wait3A_531 = tpu.memref_squeeze %dma_wait3A_530 : memref<1x128xi32, #tpu.memory_space<vmem>> -> memref<128xi32, #tpu.memory_space<vmem>>
      %dma_wait3A_532 = arith.constant 0 : i32
      %dma_wait3A_533 = tpu.memref_slice %arg2[%dma_wait3A_532] : memref<100000xf32, #tpu.memory_space<hbm>> -> memref<100000xf32, #tpu.memory_space<hbm>>
      tpu.wait_indirect_dma semaphore(%arg18 : memref<!tpu.dma_semaphore, #tpu.memory_space<semaphore_mem>>) src(%dma_wait3A_533 : memref<100000xf32, #tpu.memory_space<hbm>>) dst(%dma_wait3A_528 : memref<128xf32, #tpu.memory_space<vmem>>)
      %dma_wait3A_534 = arith.constant 0 : i32
      %dma_wait3A_535 = arith.constant 0 : i32
      %dma_wait3A_536 = tpu.memref_slice %arg13[%dma_wait3A_535] : memref<2048xf32, #tpu.memory_space<vmem>> -> memref<128xf32, #tpu.memory_space<vmem>>
      %dma_wait3A_537 = arith.constant 0 : i32
      %dma_wait3A_538 = tpu.memref_slice %arg10[%dma_wait3A_534, %dma_wait3A_537] : memref<16x128xi32, #tpu.memory_space<vmem>> -> memref<1x128xi32, #tpu.memory_space<vmem>>
      %dma_wait3A_539 = tpu.memref_squeeze %dma_wait3A_538 : memref<1x128xi32, #tpu.memory_space<vmem>> -> memref<128xi32, #tpu.memory_space<vmem>>
      %dma_wait3A_540 = arith.constant 0 : i32
      %dma_wait3A_541 = tpu.memref_slice %arg3[%dma_wait3A_540] : memref<100000xf32, #tpu.memory_space<hbm>> -> memref<100000xf32, #tpu.memory_space<hbm>>
      tpu.wait_indirect_dma semaphore(%arg18 : memref<!tpu.dma_semaphore, #tpu.memory_space<semaphore_mem>>) src(%dma_wait3A_541 : memref<100000xf32, #tpu.memory_space<hbm>>) dst(%dma_wait3A_536 : memref<128xf32, #tpu.memory_space<vmem>>)
      %dma_wait3A_542 = arith.constant 0 : i32
      %dma_wait3A_543 = arith.constant 0 : i32
      %dma_wait3A_544 = tpu.memref_slice %arg14[%dma_wait3A_543] : memref<2048xf32, #tpu.memory_space<vmem>> -> memref<128xf32, #tpu.memory_space<vmem>>
      %dma_wait3A_545 = arith.constant 0 : i32
      %dma_wait3A_546 = tpu.memref_slice %arg11[%dma_wait3A_542, %dma_wait3A_545] : memref<16x128xi32, #tpu.memory_space<vmem>> -> memref<1x128xi32, #tpu.memory_space<vmem>>
      %dma_wait3A_547 = tpu.memref_squeeze %dma_wait3A_546 : memref<1x128xi32, #tpu.memory_space<vmem>> -> memref<128xi32, #tpu.memory_space<vmem>>
      %dma_wait3A_548 = arith.constant 0 : i32
      %dma_wait3A_549 = tpu.memref_slice %arg2[%dma_wait3A_548] : memref<100000xf32, #tpu.memory_space<hbm>> -> memref<100000xf32, #tpu.memory_space<hbm>>
      tpu.wait_indirect_dma semaphore(%arg18 : memref<!tpu.dma_semaphore, #tpu.memory_space<semaphore_mem>>) src(%dma_wait3A_549 : memref<100000xf32, #tpu.memory_space<hbm>>) dst(%dma_wait3A_544 : memref<128xf32, #tpu.memory_space<vmem>>)
      %dma_wait3A_550 = arith.constant 0 : i32
      %dma_wait3A_551 = arith.constant 0 : i32
      %dma_wait3A_552 = tpu.memref_slice %arg15[%dma_wait3A_551] : memref<2048xf32, #tpu.memory_space<vmem>> -> memref<128xf32, #tpu.memory_space<vmem>>
      %dma_wait3A_553 = arith.constant 0 : i32
      %dma_wait3A_554 = tpu.memref_slice %arg11[%dma_wait3A_550, %dma_wait3A_553] : memref<16x128xi32, #tpu.memory_space<vmem>> -> memref<1x128xi32, #tpu.memory_space<vmem>>
      %dma_wait3A_555 = tpu.memref_squeeze %dma_wait3A_554 : memref<1x128xi32, #tpu.memory_space<vmem>> -> memref<128xi32, #tpu.memory_space<vmem>>
      %dma_wait3A_556 = arith.constant 0 : i32
      %dma_wait3A_557 = tpu.memref_slice %arg3[%dma_wait3A_556] : memref<100000xf32, #tpu.memory_space<hbm>> -> memref<100000xf32, #tpu.memory_space<hbm>>
      tpu.wait_indirect_dma semaphore(%arg18 : memref<!tpu.dma_semaphore, #tpu.memory_space<semaphore_mem>>) src(%dma_wait3A_557 : memref<100000xf32, #tpu.memory_space<hbm>>) dst(%dma_wait3A_552 : memref<128xf32, #tpu.memory_space<vmem>>)
      %dma_wait3A_558 = arith.constant 1 : i32
      %dma_wait3A_559 = arith.constant 128 : i32
      %dma_wait3A_560 = tpu.memref_slice %arg12[%dma_wait3A_559] : memref<2048xf32, #tpu.memory_space<vmem>> -> memref<128xf32, #tpu.memory_space<vmem>>
      %dma_wait3A_561 = arith.constant 0 : i32
      %dma_wait3A_562 = tpu.memref_slice %arg10[%dma_wait3A_558, %dma_wait3A_561] : memref<16x128xi32, #tpu.memory_space<vmem>> -> memref<1x128xi32, #tpu.memory_space<vmem>>
      %dma_wait3A_563 = tpu.memref_squeeze %dma_wait3A_562 : memref<1x128xi32, #tpu.memory_space<vmem>> -> memref<128xi32, #tpu.memory_space<vmem>>
      %dma_wait3A_564 = arith.constant 0 : i32
      %dma_wait3A_565 = tpu.memref_slice %arg2[%dma_wait3A_564] : memref<100000xf32, #tpu.memory_space<hbm>> -> memref<100000xf32, #tpu.memory_space<hbm>>
      tpu.wait_indirect_dma semaphore(%arg18 : memref<!tpu.dma_semaphore, #tpu.memory_space<semaphore_mem>>) src(%dma_wait3A_565 : memref<100000xf32, #tpu.memory_space<hbm>>) dst(%dma_wait3A_560 : memref<128xf32, #tpu.memory_space<vmem>>)
      %dma_wait3A_566 = arith.constant 1 : i32
      %dma_wait3A_567 = arith.constant 128 : i32
      %dma_wait3A_568 = tpu.memref_slice %arg13[%dma_wait3A_567] : memref<2048xf32, #tpu.memory_space<vmem>> -> memref<128xf32, #tpu.memory_space<vmem>>
      %dma_wait3A_569 = arith.constant 0 : i32
      %dma_wait3A_570 = tpu.memref_slice %arg10[%dma_wait3A_566, %dma_wait3A_569] : memref<16x128xi32, #tpu.memory_space<vmem>> -> memref<1x128xi32, #tpu.memory_space<vmem>>
      %dma_wait3A_571 = tpu.memref_squeeze %dma_wait3A_570 : memref<1x128xi32, #tpu.memory_space<vmem>> -> memref<128xi32, #tpu.memory_space<vmem>>
      %dma_wait3A_572 = arith.constant 0 : i32
      %dma_wait3A_573 = tpu.memref_slice %arg3[%dma_wait3A_572] : memref<100000xf32, #tpu.memory_space<hbm>> -> memref<100000xf32, #tpu.memory_space<hbm>>
      tpu.wait_indirect_dma semaphore(%arg18 : memref<!tpu.dma_semaphore, #tpu.memory_space<semaphore_mem>>) src(%dma_wait3A_573 : memref<100000xf32, #tpu.memory_space<hbm>>) dst(%dma_wait3A_568 : memref<128xf32, #tpu.memory_space<vmem>>)
      %dma_wait3A_574 = arith.constant 1 : i32
      %dma_wait3A_575 = arith.constant 128 : i32
      %dma_wait3A_576 = tpu.memref_slice %arg14[%dma_wait3A_575] : memref<2048xf32, #tpu.memory_space<vmem>> -> memref<128xf32, #tpu.memory_space<vmem>>
      %dma_wait3A_577 = arith.constant 0 : i32
      %dma_wait3A_578 = tpu.memref_slice %arg11[%dma_wait3A_574, %dma_wait3A_577] : memref<16x128xi32, #tpu.memory_space<vmem>> -> memref<1x128xi32, #tpu.memory_space<vmem>>
      %dma_wait3A_579 = tpu.memref_squeeze %dma_wait3A_578 : memref<1x128xi32, #tpu.memory_space<vmem>> -> memref<128xi32, #tpu.memory_space<vmem>>
      %dma_wait3A_580 = arith.constant 0 : i32
      %dma_wait3A_581 = tpu.memref_slice %arg2[%dma_wait3A_580] : memref<100000xf32, #tpu.memory_space<hbm>> -> memref<100000xf32, #tpu.memory_space<hbm>>
      tpu.wait_indirect_dma semaphore(%arg18 : memref<!tpu.dma_semaphore, #tpu.memory_space<semaphore_mem>>) src(%dma_wait3A_581 : memref<100000xf32, #tpu.memory_space<hbm>>) dst(%dma_wait3A_576 : memref<128xf32, #tpu.memory_space<vmem>>)
      %dma_wait3A_582 = arith.constant 1 : i32
      %dma_wait3A_583 = arith.constant 128 : i32
      %dma_wait3A_584 = tpu.memref_slice %arg15[%dma_wait3A_583] : memref<2048xf32, #tpu.memory_space<vmem>> -> memref<128xf32, #tpu.memory_space<vmem>>
      %dma_wait3A_585 = arith.constant 0 : i32
      %dma_wait3A_586 = tpu.memref_slice %arg11[%dma_wait3A_582, %dma_wait3A_585] : memref<16x128xi32, #tpu.memory_space<vmem>> -> memref<1x128xi32, #tpu.memory_space<vmem>>
      %dma_wait3A_587 = tpu.memref_squeeze %dma_wait3A_586 : memref<1x128xi32, #tpu.memory_space<vmem>> -> memref<128xi32, #tpu.memory_space<vmem>>
      %dma_wait3A_588 = arith.constant 0 : i32
      %dma_wait3A_589 = tpu.memref_slice %arg3[%dma_wait3A_588] : memref<100000xf32, #tpu.memory_space<hbm>> -> memref<100000xf32, #tpu.memory_space<hbm>>
      tpu.wait_indirect_dma semaphore(%arg18 : memref<!tpu.dma_semaphore, #tpu.memory_space<semaphore_mem>>) src(%dma_wait3A_589 : memref<100000xf32, #tpu.memory_space<hbm>>) dst(%dma_wait3A_584 : memref<128xf32, #tpu.memory_space<vmem>>)
      %dma_wait3A_590 = arith.constant 2 : i32
      %dma_wait3A_591 = arith.constant 256 : i32
      %dma_wait3A_592 = tpu.memref_slice %arg12[%dma_wait3A_591] : memref<2048xf32, #tpu.memory_space<vmem>> -> memref<128xf32, #tpu.memory_space<vmem>>
      %dma_wait3A_593 = arith.constant 0 : i32
      %dma_wait3A_594 = tpu.memref_slice %arg10[%dma_wait3A_590, %dma_wait3A_593] : memref<16x128xi32, #tpu.memory_space<vmem>> -> memref<1x128xi32, #tpu.memory_space<vmem>>
      %dma_wait3A_595 = tpu.memref_squeeze %dma_wait3A_594 : memref<1x128xi32, #tpu.memory_space<vmem>> -> memref<128xi32, #tpu.memory_space<vmem>>
      %dma_wait3A_596 = arith.constant 0 : i32
      %dma_wait3A_597 = tpu.memref_slice %arg2[%dma_wait3A_596] : memref<100000xf32, #tpu.memory_space<hbm>> -> memref<100000xf32, #tpu.memory_space<hbm>>
      tpu.wait_indirect_dma semaphore(%arg18 : memref<!tpu.dma_semaphore, #tpu.memory_space<semaphore_mem>>) src(%dma_wait3A_597 : memref<100000xf32, #tpu.memory_space<hbm>>) dst(%dma_wait3A_592 : memref<128xf32, #tpu.memory_space<vmem>>)
      %dma_wait3A_598 = arith.constant 2 : i32
      %dma_wait3A_599 = arith.constant 256 : i32
      %dma_wait3A_600 = tpu.memref_slice %arg13[%dma_wait3A_599] : memref<2048xf32, #tpu.memory_space<vmem>> -> memref<128xf32, #tpu.memory_space<vmem>>
      %dma_wait3A_601 = arith.constant 0 : i32
      %dma_wait3A_602 = tpu.memref_slice %arg10[%dma_wait3A_598, %dma_wait3A_601] : memref<16x128xi32, #tpu.memory_space<vmem>> -> memref<1x128xi32, #tpu.memory_space<vmem>>
      %dma_wait3A_603 = tpu.memref_squeeze %dma_wait3A_602 : memref<1x128xi32, #tpu.memory_space<vmem>> -> memref<128xi32, #tpu.memory_space<vmem>>
      %dma_wait3A_604 = arith.constant 0 : i32
      %dma_wait3A_605 = tpu.memref_slice %arg3[%dma_wait3A_604] : memref<100000xf32, #tpu.memory_space<hbm>> -> memref<100000xf32, #tpu.memory_space<hbm>>
      tpu.wait_indirect_dma semaphore(%arg18 : memref<!tpu.dma_semaphore, #tpu.memory_space<semaphore_mem>>) src(%dma_wait3A_605 : memref<100000xf32, #tpu.memory_space<hbm>>) dst(%dma_wait3A_600 : memref<128xf32, #tpu.memory_space<vmem>>)
      %dma_wait3A_606 = arith.constant 2 : i32
      %dma_wait3A_607 = arith.constant 256 : i32
      %dma_wait3A_608 = tpu.memref_slice %arg14[%dma_wait3A_607] : memref<2048xf32, #tpu.memory_space<vmem>> -> memref<128xf32, #tpu.memory_space<vmem>>
      %dma_wait3A_609 = arith.constant 0 : i32
      %dma_wait3A_610 = tpu.memref_slice %arg11[%dma_wait3A_606, %dma_wait3A_609] : memref<16x128xi32, #tpu.memory_space<vmem>> -> memref<1x128xi32, #tpu.memory_space<vmem>>
      %dma_wait3A_611 = tpu.memref_squeeze %dma_wait3A_610 : memref<1x128xi32, #tpu.memory_space<vmem>> -> memref<128xi32, #tpu.memory_space<vmem>>
      %dma_wait3A_612 = arith.constant 0 : i32
      %dma_wait3A_613 = tpu.memref_slice %arg2[%dma_wait3A_612] : memref<100000xf32, #tpu.memory_space<hbm>> -> memref<100000xf32, #tpu.memory_space<hbm>>
      tpu.wait_indirect_dma semaphore(%arg18 : memref<!tpu.dma_semaphore, #tpu.memory_space<semaphore_mem>>) src(%dma_wait3A_613 : memref<100000xf32, #tpu.memory_space<hbm>>) dst(%dma_wait3A_608 : memref<128xf32, #tpu.memory_space<vmem>>)
      %dma_wait3A_614 = arith.constant 2 : i32
      %dma_wait3A_615 = arith.constant 256 : i32
      %dma_wait3A_616 = tpu.memref_slice %arg15[%dma_wait3A_615] : memref<2048xf32, #tpu.memory_space<vmem>> -> memref<128xf32, #tpu.memory_space<vmem>>
      %dma_wait3A_617 = arith.constant 0 : i32
      %dma_wait3A_618 = tpu.memref_slice %arg11[%dma_wait3A_614, %dma_wait3A_617] : memref<16x128xi32, #tpu.memory_space<vmem>> -> memref<1x128xi32, #tpu.memory_space<vmem>>
      %dma_wait3A_619 = tpu.memref_squeeze %dma_wait3A_618 : memref<1x128xi32, #tpu.memory_space<vmem>> -> memref<128xi32, #tpu.memory_space<vmem>>
      %dma_wait3A_620 = arith.constant 0 : i32
      %dma_wait3A_621 = tpu.memref_slice %arg3[%dma_wait3A_620] : memref<100000xf32, #tpu.memory_space<hbm>> -> memref<100000xf32, #tpu.memory_space<hbm>>
      tpu.wait_indirect_dma semaphore(%arg18 : memref<!tpu.dma_semaphore, #tpu.memory_space<semaphore_mem>>) src(%dma_wait3A_621 : memref<100000xf32, #tpu.memory_space<hbm>>) dst(%dma_wait3A_616 : memref<128xf32, #tpu.memory_space<vmem>>)
      %dma_wait3A_622 = arith.constant 3 : i32
      %dma_wait3A_623 = arith.constant 384 : i32
      %dma_wait3A_624 = tpu.memref_slice %arg12[%dma_wait3A_623] : memref<2048xf32, #tpu.memory_space<vmem>> -> memref<128xf32, #tpu.memory_space<vmem>>
      %dma_wait3A_625 = arith.constant 0 : i32
      %dma_wait3A_626 = tpu.memref_slice %arg10[%dma_wait3A_622, %dma_wait3A_625] : memref<16x128xi32, #tpu.memory_space<vmem>> -> memref<1x128xi32, #tpu.memory_space<vmem>>
      %dma_wait3A_627 = tpu.memref_squeeze %dma_wait3A_626 : memref<1x128xi32, #tpu.memory_space<vmem>> -> memref<128xi32, #tpu.memory_space<vmem>>
      %dma_wait3A_628 = arith.constant 0 : i32
      %dma_wait3A_629 = tpu.memref_slice %arg2[%dma_wait3A_628] : memref<100000xf32, #tpu.memory_space<hbm>> -> memref<100000xf32, #tpu.memory_space<hbm>>
      tpu.wait_indirect_dma semaphore(%arg18 : memref<!tpu.dma_semaphore, #tpu.memory_space<semaphore_mem>>) src(%dma_wait3A_629 : memref<100000xf32, #tpu.memory_space<hbm>>) dst(%dma_wait3A_624 : memref<128xf32, #tpu.memory_space<vmem>>)
      %dma_wait3A_630 = arith.constant 3 : i32
      %dma_wait3A_631 = arith.constant 384 : i32
      %dma_wait3A_632 = tpu.memref_slice %arg13[%dma_wait3A_631] : memref<2048xf32, #tpu.memory_space<vmem>> -> memref<128xf32, #tpu.memory_space<vmem>>
      %dma_wait3A_633 = arith.constant 0 : i32
      %dma_wait3A_634 = tpu.memref_slice %arg10[%dma_wait3A_630, %dma_wait3A_633] : memref<16x128xi32, #tpu.memory_space<vmem>> -> memref<1x128xi32, #tpu.memory_space<vmem>>
      %dma_wait3A_635 = tpu.memref_squeeze %dma_wait3A_634 : memref<1x128xi32, #tpu.memory_space<vmem>> -> memref<128xi32, #tpu.memory_space<vmem>>
      %dma_wait3A_636 = arith.constant 0 : i32
      %dma_wait3A_637 = tpu.memref_slice %arg3[%dma_wait3A_636] : memref<100000xf32, #tpu.memory_space<hbm>> -> memref<100000xf32, #tpu.memory_space<hbm>>
      tpu.wait_indirect_dma semaphore(%arg18 : memref<!tpu.dma_semaphore, #tpu.memory_space<semaphore_mem>>) src(%dma_wait3A_637 : memref<100000xf32, #tpu.memory_space<hbm>>) dst(%dma_wait3A_632 : memref<128xf32, #tpu.memory_space<vmem>>)
      %dma_wait3A_638 = arith.constant 3 : i32
      %dma_wait3A_639 = arith.constant 384 : i32
      %dma_wait3A_640 = tpu.memref_slice %arg14[%dma_wait3A_639] : memref<2048xf32, #tpu.memory_space<vmem>> -> memref<128xf32, #tpu.memory_space<vmem>>
      %dma_wait3A_641 = arith.constant 0 : i32
      %dma_wait3A_642 = tpu.memref_slice %arg11[%dma_wait3A_638, %dma_wait3A_641] : memref<16x128xi32, #tpu.memory_space<vmem>> -> memref<1x128xi32, #tpu.memory_space<vmem>>
      %dma_wait3A_643 = tpu.memref_squeeze %dma_wait3A_642 : memref<1x128xi32, #tpu.memory_space<vmem>> -> memref<128xi32, #tpu.memory_space<vmem>>
      %dma_wait3A_644 = arith.constant 0 : i32
      %dma_wait3A_645 = tpu.memref_slice %arg2[%dma_wait3A_644] : memref<100000xf32, #tpu.memory_space<hbm>> -> memref<100000xf32, #tpu.memory_space<hbm>>
      tpu.wait_indirect_dma semaphore(%arg18 : memref<!tpu.dma_semaphore, #tpu.memory_space<semaphore_mem>>) src(%dma_wait3A_645 : memref<100000xf32, #tpu.memory_space<hbm>>) dst(%dma_wait3A_640 : memref<128xf32, #tpu.memory_space<vmem>>)
      %dma_wait3A_646 = arith.constant 3 : i32
      %dma_wait3A_647 = arith.constant 384 : i32
      %dma_wait3A_648 = tpu.memref_slice %arg15[%dma_wait3A_647] : memref<2048xf32, #tpu.memory_space<vmem>> -> memref<128xf32, #tpu.memory_space<vmem>>
      %dma_wait3A_649 = arith.constant 0 : i32
      %dma_wait3A_650 = tpu.memref_slice %arg11[%dma_wait3A_646, %dma_wait3A_649] : memref<16x128xi32, #tpu.memory_space<vmem>> -> memref<1x128xi32, #tpu.memory_space<vmem>>
      %dma_wait3A_651 = tpu.memref_squeeze %dma_wait3A_650 : memref<1x128xi32, #tpu.memory_space<vmem>> -> memref<128xi32, #tpu.memory_space<vmem>>
      %dma_wait3A_652 = arith.constant 0 : i32
      %dma_wait3A_653 = tpu.memref_slice %arg3[%dma_wait3A_652] : memref<100000xf32, #tpu.memory_space<hbm>> -> memref<100000xf32, #tpu.memory_space<hbm>>
      tpu.wait_indirect_dma semaphore(%arg18 : memref<!tpu.dma_semaphore, #tpu.memory_space<semaphore_mem>>) src(%dma_wait3A_653 : memref<100000xf32, #tpu.memory_space<hbm>>) dst(%dma_wait3A_648 : memref<128xf32, #tpu.memory_space<vmem>>)
      %dma_wait3A_654 = arith.constant 4 : i32
      %dma_wait3A_655 = arith.constant 512 : i32
      %dma_wait3A_656 = tpu.memref_slice %arg12[%dma_wait3A_655] : memref<2048xf32, #tpu.memory_space<vmem>> -> memref<128xf32, #tpu.memory_space<vmem>>
      %dma_wait3A_657 = arith.constant 0 : i32
      %dma_wait3A_658 = tpu.memref_slice %arg10[%dma_wait3A_654, %dma_wait3A_657] : memref<16x128xi32, #tpu.memory_space<vmem>> -> memref<1x128xi32, #tpu.memory_space<vmem>>
      %dma_wait3A_659 = tpu.memref_squeeze %dma_wait3A_658 : memref<1x128xi32, #tpu.memory_space<vmem>> -> memref<128xi32, #tpu.memory_space<vmem>>
      %dma_wait3A_660 = arith.constant 0 : i32
      %dma_wait3A_661 = tpu.memref_slice %arg2[%dma_wait3A_660] : memref<100000xf32, #tpu.memory_space<hbm>> -> memref<100000xf32, #tpu.memory_space<hbm>>
      tpu.wait_indirect_dma semaphore(%arg18 : memref<!tpu.dma_semaphore, #tpu.memory_space<semaphore_mem>>) src(%dma_wait3A_661 : memref<100000xf32, #tpu.memory_space<hbm>>) dst(%dma_wait3A_656 : memref<128xf32, #tpu.memory_space<vmem>>)
      %dma_wait3A_662 = arith.constant 4 : i32
      %dma_wait3A_663 = arith.constant 512 : i32
      %dma_wait3A_664 = tpu.memref_slice %arg13[%dma_wait3A_663] : memref<2048xf32, #tpu.memory_space<vmem>> -> memref<128xf32, #tpu.memory_space<vmem>>
      %dma_wait3A_665 = arith.constant 0 : i32
      %dma_wait3A_666 = tpu.memref_slice %arg10[%dma_wait3A_662, %dma_wait3A_665] : memref<16x128xi32, #tpu.memory_space<vmem>> -> memref<1x128xi32, #tpu.memory_space<vmem>>
      %dma_wait3A_667 = tpu.memref_squeeze %dma_wait3A_666 : memref<1x128xi32, #tpu.memory_space<vmem>> -> memref<128xi32, #tpu.memory_space<vmem>>
      %dma_wait3A_668 = arith.constant 0 : i32
      %dma_wait3A_669 = tpu.memref_slice %arg3[%dma_wait3A_668] : memref<100000xf32, #tpu.memory_space<hbm>> -> memref<100000xf32, #tpu.memory_space<hbm>>
      tpu.wait_indirect_dma semaphore(%arg18 : memref<!tpu.dma_semaphore, #tpu.memory_space<semaphore_mem>>) src(%dma_wait3A_669 : memref<100000xf32, #tpu.memory_space<hbm>>) dst(%dma_wait3A_664 : memref<128xf32, #tpu.memory_space<vmem>>)
      %dma_wait3A_670 = arith.constant 4 : i32
      %dma_wait3A_671 = arith.constant 512 : i32
      %dma_wait3A_672 = tpu.memref_slice %arg14[%dma_wait3A_671] : memref<2048xf32, #tpu.memory_space<vmem>> -> memref<128xf32, #tpu.memory_space<vmem>>
      %dma_wait3A_673 = arith.constant 0 : i32
      %dma_wait3A_674 = tpu.memref_slice %arg11[%dma_wait3A_670, %dma_wait3A_673] : memref<16x128xi32, #tpu.memory_space<vmem>> -> memref<1x128xi32, #tpu.memory_space<vmem>>
      %dma_wait3A_675 = tpu.memref_squeeze %dma_wait3A_674 : memref<1x128xi32, #tpu.memory_space<vmem>> -> memref<128xi32, #tpu.memory_space<vmem>>
      %dma_wait3A_676 = arith.constant 0 : i32
      %dma_wait3A_677 = tpu.memref_slice %arg2[%dma_wait3A_676] : memref<100000xf32, #tpu.memory_space<hbm>> -> memref<100000xf32, #tpu.memory_space<hbm>>
      tpu.wait_indirect_dma semaphore(%arg18 : memref<!tpu.dma_semaphore, #tpu.memory_space<semaphore_mem>>) src(%dma_wait3A_677 : memref<100000xf32, #tpu.memory_space<hbm>>) dst(%dma_wait3A_672 : memref<128xf32, #tpu.memory_space<vmem>>)
      %dma_wait3A_678 = arith.constant 4 : i32
      %dma_wait3A_679 = arith.constant 512 : i32
      %dma_wait3A_680 = tpu.memref_slice %arg15[%dma_wait3A_679] : memref<2048xf32, #tpu.memory_space<vmem>> -> memref<128xf32, #tpu.memory_space<vmem>>
      %dma_wait3A_681 = arith.constant 0 : i32
      %dma_wait3A_682 = tpu.memref_slice %arg11[%dma_wait3A_678, %dma_wait3A_681] : memref<16x128xi32, #tpu.memory_space<vmem>> -> memref<1x128xi32, #tpu.memory_space<vmem>>
      %dma_wait3A_683 = tpu.memref_squeeze %dma_wait3A_682 : memref<1x128xi32, #tpu.memory_space<vmem>> -> memref<128xi32, #tpu.memory_space<vmem>>
      %dma_wait3A_684 = arith.constant 0 : i32
      %dma_wait3A_685 = tpu.memref_slice %arg3[%dma_wait3A_684] : memref<100000xf32, #tpu.memory_space<hbm>> -> memref<100000xf32, #tpu.memory_space<hbm>>
      tpu.wait_indirect_dma semaphore(%arg18 : memref<!tpu.dma_semaphore, #tpu.memory_space<semaphore_mem>>) src(%dma_wait3A_685 : memref<100000xf32, #tpu.memory_space<hbm>>) dst(%dma_wait3A_680 : memref<128xf32, #tpu.memory_space<vmem>>)
      %dma_wait3A_686 = arith.constant 5 : i32
      %dma_wait3A_687 = arith.constant 640 : i32
      %dma_wait3A_688 = tpu.memref_slice %arg12[%dma_wait3A_687] : memref<2048xf32, #tpu.memory_space<vmem>> -> memref<128xf32, #tpu.memory_space<vmem>>
      %dma_wait3A_689 = arith.constant 0 : i32
      %dma_wait3A_690 = tpu.memref_slice %arg10[%dma_wait3A_686, %dma_wait3A_689] : memref<16x128xi32, #tpu.memory_space<vmem>> -> memref<1x128xi32, #tpu.memory_space<vmem>>
      %dma_wait3A_691 = tpu.memref_squeeze %dma_wait3A_690 : memref<1x128xi32, #tpu.memory_space<vmem>> -> memref<128xi32, #tpu.memory_space<vmem>>
      %dma_wait3A_692 = arith.constant 0 : i32
      %dma_wait3A_693 = tpu.memref_slice %arg2[%dma_wait3A_692] : memref<100000xf32, #tpu.memory_space<hbm>> -> memref<100000xf32, #tpu.memory_space<hbm>>
      tpu.wait_indirect_dma semaphore(%arg18 : memref<!tpu.dma_semaphore, #tpu.memory_space<semaphore_mem>>) src(%dma_wait3A_693 : memref<100000xf32, #tpu.memory_space<hbm>>) dst(%dma_wait3A_688 : memref<128xf32, #tpu.memory_space<vmem>>)
      %dma_wait3A_694 = arith.constant 5 : i32
      %dma_wait3A_695 = arith.constant 640 : i32
      %dma_wait3A_696 = tpu.memref_slice %arg13[%dma_wait3A_695] : memref<2048xf32, #tpu.memory_space<vmem>> -> memref<128xf32, #tpu.memory_space<vmem>>
      %dma_wait3A_697 = arith.constant 0 : i32
      %dma_wait3A_698 = tpu.memref_slice %arg10[%dma_wait3A_694, %dma_wait3A_697] : memref<16x128xi32, #tpu.memory_space<vmem>> -> memref<1x128xi32, #tpu.memory_space<vmem>>
      %dma_wait3A_699 = tpu.memref_squeeze %dma_wait3A_698 : memref<1x128xi32, #tpu.memory_space<vmem>> -> memref<128xi32, #tpu.memory_space<vmem>>
      %dma_wait3A_700 = arith.constant 0 : i32
      %dma_wait3A_701 = tpu.memref_slice %arg3[%dma_wait3A_700] : memref<100000xf32, #tpu.memory_space<hbm>> -> memref<100000xf32, #tpu.memory_space<hbm>>
      tpu.wait_indirect_dma semaphore(%arg18 : memref<!tpu.dma_semaphore, #tpu.memory_space<semaphore_mem>>) src(%dma_wait3A_701 : memref<100000xf32, #tpu.memory_space<hbm>>) dst(%dma_wait3A_696 : memref<128xf32, #tpu.memory_space<vmem>>)
      %dma_wait3A_702 = arith.constant 5 : i32
      %dma_wait3A_703 = arith.constant 640 : i32
      %dma_wait3A_704 = tpu.memref_slice %arg14[%dma_wait3A_703] : memref<2048xf32, #tpu.memory_space<vmem>> -> memref<128xf32, #tpu.memory_space<vmem>>
      %dma_wait3A_705 = arith.constant 0 : i32
      %dma_wait3A_706 = tpu.memref_slice %arg11[%dma_wait3A_702, %dma_wait3A_705] : memref<16x128xi32, #tpu.memory_space<vmem>> -> memref<1x128xi32, #tpu.memory_space<vmem>>
      %dma_wait3A_707 = tpu.memref_squeeze %dma_wait3A_706 : memref<1x128xi32, #tpu.memory_space<vmem>> -> memref<128xi32, #tpu.memory_space<vmem>>
      %dma_wait3A_708 = arith.constant 0 : i32
      %dma_wait3A_709 = tpu.memref_slice %arg2[%dma_wait3A_708] : memref<100000xf32, #tpu.memory_space<hbm>> -> memref<100000xf32, #tpu.memory_space<hbm>>
      tpu.wait_indirect_dma semaphore(%arg18 : memref<!tpu.dma_semaphore, #tpu.memory_space<semaphore_mem>>) src(%dma_wait3A_709 : memref<100000xf32, #tpu.memory_space<hbm>>) dst(%dma_wait3A_704 : memref<128xf32, #tpu.memory_space<vmem>>)
      %dma_wait3A_710 = arith.constant 5 : i32
      %dma_wait3A_711 = arith.constant 640 : i32
      %dma_wait3A_712 = tpu.memref_slice %arg15[%dma_wait3A_711] : memref<2048xf32, #tpu.memory_space<vmem>> -> memref<128xf32, #tpu.memory_space<vmem>>
      %dma_wait3A_713 = arith.constant 0 : i32
      %dma_wait3A_714 = tpu.memref_slice %arg11[%dma_wait3A_710, %dma_wait3A_713] : memref<16x128xi32, #tpu.memory_space<vmem>> -> memref<1x128xi32, #tpu.memory_space<vmem>>
      %dma_wait3A_715 = tpu.memref_squeeze %dma_wait3A_714 : memref<1x128xi32, #tpu.memory_space<vmem>> -> memref<128xi32, #tpu.memory_space<vmem>>
      %dma_wait3A_716 = arith.constant 0 : i32
      %dma_wait3A_717 = tpu.memref_slice %arg3[%dma_wait3A_716] : memref<100000xf32, #tpu.memory_space<hbm>> -> memref<100000xf32, #tpu.memory_space<hbm>>
      tpu.wait_indirect_dma semaphore(%arg18 : memref<!tpu.dma_semaphore, #tpu.memory_space<semaphore_mem>>) src(%dma_wait3A_717 : memref<100000xf32, #tpu.memory_space<hbm>>) dst(%dma_wait3A_712 : memref<128xf32, #tpu.memory_space<vmem>>)
      %dma_wait3A_718 = arith.constant 6 : i32
      %dma_wait3A_719 = arith.constant 768 : i32
      %dma_wait3A_720 = tpu.memref_slice %arg12[%dma_wait3A_719] : memref<2048xf32, #tpu.memory_space<vmem>> -> memref<128xf32, #tpu.memory_space<vmem>>
      %dma_wait3A_721 = arith.constant 0 : i32
      %dma_wait3A_722 = tpu.memref_slice %arg10[%dma_wait3A_718, %dma_wait3A_721] : memref<16x128xi32, #tpu.memory_space<vmem>> -> memref<1x128xi32, #tpu.memory_space<vmem>>
      %dma_wait3A_723 = tpu.memref_squeeze %dma_wait3A_722 : memref<1x128xi32, #tpu.memory_space<vmem>> -> memref<128xi32, #tpu.memory_space<vmem>>
      %dma_wait3A_724 = arith.constant 0 : i32
      %dma_wait3A_725 = tpu.memref_slice %arg2[%dma_wait3A_724] : memref<100000xf32, #tpu.memory_space<hbm>> -> memref<100000xf32, #tpu.memory_space<hbm>>
      tpu.wait_indirect_dma semaphore(%arg18 : memref<!tpu.dma_semaphore, #tpu.memory_space<semaphore_mem>>) src(%dma_wait3A_725 : memref<100000xf32, #tpu.memory_space<hbm>>) dst(%dma_wait3A_720 : memref<128xf32, #tpu.memory_space<vmem>>)
      %dma_wait3A_726 = arith.constant 6 : i32
      %dma_wait3A_727 = arith.constant 768 : i32
      %dma_wait3A_728 = tpu.memref_slice %arg13[%dma_wait3A_727] : memref<2048xf32, #tpu.memory_space<vmem>> -> memref<128xf32, #tpu.memory_space<vmem>>
      %dma_wait3A_729 = arith.constant 0 : i32
      %dma_wait3A_730 = tpu.memref_slice %arg10[%dma_wait3A_726, %dma_wait3A_729] : memref<16x128xi32, #tpu.memory_space<vmem>> -> memref<1x128xi32, #tpu.memory_space<vmem>>
      %dma_wait3A_731 = tpu.memref_squeeze %dma_wait3A_730 : memref<1x128xi32, #tpu.memory_space<vmem>> -> memref<128xi32, #tpu.memory_space<vmem>>
      %dma_wait3A_732 = arith.constant 0 : i32
      %dma_wait3A_733 = tpu.memref_slice %arg3[%dma_wait3A_732] : memref<100000xf32, #tpu.memory_space<hbm>> -> memref<100000xf32, #tpu.memory_space<hbm>>
      tpu.wait_indirect_dma semaphore(%arg18 : memref<!tpu.dma_semaphore, #tpu.memory_space<semaphore_mem>>) src(%dma_wait3A_733 : memref<100000xf32, #tpu.memory_space<hbm>>) dst(%dma_wait3A_728 : memref<128xf32, #tpu.memory_space<vmem>>)
      %dma_wait3A_734 = arith.constant 6 : i32
      %dma_wait3A_735 = arith.constant 768 : i32
      %dma_wait3A_736 = tpu.memref_slice %arg14[%dma_wait3A_735] : memref<2048xf32, #tpu.memory_space<vmem>> -> memref<128xf32, #tpu.memory_space<vmem>>
      %dma_wait3A_737 = arith.constant 0 : i32
      %dma_wait3A_738 = tpu.memref_slice %arg11[%dma_wait3A_734, %dma_wait3A_737] : memref<16x128xi32, #tpu.memory_space<vmem>> -> memref<1x128xi32, #tpu.memory_space<vmem>>
      %dma_wait3A_739 = tpu.memref_squeeze %dma_wait3A_738 : memref<1x128xi32, #tpu.memory_space<vmem>> -> memref<128xi32, #tpu.memory_space<vmem>>
      %dma_wait3A_740 = arith.constant 0 : i32
      %dma_wait3A_741 = tpu.memref_slice %arg2[%dma_wait3A_740] : memref<100000xf32, #tpu.memory_space<hbm>> -> memref<100000xf32, #tpu.memory_space<hbm>>
      tpu.wait_indirect_dma semaphore(%arg18 : memref<!tpu.dma_semaphore, #tpu.memory_space<semaphore_mem>>) src(%dma_wait3A_741 : memref<100000xf32, #tpu.memory_space<hbm>>) dst(%dma_wait3A_736 : memref<128xf32, #tpu.memory_space<vmem>>)
      %dma_wait3A_742 = arith.constant 6 : i32
      %dma_wait3A_743 = arith.constant 768 : i32
      %dma_wait3A_744 = tpu.memref_slice %arg15[%dma_wait3A_743] : memref<2048xf32, #tpu.memory_space<vmem>> -> memref<128xf32, #tpu.memory_space<vmem>>
      %dma_wait3A_745 = arith.constant 0 : i32
      %dma_wait3A_746 = tpu.memref_slice %arg11[%dma_wait3A_742, %dma_wait3A_745] : memref<16x128xi32, #tpu.memory_space<vmem>> -> memref<1x128xi32, #tpu.memory_space<vmem>>
      %dma_wait3A_747 = tpu.memref_squeeze %dma_wait3A_746 : memref<1x128xi32, #tpu.memory_space<vmem>> -> memref<128xi32, #tpu.memory_space<vmem>>
      %dma_wait3A_748 = arith.constant 0 : i32
      %dma_wait3A_749 = tpu.memref_slice %arg3[%dma_wait3A_748] : memref<100000xf32, #tpu.memory_space<hbm>> -> memref<100000xf32, #tpu.memory_space<hbm>>
      tpu.wait_indirect_dma semaphore(%arg18 : memref<!tpu.dma_semaphore, #tpu.memory_space<semaphore_mem>>) src(%dma_wait3A_749 : memref<100000xf32, #tpu.memory_space<hbm>>) dst(%dma_wait3A_744 : memref<128xf32, #tpu.memory_space<vmem>>)
      %dma_wait3A_750 = arith.constant 7 : i32
      %dma_wait3A_751 = arith.constant 896 : i32
      %dma_wait3A_752 = tpu.memref_slice %arg12[%dma_wait3A_751] : memref<2048xf32, #tpu.memory_space<vmem>> -> memref<128xf32, #tpu.memory_space<vmem>>
      %dma_wait3A_753 = arith.constant 0 : i32
      %dma_wait3A_754 = tpu.memref_slice %arg10[%dma_wait3A_750, %dma_wait3A_753] : memref<16x128xi32, #tpu.memory_space<vmem>> -> memref<1x128xi32, #tpu.memory_space<vmem>>
      %dma_wait3A_755 = tpu.memref_squeeze %dma_wait3A_754 : memref<1x128xi32, #tpu.memory_space<vmem>> -> memref<128xi32, #tpu.memory_space<vmem>>
      %dma_wait3A_756 = arith.constant 0 : i32
      %dma_wait3A_757 = tpu.memref_slice %arg2[%dma_wait3A_756] : memref<100000xf32, #tpu.memory_space<hbm>> -> memref<100000xf32, #tpu.memory_space<hbm>>
      tpu.wait_indirect_dma semaphore(%arg18 : memref<!tpu.dma_semaphore, #tpu.memory_space<semaphore_mem>>) src(%dma_wait3A_757 : memref<100000xf32, #tpu.memory_space<hbm>>) dst(%dma_wait3A_752 : memref<128xf32, #tpu.memory_space<vmem>>)
      %dma_wait3A_758 = arith.constant 7 : i32
      %dma_wait3A_759 = arith.constant 896 : i32
      %dma_wait3A_760 = tpu.memref_slice %arg13[%dma_wait3A_759] : memref<2048xf32, #tpu.memory_space<vmem>> -> memref<128xf32, #tpu.memory_space<vmem>>
      %dma_wait3A_761 = arith.constant 0 : i32
      %dma_wait3A_762 = tpu.memref_slice %arg10[%dma_wait3A_758, %dma_wait3A_761] : memref<16x128xi32, #tpu.memory_space<vmem>> -> memref<1x128xi32, #tpu.memory_space<vmem>>
      %dma_wait3A_763 = tpu.memref_squeeze %dma_wait3A_762 : memref<1x128xi32, #tpu.memory_space<vmem>> -> memref<128xi32, #tpu.memory_space<vmem>>
      %dma_wait3A_764 = arith.constant 0 : i32
      %dma_wait3A_765 = tpu.memref_slice %arg3[%dma_wait3A_764] : memref<100000xf32, #tpu.memory_space<hbm>> -> memref<100000xf32, #tpu.memory_space<hbm>>
      tpu.wait_indirect_dma semaphore(%arg18 : memref<!tpu.dma_semaphore, #tpu.memory_space<semaphore_mem>>) src(%dma_wait3A_765 : memref<100000xf32, #tpu.memory_space<hbm>>) dst(%dma_wait3A_760 : memref<128xf32, #tpu.memory_space<vmem>>)
      %dma_wait3A_766 = arith.constant 7 : i32
      %dma_wait3A_767 = arith.constant 896 : i32
      %dma_wait3A_768 = tpu.memref_slice %arg14[%dma_wait3A_767] : memref<2048xf32, #tpu.memory_space<vmem>> -> memref<128xf32, #tpu.memory_space<vmem>>
      %dma_wait3A_769 = arith.constant 0 : i32
      %dma_wait3A_770 = tpu.memref_slice %arg11[%dma_wait3A_766, %dma_wait3A_769] : memref<16x128xi32, #tpu.memory_space<vmem>> -> memref<1x128xi32, #tpu.memory_space<vmem>>
      %dma_wait3A_771 = tpu.memref_squeeze %dma_wait3A_770 : memref<1x128xi32, #tpu.memory_space<vmem>> -> memref<128xi32, #tpu.memory_space<vmem>>
      %dma_wait3A_772 = arith.constant 0 : i32
      %dma_wait3A_773 = tpu.memref_slice %arg2[%dma_wait3A_772] : memref<100000xf32, #tpu.memory_space<hbm>> -> memref<100000xf32, #tpu.memory_space<hbm>>
      tpu.wait_indirect_dma semaphore(%arg18 : memref<!tpu.dma_semaphore, #tpu.memory_space<semaphore_mem>>) src(%dma_wait3A_773 : memref<100000xf32, #tpu.memory_space<hbm>>) dst(%dma_wait3A_768 : memref<128xf32, #tpu.memory_space<vmem>>)
      %dma_wait3A_774 = arith.constant 7 : i32
      %dma_wait3A_775 = arith.constant 896 : i32
      %dma_wait3A_776 = tpu.memref_slice %arg15[%dma_wait3A_775] : memref<2048xf32, #tpu.memory_space<vmem>> -> memref<128xf32, #tpu.memory_space<vmem>>
      %dma_wait3A_777 = arith.constant 0 : i32
      %dma_wait3A_778 = tpu.memref_slice %arg11[%dma_wait3A_774, %dma_wait3A_777] : memref<16x128xi32, #tpu.memory_space<vmem>> -> memref<1x128xi32, #tpu.memory_space<vmem>>
      %dma_wait3A_779 = tpu.memref_squeeze %dma_wait3A_778 : memref<1x128xi32, #tpu.memory_space<vmem>> -> memref<128xi32, #tpu.memory_space<vmem>>
      %dma_wait3A_780 = arith.constant 0 : i32
      %dma_wait3A_781 = tpu.memref_slice %arg3[%dma_wait3A_780] : memref<100000xf32, #tpu.memory_space<hbm>> -> memref<100000xf32, #tpu.memory_space<hbm>>
      tpu.wait_indirect_dma semaphore(%arg18 : memref<!tpu.dma_semaphore, #tpu.memory_space<semaphore_mem>>) src(%dma_wait3A_781 : memref<100000xf32, #tpu.memory_space<hbm>>) dst(%dma_wait3A_776 : memref<128xf32, #tpu.memory_space<vmem>>)
      %dma_wait3A_782 = arith.constant 8 : i32
      %dma_wait3A_783 = arith.constant 1024 : i32
      %dma_wait3A_784 = tpu.memref_slice %arg12[%dma_wait3A_783] : memref<2048xf32, #tpu.memory_space<vmem>> -> memref<128xf32, #tpu.memory_space<vmem>>
      %dma_wait3A_785 = arith.constant 0 : i32
      %dma_wait3A_786 = tpu.memref_slice %arg10[%dma_wait3A_782, %dma_wait3A_785] : memref<16x128xi32, #tpu.memory_space<vmem>> -> memref<1x128xi32, #tpu.memory_space<vmem>>
      %dma_wait3A_787 = tpu.memref_squeeze %dma_wait3A_786 : memref<1x128xi32, #tpu.memory_space<vmem>> -> memref<128xi32, #tpu.memory_space<vmem>>
      %dma_wait3A_788 = arith.constant 0 : i32
      %dma_wait3A_789 = tpu.memref_slice %arg2[%dma_wait3A_788] : memref<100000xf32, #tpu.memory_space<hbm>> -> memref<100000xf32, #tpu.memory_space<hbm>>
      tpu.wait_indirect_dma semaphore(%arg18 : memref<!tpu.dma_semaphore, #tpu.memory_space<semaphore_mem>>) src(%dma_wait3A_789 : memref<100000xf32, #tpu.memory_space<hbm>>) dst(%dma_wait3A_784 : memref<128xf32, #tpu.memory_space<vmem>>)
      %dma_wait3A_790 = arith.constant 8 : i32
      %dma_wait3A_791 = arith.constant 1024 : i32
      %dma_wait3A_792 = tpu.memref_slice %arg13[%dma_wait3A_791] : memref<2048xf32, #tpu.memory_space<vmem>> -> memref<128xf32, #tpu.memory_space<vmem>>
      %dma_wait3A_793 = arith.constant 0 : i32
      %dma_wait3A_794 = tpu.memref_slice %arg10[%dma_wait3A_790, %dma_wait3A_793] : memref<16x128xi32, #tpu.memory_space<vmem>> -> memref<1x128xi32, #tpu.memory_space<vmem>>
      %dma_wait3A_795 = tpu.memref_squeeze %dma_wait3A_794 : memref<1x128xi32, #tpu.memory_space<vmem>> -> memref<128xi32, #tpu.memory_space<vmem>>
      %dma_wait3A_796 = arith.constant 0 : i32
      %dma_wait3A_797 = tpu.memref_slice %arg3[%dma_wait3A_796] : memref<100000xf32, #tpu.memory_space<hbm>> -> memref<100000xf32, #tpu.memory_space<hbm>>
      tpu.wait_indirect_dma semaphore(%arg18 : memref<!tpu.dma_semaphore, #tpu.memory_space<semaphore_mem>>) src(%dma_wait3A_797 : memref<100000xf32, #tpu.memory_space<hbm>>) dst(%dma_wait3A_792 : memref<128xf32, #tpu.memory_space<vmem>>)
      %dma_wait3A_798 = arith.constant 8 : i32
      %dma_wait3A_799 = arith.constant 1024 : i32
      %dma_wait3A_800 = tpu.memref_slice %arg14[%dma_wait3A_799] : memref<2048xf32, #tpu.memory_space<vmem>> -> memref<128xf32, #tpu.memory_space<vmem>>
      %dma_wait3A_801 = arith.constant 0 : i32
      %dma_wait3A_802 = tpu.memref_slice %arg11[%dma_wait3A_798, %dma_wait3A_801] : memref<16x128xi32, #tpu.memory_space<vmem>> -> memref<1x128xi32, #tpu.memory_space<vmem>>
      %dma_wait3A_803 = tpu.memref_squeeze %dma_wait3A_802 : memref<1x128xi32, #tpu.memory_space<vmem>> -> memref<128xi32, #tpu.memory_space<vmem>>
      %dma_wait3A_804 = arith.constant 0 : i32
      %dma_wait3A_805 = tpu.memref_slice %arg2[%dma_wait3A_804] : memref<100000xf32, #tpu.memory_space<hbm>> -> memref<100000xf32, #tpu.memory_space<hbm>>
      tpu.wait_indirect_dma semaphore(%arg18 : memref<!tpu.dma_semaphore, #tpu.memory_space<semaphore_mem>>) src(%dma_wait3A_805 : memref<100000xf32, #tpu.memory_space<hbm>>) dst(%dma_wait3A_800 : memref<128xf32, #tpu.memory_space<vmem>>)
      %dma_wait3A_806 = arith.constant 8 : i32
      %dma_wait3A_807 = arith.constant 1024 : i32
      %dma_wait3A_808 = tpu.memref_slice %arg15[%dma_wait3A_807] : memref<2048xf32, #tpu.memory_space<vmem>> -> memref<128xf32, #tpu.memory_space<vmem>>
      %dma_wait3A_809 = arith.constant 0 : i32
      %dma_wait3A_810 = tpu.memref_slice %arg11[%dma_wait3A_806, %dma_wait3A_809] : memref<16x128xi32, #tpu.memory_space<vmem>> -> memref<1x128xi32, #tpu.memory_space<vmem>>
      %dma_wait3A_811 = tpu.memref_squeeze %dma_wait3A_810 : memref<1x128xi32, #tpu.memory_space<vmem>> -> memref<128xi32, #tpu.memory_space<vmem>>
      %dma_wait3A_812 = arith.constant 0 : i32
      %dma_wait3A_813 = tpu.memref_slice %arg3[%dma_wait3A_812] : memref<100000xf32, #tpu.memory_space<hbm>> -> memref<100000xf32, #tpu.memory_space<hbm>>
      tpu.wait_indirect_dma semaphore(%arg18 : memref<!tpu.dma_semaphore, #tpu.memory_space<semaphore_mem>>) src(%dma_wait3A_813 : memref<100000xf32, #tpu.memory_space<hbm>>) dst(%dma_wait3A_808 : memref<128xf32, #tpu.memory_space<vmem>>)
      %dma_wait3A_814 = arith.constant 9 : i32
      %dma_wait3A_815 = arith.constant 1152 : i32
      %dma_wait3A_816 = tpu.memref_slice %arg12[%dma_wait3A_815] : memref<2048xf32, #tpu.memory_space<vmem>> -> memref<128xf32, #tpu.memory_space<vmem>>
      %dma_wait3A_817 = arith.constant 0 : i32
      %dma_wait3A_818 = tpu.memref_slice %arg10[%dma_wait3A_814, %dma_wait3A_817] : memref<16x128xi32, #tpu.memory_space<vmem>> -> memref<1x128xi32, #tpu.memory_space<vmem>>
      %dma_wait3A_819 = tpu.memref_squeeze %dma_wait3A_818 : memref<1x128xi32, #tpu.memory_space<vmem>> -> memref<128xi32, #tpu.memory_space<vmem>>
      %dma_wait3A_820 = arith.constant 0 : i32
      %dma_wait3A_821 = tpu.memref_slice %arg2[%dma_wait3A_820] : memref<100000xf32, #tpu.memory_space<hbm>> -> memref<100000xf32, #tpu.memory_space<hbm>>
      tpu.wait_indirect_dma semaphore(%arg18 : memref<!tpu.dma_semaphore, #tpu.memory_space<semaphore_mem>>) src(%dma_wait3A_821 : memref<100000xf32, #tpu.memory_space<hbm>>) dst(%dma_wait3A_816 : memref<128xf32, #tpu.memory_space<vmem>>)
      %dma_wait3A_822 = arith.constant 9 : i32
      %dma_wait3A_823 = arith.constant 1152 : i32
      %dma_wait3A_824 = tpu.memref_slice %arg13[%dma_wait3A_823] : memref<2048xf32, #tpu.memory_space<vmem>> -> memref<128xf32, #tpu.memory_space<vmem>>
      %dma_wait3A_825 = arith.constant 0 : i32
      %dma_wait3A_826 = tpu.memref_slice %arg10[%dma_wait3A_822, %dma_wait3A_825] : memref<16x128xi32, #tpu.memory_space<vmem>> -> memref<1x128xi32, #tpu.memory_space<vmem>>
      %dma_wait3A_827 = tpu.memref_squeeze %dma_wait3A_826 : memref<1x128xi32, #tpu.memory_space<vmem>> -> memref<128xi32, #tpu.memory_space<vmem>>
      %dma_wait3A_828 = arith.constant 0 : i32
      %dma_wait3A_829 = tpu.memref_slice %arg3[%dma_wait3A_828] : memref<100000xf32, #tpu.memory_space<hbm>> -> memref<100000xf32, #tpu.memory_space<hbm>>
      tpu.wait_indirect_dma semaphore(%arg18 : memref<!tpu.dma_semaphore, #tpu.memory_space<semaphore_mem>>) src(%dma_wait3A_829 : memref<100000xf32, #tpu.memory_space<hbm>>) dst(%dma_wait3A_824 : memref<128xf32, #tpu.memory_space<vmem>>)
      %dma_wait3A_830 = arith.constant 9 : i32
      %dma_wait3A_831 = arith.constant 1152 : i32
      %dma_wait3A_832 = tpu.memref_slice %arg14[%dma_wait3A_831] : memref<2048xf32, #tpu.memory_space<vmem>> -> memref<128xf32, #tpu.memory_space<vmem>>
      %dma_wait3A_833 = arith.constant 0 : i32
      %dma_wait3A_834 = tpu.memref_slice %arg11[%dma_wait3A_830, %dma_wait3A_833] : memref<16x128xi32, #tpu.memory_space<vmem>> -> memref<1x128xi32, #tpu.memory_space<vmem>>
      %dma_wait3A_835 = tpu.memref_squeeze %dma_wait3A_834 : memref<1x128xi32, #tpu.memory_space<vmem>> -> memref<128xi32, #tpu.memory_space<vmem>>
      %dma_wait3A_836 = arith.constant 0 : i32
      %dma_wait3A_837 = tpu.memref_slice %arg2[%dma_wait3A_836] : memref<100000xf32, #tpu.memory_space<hbm>> -> memref<100000xf32, #tpu.memory_space<hbm>>
      tpu.wait_indirect_dma semaphore(%arg18 : memref<!tpu.dma_semaphore, #tpu.memory_space<semaphore_mem>>) src(%dma_wait3A_837 : memref<100000xf32, #tpu.memory_space<hbm>>) dst(%dma_wait3A_832 : memref<128xf32, #tpu.memory_space<vmem>>)
      %dma_wait3A_838 = arith.constant 9 : i32
      %dma_wait3A_839 = arith.constant 1152 : i32
      %dma_wait3A_840 = tpu.memref_slice %arg15[%dma_wait3A_839] : memref<2048xf32, #tpu.memory_space<vmem>> -> memref<128xf32, #tpu.memory_space<vmem>>
      %dma_wait3A_841 = arith.constant 0 : i32
      %dma_wait3A_842 = tpu.memref_slice %arg11[%dma_wait3A_838, %dma_wait3A_841] : memref<16x128xi32, #tpu.memory_space<vmem>> -> memref<1x128xi32, #tpu.memory_space<vmem>>
      %dma_wait3A_843 = tpu.memref_squeeze %dma_wait3A_842 : memref<1x128xi32, #tpu.memory_space<vmem>> -> memref<128xi32, #tpu.memory_space<vmem>>
      %dma_wait3A_844 = arith.constant 0 : i32
      %dma_wait3A_845 = tpu.memref_slice %arg3[%dma_wait3A_844] : memref<100000xf32, #tpu.memory_space<hbm>> -> memref<100000xf32, #tpu.memory_space<hbm>>
      tpu.wait_indirect_dma semaphore(%arg18 : memref<!tpu.dma_semaphore, #tpu.memory_space<semaphore_mem>>) src(%dma_wait3A_845 : memref<100000xf32, #tpu.memory_space<hbm>>) dst(%dma_wait3A_840 : memref<128xf32, #tpu.memory_space<vmem>>)
      %dma_wait3A_846 = arith.constant 10 : i32
      %dma_wait3A_847 = arith.constant 1280 : i32
      %dma_wait3A_848 = tpu.memref_slice %arg12[%dma_wait3A_847] : memref<2048xf32, #tpu.memory_space<vmem>> -> memref<128xf32, #tpu.memory_space<vmem>>
      %dma_wait3A_849 = arith.constant 0 : i32
      %dma_wait3A_850 = tpu.memref_slice %arg10[%dma_wait3A_846, %dma_wait3A_849] : memref<16x128xi32, #tpu.memory_space<vmem>> -> memref<1x128xi32, #tpu.memory_space<vmem>>
      %dma_wait3A_851 = tpu.memref_squeeze %dma_wait3A_850 : memref<1x128xi32, #tpu.memory_space<vmem>> -> memref<128xi32, #tpu.memory_space<vmem>>
      %dma_wait3A_852 = arith.constant 0 : i32
      %dma_wait3A_853 = tpu.memref_slice %arg2[%dma_wait3A_852] : memref<100000xf32, #tpu.memory_space<hbm>> -> memref<100000xf32, #tpu.memory_space<hbm>>
      tpu.wait_indirect_dma semaphore(%arg18 : memref<!tpu.dma_semaphore, #tpu.memory_space<semaphore_mem>>) src(%dma_wait3A_853 : memref<100000xf32, #tpu.memory_space<hbm>>) dst(%dma_wait3A_848 : memref<128xf32, #tpu.memory_space<vmem>>)
      %dma_wait3A_854 = arith.constant 10 : i32
      %dma_wait3A_855 = arith.constant 1280 : i32
      %dma_wait3A_856 = tpu.memref_slice %arg13[%dma_wait3A_855] : memref<2048xf32, #tpu.memory_space<vmem>> -> memref<128xf32, #tpu.memory_space<vmem>>
      %dma_wait3A_857 = arith.constant 0 : i32
      %dma_wait3A_858 = tpu.memref_slice %arg10[%dma_wait3A_854, %dma_wait3A_857] : memref<16x128xi32, #tpu.memory_space<vmem>> -> memref<1x128xi32, #tpu.memory_space<vmem>>
      %dma_wait3A_859 = tpu.memref_squeeze %dma_wait3A_858 : memref<1x128xi32, #tpu.memory_space<vmem>> -> memref<128xi32, #tpu.memory_space<vmem>>
      %dma_wait3A_860 = arith.constant 0 : i32
      %dma_wait3A_861 = tpu.memref_slice %arg3[%dma_wait3A_860] : memref<100000xf32, #tpu.memory_space<hbm>> -> memref<100000xf32, #tpu.memory_space<hbm>>
      tpu.wait_indirect_dma semaphore(%arg18 : memref<!tpu.dma_semaphore, #tpu.memory_space<semaphore_mem>>) src(%dma_wait3A_861 : memref<100000xf32, #tpu.memory_space<hbm>>) dst(%dma_wait3A_856 : memref<128xf32, #tpu.memory_space<vmem>>)
      %dma_wait3A_862 = arith.constant 10 : i32
      %dma_wait3A_863 = arith.constant 1280 : i32
      %dma_wait3A_864 = tpu.memref_slice %arg14[%dma_wait3A_863] : memref<2048xf32, #tpu.memory_space<vmem>> -> memref<128xf32, #tpu.memory_space<vmem>>
      %dma_wait3A_865 = arith.constant 0 : i32
      %dma_wait3A_866 = tpu.memref_slice %arg11[%dma_wait3A_862, %dma_wait3A_865] : memref<16x128xi32, #tpu.memory_space<vmem>> -> memref<1x128xi32, #tpu.memory_space<vmem>>
      %dma_wait3A_867 = tpu.memref_squeeze %dma_wait3A_866 : memref<1x128xi32, #tpu.memory_space<vmem>> -> memref<128xi32, #tpu.memory_space<vmem>>
      %dma_wait3A_868 = arith.constant 0 : i32
      %dma_wait3A_869 = tpu.memref_slice %arg2[%dma_wait3A_868] : memref<100000xf32, #tpu.memory_space<hbm>> -> memref<100000xf32, #tpu.memory_space<hbm>>
      tpu.wait_indirect_dma semaphore(%arg18 : memref<!tpu.dma_semaphore, #tpu.memory_space<semaphore_mem>>) src(%dma_wait3A_869 : memref<100000xf32, #tpu.memory_space<hbm>>) dst(%dma_wait3A_864 : memref<128xf32, #tpu.memory_space<vmem>>)
      %dma_wait3A_870 = arith.constant 10 : i32
      %dma_wait3A_871 = arith.constant 1280 : i32
      %dma_wait3A_872 = tpu.memref_slice %arg15[%dma_wait3A_871] : memref<2048xf32, #tpu.memory_space<vmem>> -> memref<128xf32, #tpu.memory_space<vmem>>
      %dma_wait3A_873 = arith.constant 0 : i32
      %dma_wait3A_874 = tpu.memref_slice %arg11[%dma_wait3A_870, %dma_wait3A_873] : memref<16x128xi32, #tpu.memory_space<vmem>> -> memref<1x128xi32, #tpu.memory_space<vmem>>
      %dma_wait3A_875 = tpu.memref_squeeze %dma_wait3A_874 : memref<1x128xi32, #tpu.memory_space<vmem>> -> memref<128xi32, #tpu.memory_space<vmem>>
      %dma_wait3A_876 = arith.constant 0 : i32
      %dma_wait3A_877 = tpu.memref_slice %arg3[%dma_wait3A_876] : memref<100000xf32, #tpu.memory_space<hbm>> -> memref<100000xf32, #tpu.memory_space<hbm>>
      tpu.wait_indirect_dma semaphore(%arg18 : memref<!tpu.dma_semaphore, #tpu.memory_space<semaphore_mem>>) src(%dma_wait3A_877 : memref<100000xf32, #tpu.memory_space<hbm>>) dst(%dma_wait3A_872 : memref<128xf32, #tpu.memory_space<vmem>>)
      %dma_wait3A_878 = arith.constant 11 : i32
      %dma_wait3A_879 = arith.constant 1408 : i32
      %dma_wait3A_880 = tpu.memref_slice %arg12[%dma_wait3A_879] : memref<2048xf32, #tpu.memory_space<vmem>> -> memref<128xf32, #tpu.memory_space<vmem>>
      %dma_wait3A_881 = arith.constant 0 : i32
      %dma_wait3A_882 = tpu.memref_slice %arg10[%dma_wait3A_878, %dma_wait3A_881] : memref<16x128xi32, #tpu.memory_space<vmem>> -> memref<1x128xi32, #tpu.memory_space<vmem>>
      %dma_wait3A_883 = tpu.memref_squeeze %dma_wait3A_882 : memref<1x128xi32, #tpu.memory_space<vmem>> -> memref<128xi32, #tpu.memory_space<vmem>>
      %dma_wait3A_884 = arith.constant 0 : i32
      %dma_wait3A_885 = tpu.memref_slice %arg2[%dma_wait3A_884] : memref<100000xf32, #tpu.memory_space<hbm>> -> memref<100000xf32, #tpu.memory_space<hbm>>
      tpu.wait_indirect_dma semaphore(%arg18 : memref<!tpu.dma_semaphore, #tpu.memory_space<semaphore_mem>>) src(%dma_wait3A_885 : memref<100000xf32, #tpu.memory_space<hbm>>) dst(%dma_wait3A_880 : memref<128xf32, #tpu.memory_space<vmem>>)
      %dma_wait3A_886 = arith.constant 11 : i32
      %dma_wait3A_887 = arith.constant 1408 : i32
      %dma_wait3A_888 = tpu.memref_slice %arg13[%dma_wait3A_887] : memref<2048xf32, #tpu.memory_space<vmem>> -> memref<128xf32, #tpu.memory_space<vmem>>
      %dma_wait3A_889 = arith.constant 0 : i32
      %dma_wait3A_890 = tpu.memref_slice %arg10[%dma_wait3A_886, %dma_wait3A_889] : memref<16x128xi32, #tpu.memory_space<vmem>> -> memref<1x128xi32, #tpu.memory_space<vmem>>
      %dma_wait3A_891 = tpu.memref_squeeze %dma_wait3A_890 : memref<1x128xi32, #tpu.memory_space<vmem>> -> memref<128xi32, #tpu.memory_space<vmem>>
      %dma_wait3A_892 = arith.constant 0 : i32
      %dma_wait3A_893 = tpu.memref_slice %arg3[%dma_wait3A_892] : memref<100000xf32, #tpu.memory_space<hbm>> -> memref<100000xf32, #tpu.memory_space<hbm>>
      tpu.wait_indirect_dma semaphore(%arg18 : memref<!tpu.dma_semaphore, #tpu.memory_space<semaphore_mem>>) src(%dma_wait3A_893 : memref<100000xf32, #tpu.memory_space<hbm>>) dst(%dma_wait3A_888 : memref<128xf32, #tpu.memory_space<vmem>>)
      %dma_wait3A_894 = arith.constant 11 : i32
      %dma_wait3A_895 = arith.constant 1408 : i32
      %dma_wait3A_896 = tpu.memref_slice %arg14[%dma_wait3A_895] : memref<2048xf32, #tpu.memory_space<vmem>> -> memref<128xf32, #tpu.memory_space<vmem>>
      %dma_wait3A_897 = arith.constant 0 : i32
      %dma_wait3A_898 = tpu.memref_slice %arg11[%dma_wait3A_894, %dma_wait3A_897] : memref<16x128xi32, #tpu.memory_space<vmem>> -> memref<1x128xi32, #tpu.memory_space<vmem>>
      %dma_wait3A_899 = tpu.memref_squeeze %dma_wait3A_898 : memref<1x128xi32, #tpu.memory_space<vmem>> -> memref<128xi32, #tpu.memory_space<vmem>>
      %dma_wait3A_900 = arith.constant 0 : i32
      %dma_wait3A_901 = tpu.memref_slice %arg2[%dma_wait3A_900] : memref<100000xf32, #tpu.memory_space<hbm>> -> memref<100000xf32, #tpu.memory_space<hbm>>
      tpu.wait_indirect_dma semaphore(%arg18 : memref<!tpu.dma_semaphore, #tpu.memory_space<semaphore_mem>>) src(%dma_wait3A_901 : memref<100000xf32, #tpu.memory_space<hbm>>) dst(%dma_wait3A_896 : memref<128xf32, #tpu.memory_space<vmem>>)
      %dma_wait3A_902 = arith.constant 11 : i32
      %dma_wait3A_903 = arith.constant 1408 : i32
      %dma_wait3A_904 = tpu.memref_slice %arg15[%dma_wait3A_903] : memref<2048xf32, #tpu.memory_space<vmem>> -> memref<128xf32, #tpu.memory_space<vmem>>
      %dma_wait3A_905 = arith.constant 0 : i32
      %dma_wait3A_906 = tpu.memref_slice %arg11[%dma_wait3A_902, %dma_wait3A_905] : memref<16x128xi32, #tpu.memory_space<vmem>> -> memref<1x128xi32, #tpu.memory_space<vmem>>
      %dma_wait3A_907 = tpu.memref_squeeze %dma_wait3A_906 : memref<1x128xi32, #tpu.memory_space<vmem>> -> memref<128xi32, #tpu.memory_space<vmem>>
      %dma_wait3A_908 = arith.constant 0 : i32
      %dma_wait3A_909 = tpu.memref_slice %arg3[%dma_wait3A_908] : memref<100000xf32, #tpu.memory_space<hbm>> -> memref<100000xf32, #tpu.memory_space<hbm>>
      tpu.wait_indirect_dma semaphore(%arg18 : memref<!tpu.dma_semaphore, #tpu.memory_space<semaphore_mem>>) src(%dma_wait3A_909 : memref<100000xf32, #tpu.memory_space<hbm>>) dst(%dma_wait3A_904 : memref<128xf32, #tpu.memory_space<vmem>>)
      %dma_wait3A_910 = arith.constant 12 : i32
      %dma_wait3A_911 = arith.constant 1536 : i32
      %dma_wait3A_912 = tpu.memref_slice %arg12[%dma_wait3A_911] : memref<2048xf32, #tpu.memory_space<vmem>> -> memref<128xf32, #tpu.memory_space<vmem>>
      %dma_wait3A_913 = arith.constant 0 : i32
      %dma_wait3A_914 = tpu.memref_slice %arg10[%dma_wait3A_910, %dma_wait3A_913] : memref<16x128xi32, #tpu.memory_space<vmem>> -> memref<1x128xi32, #tpu.memory_space<vmem>>
      %dma_wait3A_915 = tpu.memref_squeeze %dma_wait3A_914 : memref<1x128xi32, #tpu.memory_space<vmem>> -> memref<128xi32, #tpu.memory_space<vmem>>
      %dma_wait3A_916 = arith.constant 0 : i32
      %dma_wait3A_917 = tpu.memref_slice %arg2[%dma_wait3A_916] : memref<100000xf32, #tpu.memory_space<hbm>> -> memref<100000xf32, #tpu.memory_space<hbm>>
      tpu.wait_indirect_dma semaphore(%arg18 : memref<!tpu.dma_semaphore, #tpu.memory_space<semaphore_mem>>) src(%dma_wait3A_917 : memref<100000xf32, #tpu.memory_space<hbm>>) dst(%dma_wait3A_912 : memref<128xf32, #tpu.memory_space<vmem>>)
      %dma_wait3A_918 = arith.constant 12 : i32
      %dma_wait3A_919 = arith.constant 1536 : i32
      %dma_wait3A_920 = tpu.memref_slice %arg13[%dma_wait3A_919] : memref<2048xf32, #tpu.memory_space<vmem>> -> memref<128xf32, #tpu.memory_space<vmem>>
      %dma_wait3A_921 = arith.constant 0 : i32
      %dma_wait3A_922 = tpu.memref_slice %arg10[%dma_wait3A_918, %dma_wait3A_921] : memref<16x128xi32, #tpu.memory_space<vmem>> -> memref<1x128xi32, #tpu.memory_space<vmem>>
      %dma_wait3A_923 = tpu.memref_squeeze %dma_wait3A_922 : memref<1x128xi32, #tpu.memory_space<vmem>> -> memref<128xi32, #tpu.memory_space<vmem>>
      %dma_wait3A_924 = arith.constant 0 : i32
      %dma_wait3A_925 = tpu.memref_slice %arg3[%dma_wait3A_924] : memref<100000xf32, #tpu.memory_space<hbm>> -> memref<100000xf32, #tpu.memory_space<hbm>>
      tpu.wait_indirect_dma semaphore(%arg18 : memref<!tpu.dma_semaphore, #tpu.memory_space<semaphore_mem>>) src(%dma_wait3A_925 : memref<100000xf32, #tpu.memory_space<hbm>>) dst(%dma_wait3A_920 : memref<128xf32, #tpu.memory_space<vmem>>)
      %dma_wait3A_926 = arith.constant 12 : i32
      %dma_wait3A_927 = arith.constant 1536 : i32
      %dma_wait3A_928 = tpu.memref_slice %arg14[%dma_wait3A_927] : memref<2048xf32, #tpu.memory_space<vmem>> -> memref<128xf32, #tpu.memory_space<vmem>>
      %dma_wait3A_929 = arith.constant 0 : i32
      %dma_wait3A_930 = tpu.memref_slice %arg11[%dma_wait3A_926, %dma_wait3A_929] : memref<16x128xi32, #tpu.memory_space<vmem>> -> memref<1x128xi32, #tpu.memory_space<vmem>>
      %dma_wait3A_931 = tpu.memref_squeeze %dma_wait3A_930 : memref<1x128xi32, #tpu.memory_space<vmem>> -> memref<128xi32, #tpu.memory_space<vmem>>
      %dma_wait3A_932 = arith.constant 0 : i32
      %dma_wait3A_933 = tpu.memref_slice %arg2[%dma_wait3A_932] : memref<100000xf32, #tpu.memory_space<hbm>> -> memref<100000xf32, #tpu.memory_space<hbm>>
      tpu.wait_indirect_dma semaphore(%arg18 : memref<!tpu.dma_semaphore, #tpu.memory_space<semaphore_mem>>) src(%dma_wait3A_933 : memref<100000xf32, #tpu.memory_space<hbm>>) dst(%dma_wait3A_928 : memref<128xf32, #tpu.memory_space<vmem>>)
      %dma_wait3A_934 = arith.constant 12 : i32
      %dma_wait3A_935 = arith.constant 1536 : i32
      %dma_wait3A_936 = tpu.memref_slice %arg15[%dma_wait3A_935] : memref<2048xf32, #tpu.memory_space<vmem>> -> memref<128xf32, #tpu.memory_space<vmem>>
      %dma_wait3A_937 = arith.constant 0 : i32
      %dma_wait3A_938 = tpu.memref_slice %arg11[%dma_wait3A_934, %dma_wait3A_937] : memref<16x128xi32, #tpu.memory_space<vmem>> -> memref<1x128xi32, #tpu.memory_space<vmem>>
      %dma_wait3A_939 = tpu.memref_squeeze %dma_wait3A_938 : memref<1x128xi32, #tpu.memory_space<vmem>> -> memref<128xi32, #tpu.memory_space<vmem>>
      %dma_wait3A_940 = arith.constant 0 : i32
      %dma_wait3A_941 = tpu.memref_slice %arg3[%dma_wait3A_940] : memref<100000xf32, #tpu.memory_space<hbm>> -> memref<100000xf32, #tpu.memory_space<hbm>>
      tpu.wait_indirect_dma semaphore(%arg18 : memref<!tpu.dma_semaphore, #tpu.memory_space<semaphore_mem>>) src(%dma_wait3A_941 : memref<100000xf32, #tpu.memory_space<hbm>>) dst(%dma_wait3A_936 : memref<128xf32, #tpu.memory_space<vmem>>)
      %dma_wait3A_942 = arith.constant 13 : i32
      %dma_wait3A_943 = arith.constant 1664 : i32
      %dma_wait3A_944 = tpu.memref_slice %arg12[%dma_wait3A_943] : memref<2048xf32, #tpu.memory_space<vmem>> -> memref<128xf32, #tpu.memory_space<vmem>>
      %dma_wait3A_945 = arith.constant 0 : i32
      %dma_wait3A_946 = tpu.memref_slice %arg10[%dma_wait3A_942, %dma_wait3A_945] : memref<16x128xi32, #tpu.memory_space<vmem>> -> memref<1x128xi32, #tpu.memory_space<vmem>>
      %dma_wait3A_947 = tpu.memref_squeeze %dma_wait3A_946 : memref<1x128xi32, #tpu.memory_space<vmem>> -> memref<128xi32, #tpu.memory_space<vmem>>
      %dma_wait3A_948 = arith.constant 0 : i32
      %dma_wait3A_949 = tpu.memref_slice %arg2[%dma_wait3A_948] : memref<100000xf32, #tpu.memory_space<hbm>> -> memref<100000xf32, #tpu.memory_space<hbm>>
      tpu.wait_indirect_dma semaphore(%arg18 : memref<!tpu.dma_semaphore, #tpu.memory_space<semaphore_mem>>) src(%dma_wait3A_949 : memref<100000xf32, #tpu.memory_space<hbm>>) dst(%dma_wait3A_944 : memref<128xf32, #tpu.memory_space<vmem>>)
      %dma_wait3A_950 = arith.constant 13 : i32
      %dma_wait3A_951 = arith.constant 1664 : i32
      %dma_wait3A_952 = tpu.memref_slice %arg13[%dma_wait3A_951] : memref<2048xf32, #tpu.memory_space<vmem>> -> memref<128xf32, #tpu.memory_space<vmem>>
      %dma_wait3A_953 = arith.constant 0 : i32
      %dma_wait3A_954 = tpu.memref_slice %arg10[%dma_wait3A_950, %dma_wait3A_953] : memref<16x128xi32, #tpu.memory_space<vmem>> -> memref<1x128xi32, #tpu.memory_space<vmem>>
      %dma_wait3A_955 = tpu.memref_squeeze %dma_wait3A_954 : memref<1x128xi32, #tpu.memory_space<vmem>> -> memref<128xi32, #tpu.memory_space<vmem>>
      %dma_wait3A_956 = arith.constant 0 : i32
      %dma_wait3A_957 = tpu.memref_slice %arg3[%dma_wait3A_956] : memref<100000xf32, #tpu.memory_space<hbm>> -> memref<100000xf32, #tpu.memory_space<hbm>>
      tpu.wait_indirect_dma semaphore(%arg18 : memref<!tpu.dma_semaphore, #tpu.memory_space<semaphore_mem>>) src(%dma_wait3A_957 : memref<100000xf32, #tpu.memory_space<hbm>>) dst(%dma_wait3A_952 : memref<128xf32, #tpu.memory_space<vmem>>)
      %dma_wait3A_958 = arith.constant 13 : i32
      %dma_wait3A_959 = arith.constant 1664 : i32
      %dma_wait3A_960 = tpu.memref_slice %arg14[%dma_wait3A_959] : memref<2048xf32, #tpu.memory_space<vmem>> -> memref<128xf32, #tpu.memory_space<vmem>>
      %dma_wait3A_961 = arith.constant 0 : i32
      %dma_wait3A_962 = tpu.memref_slice %arg11[%dma_wait3A_958, %dma_wait3A_961] : memref<16x128xi32, #tpu.memory_space<vmem>> -> memref<1x128xi32, #tpu.memory_space<vmem>>
      %dma_wait3A_963 = tpu.memref_squeeze %dma_wait3A_962 : memref<1x128xi32, #tpu.memory_space<vmem>> -> memref<128xi32, #tpu.memory_space<vmem>>
      %dma_wait3A_964 = arith.constant 0 : i32
      %dma_wait3A_965 = tpu.memref_slice %arg2[%dma_wait3A_964] : memref<100000xf32, #tpu.memory_space<hbm>> -> memref<100000xf32, #tpu.memory_space<hbm>>
      tpu.wait_indirect_dma semaphore(%arg18 : memref<!tpu.dma_semaphore, #tpu.memory_space<semaphore_mem>>) src(%dma_wait3A_965 : memref<100000xf32, #tpu.memory_space<hbm>>) dst(%dma_wait3A_960 : memref<128xf32, #tpu.memory_space<vmem>>)
      %dma_wait3A_966 = arith.constant 13 : i32
      %dma_wait3A_967 = arith.constant 1664 : i32
      %dma_wait3A_968 = tpu.memref_slice %arg15[%dma_wait3A_967] : memref<2048xf32, #tpu.memory_space<vmem>> -> memref<128xf32, #tpu.memory_space<vmem>>
      %dma_wait3A_969 = arith.constant 0 : i32
      %dma_wait3A_970 = tpu.memref_slice %arg11[%dma_wait3A_966, %dma_wait3A_969] : memref<16x128xi32, #tpu.memory_space<vmem>> -> memref<1x128xi32, #tpu.memory_space<vmem>>
      %dma_wait3A_971 = tpu.memref_squeeze %dma_wait3A_970 : memref<1x128xi32, #tpu.memory_space<vmem>> -> memref<128xi32, #tpu.memory_space<vmem>>
      %dma_wait3A_972 = arith.constant 0 : i32
      %dma_wait3A_973 = tpu.memref_slice %arg3[%dma_wait3A_972] : memref<100000xf32, #tpu.memory_space<hbm>> -> memref<100000xf32, #tpu.memory_space<hbm>>
      tpu.wait_indirect_dma semaphore(%arg18 : memref<!tpu.dma_semaphore, #tpu.memory_space<semaphore_mem>>) src(%dma_wait3A_973 : memref<100000xf32, #tpu.memory_space<hbm>>) dst(%dma_wait3A_968 : memref<128xf32, #tpu.memory_space<vmem>>)
      %dma_wait3A_974 = arith.constant 14 : i32
      %dma_wait3A_975 = arith.constant 1792 : i32
      %dma_wait3A_976 = tpu.memref_slice %arg12[%dma_wait3A_975] : memref<2048xf32, #tpu.memory_space<vmem>> -> memref<128xf32, #tpu.memory_space<vmem>>
      %dma_wait3A_977 = arith.constant 0 : i32
      %dma_wait3A_978 = tpu.memref_slice %arg10[%dma_wait3A_974, %dma_wait3A_977] : memref<16x128xi32, #tpu.memory_space<vmem>> -> memref<1x128xi32, #tpu.memory_space<vmem>>
      %dma_wait3A_979 = tpu.memref_squeeze %dma_wait3A_978 : memref<1x128xi32, #tpu.memory_space<vmem>> -> memref<128xi32, #tpu.memory_space<vmem>>
      %dma_wait3A_980 = arith.constant 0 : i32
      %dma_wait3A_981 = tpu.memref_slice %arg2[%dma_wait3A_980] : memref<100000xf32, #tpu.memory_space<hbm>> -> memref<100000xf32, #tpu.memory_space<hbm>>
      tpu.wait_indirect_dma semaphore(%arg18 : memref<!tpu.dma_semaphore, #tpu.memory_space<semaphore_mem>>) src(%dma_wait3A_981 : memref<100000xf32, #tpu.memory_space<hbm>>) dst(%dma_wait3A_976 : memref<128xf32, #tpu.memory_space<vmem>>)
      %dma_wait3A_982 = arith.constant 14 : i32
      %dma_wait3A_983 = arith.constant 1792 : i32
      %dma_wait3A_984 = tpu.memref_slice %arg13[%dma_wait3A_983] : memref<2048xf32, #tpu.memory_space<vmem>> -> memref<128xf32, #tpu.memory_space<vmem>>
      %dma_wait3A_985 = arith.constant 0 : i32
      %dma_wait3A_986 = tpu.memref_slice %arg10[%dma_wait3A_982, %dma_wait3A_985] : memref<16x128xi32, #tpu.memory_space<vmem>> -> memref<1x128xi32, #tpu.memory_space<vmem>>
      %dma_wait3A_987 = tpu.memref_squeeze %dma_wait3A_986 : memref<1x128xi32, #tpu.memory_space<vmem>> -> memref<128xi32, #tpu.memory_space<vmem>>
      %dma_wait3A_988 = arith.constant 0 : i32
      %dma_wait3A_989 = tpu.memref_slice %arg3[%dma_wait3A_988] : memref<100000xf32, #tpu.memory_space<hbm>> -> memref<100000xf32, #tpu.memory_space<hbm>>
      tpu.wait_indirect_dma semaphore(%arg18 : memref<!tpu.dma_semaphore, #tpu.memory_space<semaphore_mem>>) src(%dma_wait3A_989 : memref<100000xf32, #tpu.memory_space<hbm>>) dst(%dma_wait3A_984 : memref<128xf32, #tpu.memory_space<vmem>>)
      %dma_wait3A_990 = arith.constant 14 : i32
      %dma_wait3A_991 = arith.constant 1792 : i32
      %dma_wait3A_992 = tpu.memref_slice %arg14[%dma_wait3A_991] : memref<2048xf32, #tpu.memory_space<vmem>> -> memref<128xf32, #tpu.memory_space<vmem>>
      %dma_wait3A_993 = arith.constant 0 : i32
      %dma_wait3A_994 = tpu.memref_slice %arg11[%dma_wait3A_990, %dma_wait3A_993] : memref<16x128xi32, #tpu.memory_space<vmem>> -> memref<1x128xi32, #tpu.memory_space<vmem>>
      %dma_wait3A_995 = tpu.memref_squeeze %dma_wait3A_994 : memref<1x128xi32, #tpu.memory_space<vmem>> -> memref<128xi32, #tpu.memory_space<vmem>>
      %dma_wait3A_996 = arith.constant 0 : i32
      %dma_wait3A_997 = tpu.memref_slice %arg2[%dma_wait3A_996] : memref<100000xf32, #tpu.memory_space<hbm>> -> memref<100000xf32, #tpu.memory_space<hbm>>
      tpu.wait_indirect_dma semaphore(%arg18 : memref<!tpu.dma_semaphore, #tpu.memory_space<semaphore_mem>>) src(%dma_wait3A_997 : memref<100000xf32, #tpu.memory_space<hbm>>) dst(%dma_wait3A_992 : memref<128xf32, #tpu.memory_space<vmem>>)
      %dma_wait3A_998 = arith.constant 14 : i32
      %dma_wait3A_999 = arith.constant 1792 : i32
      %dma_wait3A_1000 = tpu.memref_slice %arg15[%dma_wait3A_999] : memref<2048xf32, #tpu.memory_space<vmem>> -> memref<128xf32, #tpu.memory_space<vmem>>
      %dma_wait3A_1001 = arith.constant 0 : i32
      %dma_wait3A_1002 = tpu.memref_slice %arg11[%dma_wait3A_998, %dma_wait3A_1001] : memref<16x128xi32, #tpu.memory_space<vmem>> -> memref<1x128xi32, #tpu.memory_space<vmem>>
      %dma_wait3A_1003 = tpu.memref_squeeze %dma_wait3A_1002 : memref<1x128xi32, #tpu.memory_space<vmem>> -> memref<128xi32, #tpu.memory_space<vmem>>
      %dma_wait3A_1004 = arith.constant 0 : i32
      %dma_wait3A_1005 = tpu.memref_slice %arg3[%dma_wait3A_1004] : memref<100000xf32, #tpu.memory_space<hbm>> -> memref<100000xf32, #tpu.memory_space<hbm>>
      tpu.wait_indirect_dma semaphore(%arg18 : memref<!tpu.dma_semaphore, #tpu.memory_space<semaphore_mem>>) src(%dma_wait3A_1005 : memref<100000xf32, #tpu.memory_space<hbm>>) dst(%dma_wait3A_1000 : memref<128xf32, #tpu.memory_space<vmem>>)
      %dma_wait3A_1006 = arith.constant 15 : i32
      %dma_wait3A_1007 = arith.constant 1920 : i32
      %dma_wait3A_1008 = tpu.memref_slice %arg12[%dma_wait3A_1007] : memref<2048xf32, #tpu.memory_space<vmem>> -> memref<128xf32, #tpu.memory_space<vmem>>
      %dma_wait3A_1009 = arith.constant 0 : i32
      %dma_wait3A_1010 = tpu.memref_slice %arg10[%dma_wait3A_1006, %dma_wait3A_1009] : memref<16x128xi32, #tpu.memory_space<vmem>> -> memref<1x128xi32, #tpu.memory_space<vmem>>
      %dma_wait3A_1011 = tpu.memref_squeeze %dma_wait3A_1010 : memref<1x128xi32, #tpu.memory_space<vmem>> -> memref<128xi32, #tpu.memory_space<vmem>>
      %dma_wait3A_1012 = arith.constant 0 : i32
      %dma_wait3A_1013 = tpu.memref_slice %arg2[%dma_wait3A_1012] : memref<100000xf32, #tpu.memory_space<hbm>> -> memref<100000xf32, #tpu.memory_space<hbm>>
      tpu.wait_indirect_dma semaphore(%arg18 : memref<!tpu.dma_semaphore, #tpu.memory_space<semaphore_mem>>) src(%dma_wait3A_1013 : memref<100000xf32, #tpu.memory_space<hbm>>) dst(%dma_wait3A_1008 : memref<128xf32, #tpu.memory_space<vmem>>)
      %dma_wait3A_1014 = arith.constant 15 : i32
      %dma_wait3A_1015 = arith.constant 1920 : i32
      %dma_wait3A_1016 = tpu.memref_slice %arg13[%dma_wait3A_1015] : memref<2048xf32, #tpu.memory_space<vmem>> -> memref<128xf32, #tpu.memory_space<vmem>>
      %dma_wait3A_1017 = arith.constant 0 : i32
      %dma_wait3A_1018 = tpu.memref_slice %arg10[%dma_wait3A_1014, %dma_wait3A_1017] : memref<16x128xi32, #tpu.memory_space<vmem>> -> memref<1x128xi32, #tpu.memory_space<vmem>>
      %dma_wait3A_1019 = tpu.memref_squeeze %dma_wait3A_1018 : memref<1x128xi32, #tpu.memory_space<vmem>> -> memref<128xi32, #tpu.memory_space<vmem>>
      %dma_wait3A_1020 = arith.constant 0 : i32
      %dma_wait3A_1021 = tpu.memref_slice %arg3[%dma_wait3A_1020] : memref<100000xf32, #tpu.memory_space<hbm>> -> memref<100000xf32, #tpu.memory_space<hbm>>
      tpu.wait_indirect_dma semaphore(%arg18 : memref<!tpu.dma_semaphore, #tpu.memory_space<semaphore_mem>>) src(%dma_wait3A_1021 : memref<100000xf32, #tpu.memory_space<hbm>>) dst(%dma_wait3A_1016 : memref<128xf32, #tpu.memory_space<vmem>>)
      %dma_wait3A_1022 = arith.constant 15 : i32
      %dma_wait3A_1023 = arith.constant 1920 : i32
      %dma_wait3A_1024 = tpu.memref_slice %arg14[%dma_wait3A_1023] : memref<2048xf32, #tpu.memory_space<vmem>> -> memref<128xf32, #tpu.memory_space<vmem>>
      %dma_wait3A_1025 = arith.constant 0 : i32
      %dma_wait3A_1026 = tpu.memref_slice %arg11[%dma_wait3A_1022, %dma_wait3A_1025] : memref<16x128xi32, #tpu.memory_space<vmem>> -> memref<1x128xi32, #tpu.memory_space<vmem>>
      %dma_wait3A_1027 = tpu.memref_squeeze %dma_wait3A_1026 : memref<1x128xi32, #tpu.memory_space<vmem>> -> memref<128xi32, #tpu.memory_space<vmem>>
      %dma_wait3A_1028 = arith.constant 0 : i32
      %dma_wait3A_1029 = tpu.memref_slice %arg2[%dma_wait3A_1028] : memref<100000xf32, #tpu.memory_space<hbm>> -> memref<100000xf32, #tpu.memory_space<hbm>>
      tpu.wait_indirect_dma semaphore(%arg18 : memref<!tpu.dma_semaphore, #tpu.memory_space<semaphore_mem>>) src(%dma_wait3A_1029 : memref<100000xf32, #tpu.memory_space<hbm>>) dst(%dma_wait3A_1024 : memref<128xf32, #tpu.memory_space<vmem>>)
      %dma_wait3A_1030 = arith.constant 15 : i32
      %dma_wait3A_1031 = arith.constant 1920 : i32
      %dma_wait3A_1032 = tpu.memref_slice %arg15[%dma_wait3A_1031] : memref<2048xf32, #tpu.memory_space<vmem>> -> memref<128xf32, #tpu.memory_space<vmem>>
      %dma_wait3A_1033 = arith.constant 0 : i32
      %dma_wait3A_1034 = tpu.memref_slice %arg11[%dma_wait3A_1030, %dma_wait3A_1033] : memref<16x128xi32, #tpu.memory_space<vmem>> -> memref<1x128xi32, #tpu.memory_space<vmem>>
      %dma_wait3A_1035 = tpu.memref_squeeze %dma_wait3A_1034 : memref<1x128xi32, #tpu.memory_space<vmem>> -> memref<128xi32, #tpu.memory_space<vmem>>
      %dma_wait3A_1036 = arith.constant 0 : i32
      %dma_wait3A_1037 = tpu.memref_slice %arg3[%dma_wait3A_1036] : memref<100000xf32, #tpu.memory_space<hbm>> -> memref<100000xf32, #tpu.memory_space<hbm>>
      tpu.wait_indirect_dma semaphore(%arg18 : memref<!tpu.dma_semaphore, #tpu.memory_space<semaphore_mem>>) src(%dma_wait3A_1037 : memref<100000xf32, #tpu.memory_space<hbm>>) dst(%dma_wait3A_1032 : memref<128xf32, #tpu.memory_space<vmem>>)
      %scan3A_1038 = arith.constant 0 : i32
      %scan3A_1039 = arith.constant 0 : i32
      %scan3A_1040 = arith.constant 128 : i32
      %scan3A_1041 = arith.addi %scan3A_1039, %scan3A_1040 : i32
      %scan3A_1042 = arith.constant 1 : i32
      scf.for %scan3A_1556 = %scan3A_1039 to %scan3A_1041 step %scan3A_1042  : i32 {
        %mul3A_1557 = arith.constant 16 : i32
        %mul3A_1558 = arith.muli %scan3A_1556, %mul3A_1557 : i32
        %get3A = arith.index_cast %mul3A_1558 : i32 to index
        %get3A_1559 = tpu.vector_load %arg14[%get3A] {strides = array<i32>} : memref<2048xf32, #tpu.memory_space<vmem>>, vector<16xf32>,
        %get3A_1560 = vector.shape_cast %get3A_1559 : vector<16xf32> to vector<16xf32>
        %get3A_1561 = arith.index_cast %mul3A_1558 : i32 to index
        %get3A_1562 = tpu.vector_load %arg12[%get3A_1561] {strides = array<i32>} : memref<2048xf32, #tpu.memory_space<vmem>>, vector<16xf32>,
        %get3A_1563 = vector.shape_cast %get3A_1562 : vector<16xf32> to vector<16xf32>
        %sub3A = arith.subf %get3A_1560, %get3A_1563 : vector<16xf32>
        %get3A_1564 = arith.index_cast %mul3A_1558 : i32 to index
        %get3A_1565 = tpu.vector_load %arg15[%get3A_1564] {strides = array<i32>} : memref<2048xf32, #tpu.memory_space<vmem>>, vector<16xf32>,
        %get3A_1566 = vector.shape_cast %get3A_1565 : vector<16xf32> to vector<16xf32>
        %get3A_1567 = arith.index_cast %mul3A_1558 : i32 to index
        %get3A_1568 = tpu.vector_load %arg13[%get3A_1567] {strides = array<i32>} : memref<2048xf32, #tpu.memory_space<vmem>>, vector<16xf32>,
        %get3A_1569 = vector.shape_cast %get3A_1568 : vector<16xf32> to vector<16xf32>
        %sub3A_1570 = arith.subf %get3A_1566, %get3A_1569 : vector<16xf32>
        %mul3A_1571 = arith.mulf %sub3A, %sub3A : vector<16xf32>
        %mul3A_1572 = arith.mulf %sub3A_1570, %sub3A_1570 : vector<16xf32>
        %add3A_1573 = arith.addf %mul3A_1571, %mul3A_1572 : vector<16xf32>
        %bitcast_convert_type3A = tpu.bitcast %add3A_1573 : vector<16xf32> -> vector<16xi32>
        %shift_right_logical3A = arith.constant 1 : i32
        %shift_right_logical3A_1574 = vector.broadcast %shift_right_logical3A : i32 to vector<16xi32>
        %shift_right_logical3A_1575 = arith.shrui %bitcast_convert_type3A, %shift_right_logical3A_1574 : vector<16xi32>
        %sub3A_1576 = arith.constant 1597463007 : i32
        %sub3A_1577 = vector.broadcast %sub3A_1576 : i32 to vector<16xi32>
        %sub3A_1578 = arith.subi %sub3A_1577, %shift_right_logical3A_1575 : vector<16xi32>
        %bitcast_convert_type3A_1579 = tpu.bitcast %sub3A_1578 : vector<16xi32> -> vector<16xf32>
        %mul3A_1580 = arith.constant 5.000000e-01 : f32
        %mul3A_1581 = vector.broadcast %mul3A_1580 : f32 to vector<16xf32>
        %mul3A_1582 = arith.mulf %mul3A_1581, %add3A_1573 : vector<16xf32>
        %mul3A_1583 = arith.mulf %mul3A_1582, %bitcast_convert_type3A_1579 : vector<16xf32>
        %mul3A_1584 = arith.mulf %mul3A_1583, %bitcast_convert_type3A_1579 : vector<16xf32>
        %sub3A_1585 = arith.constant 1.500000e+00 : f32
        %sub3A_1586 = vector.broadcast %sub3A_1585 : f32 to vector<16xf32>
        %sub3A_1587 = arith.subf %sub3A_1586, %mul3A_1584 : vector<16xf32>
        %mul3A_1588 = arith.mulf %bitcast_convert_type3A_1579, %sub3A_1587 : vector<16xf32>
        %mul3A_1589 = arith.mulf %mul3A_1582, %mul3A_1588 : vector<16xf32>
        %mul3A_1590 = arith.mulf %mul3A_1589, %mul3A_1588 : vector<16xf32>
        %sub3A_1591 = arith.constant 1.500000e+00 : f32
        %sub3A_1592 = vector.broadcast %sub3A_1591 : f32 to vector<16xf32>
        %sub3A_1593 = arith.subf %sub3A_1592, %mul3A_1590 : vector<16xf32>
        %mul3A_1594 = arith.mulf %mul3A_1588, %sub3A_1593 : vector<16xf32>
        %mul3A_1595 = arith.mulf %mul3A_1582, %mul3A_1594 : vector<16xf32>
        %mul3A_1596 = arith.mulf %mul3A_1595, %mul3A_1594 : vector<16xf32>
        %sub3A_1597 = arith.constant 1.500000e+00 : f32
        %sub3A_1598 = vector.broadcast %sub3A_1597 : f32 to vector<16xf32>
        %sub3A_1599 = arith.subf %sub3A_1598, %mul3A_1596 : vector<16xf32>
        %mul3A_1600 = arith.mulf %mul3A_1594, %sub3A_1599 : vector<16xf32>
        %mul3A_1601 = arith.mulf %add3A_1573, %mul3A_1600 : vector<16xf32>
        %gt3A = arith.constant 1.000000e-01 : f32
        %gt3A_1602 = vector.broadcast %gt3A : f32 to vector<16xf32>
        %gt3A_1603 = arith.cmpf ogt, %mul3A_1601, %gt3A_1602 : vector<16xf32>
        %jit3A = arith.constant 1.000000e+01 : f32
        %broadcast_in_dim3A = vector.broadcast %jit3A : f32 to vector<16xf32>
        %select_n3A = arith.select %gt3A_1603, %mul3A_1600, %broadcast_in_dim3A : vector<16xi1>, vector<16xf32>
        %mul3A_1604 = arith.mulf %select_n3A, %select_n3A : vector<16xf32>
        %mul3A_1605 = arith.mulf %mul3A_1604, %mul3A_1604 : vector<16xf32>
        %mul3A_1606 = arith.mulf %mul3A_1605, %mul3A_1604 : vector<16xf32>
        %mul3A_1607 = arith.constant 4.800000e+01 : f32
        %mul3A_1608 = vector.broadcast %mul3A_1607 : f32 to vector<16xf32>
        %mul3A_1609 = arith.mulf %mul3A_1608, %mul3A_1606 : vector<16xf32>
        %sub3A_1610 = arith.constant 2.400000e+01 : f32
        %sub3A_1611 = vector.broadcast %sub3A_1610 : f32 to vector<16xf32>
        %sub3A_1612 = arith.subf %mul3A_1609, %sub3A_1611 : vector<16xf32>
        %mul3A_1613 = arith.mulf %sub3A_1612, %mul3A_1606 : vector<16xf32>
        %mul3A_1614 = arith.mulf %mul3A_1613, %select_n3A : vector<16xf32>
        %max3A = arith.constant 9.99999996E-13 : f32
        %max3A_1615 = vector.broadcast %max3A : f32 to vector<16xf32>
        %max3A_1616 = arith.maximumf %mul3A_1601, %max3A_1615 : vector<16xf32>
        %div3A = arith.constant 1.000000e+00 : f32
        %div3A_1617 = vector.broadcast %div3A : f32 to vector<16xf32>
        %div3A_1618 = arith.divf %div3A_1617, %max3A_1616 : vector<16xf32>
        %mul3A_1619 = arith.mulf %mul3A_1614, %div3A_1618 : vector<16xf32>
        %mul3A_1620 = arith.mulf %mul3A_1619, %sub3A : vector<16xf32>
        %swap3A = arith.index_cast %mul3A_1558 : i32 to index
        %swap3A_1621 = tpu.vector_load %arg16[%swap3A] {strides = array<i32>} : memref<2048xf32, #tpu.memory_space<vmem>>, vector<16xf32>,
        %swap3A_1622 = vector.shape_cast %swap3A_1621 : vector<16xf32> to vector<16xf32>
        %swap3A_1623 = vector.shape_cast %mul3A_1620 : vector<16xf32> to vector<16xf32>
        tpu.vector_store %arg16[%swap3A], %swap3A_1623 {strides = array<i32>} : memref<2048xf32, #tpu.memory_space<vmem>>, vector<16xf32>,
        %mul3A_1624 = arith.mulf %mul3A_1619, %sub3A_1570 : vector<16xf32>
        %swap3A_1625 = arith.index_cast %mul3A_1558 : i32 to index
        %swap3A_1626 = tpu.vector_load %arg17[%swap3A_1625] {strides = array<i32>} : memref<2048xf32, #tpu.memory_space<vmem>>, vector<16xf32>,
        %swap3A_1627 = vector.shape_cast %swap3A_1626 : vector<16xf32> to vector<16xf32>
        %swap3A_1628 = vector.shape_cast %mul3A_1624 : vector<16xf32> to vector<16xf32>
        tpu.vector_store %arg17[%swap3A_1625], %swap3A_1628 {strides = array<i32>} : memref<2048xf32, #tpu.memory_space<vmem>>, vector<16xf32>,
      }
      %scan3A_1043 = arith.constant 128 : i32
      %dma_start3A_1044 = arith.constant 0 : i32
      %dma_start3A_1045 = arith.constant 0 : i32
      %dma_start3A_1046 = tpu.memref_slice %arg16[%dma_start3A_1045] : memref<2048xf32, #tpu.memory_space<vmem>> -> memref<128xf32, #tpu.memory_space<vmem>>
      %dma_start3A_1047 = arith.constant 0 : i32
      %dma_start3A_1048 = tpu.memref_slice %arg11[%dma_start3A_1044, %dma_start3A_1047] : memref<16x128xi32, #tpu.memory_space<vmem>> -> memref<1x128xi32, #tpu.memory_space<vmem>>
      %dma_start3A_1049 = tpu.memref_squeeze %dma_start3A_1048 : memref<1x128xi32, #tpu.memory_space<vmem>> -> memref<128xi32, #tpu.memory_space<vmem>>
      %dma_start3A_1050 = arith.constant 0 : i32
      %dma_start3A_1051 = tpu.memref_slice %arg8[%dma_start3A_1050] : memref<100352xf32, #tpu.memory_space<vmem_shared>> -> memref<100352xf32, #tpu.memory_space<vmem_shared>>
      tpu.enqueue_indirect_dma source(%dma_start3A_1046 : memref<128xf32, #tpu.memory_space<vmem>>) target(%dma_start3A_1051 : memref<100352xf32, #tpu.memory_space<vmem_shared>>) offsets(%dma_start3A_1049 : memref<128xi32, #tpu.memory_space<vmem>>) semaphore(%arg19 : memref<!tpu.dma_semaphore, #tpu.memory_space<semaphore_mem>>) {add = true}
      %dma_start3A_1052 = arith.constant 0 : i32
      %dma_start3A_1053 = arith.constant 0 : i32
      %dma_start3A_1054 = tpu.memref_slice %arg17[%dma_start3A_1053] : memref<2048xf32, #tpu.memory_space<vmem>> -> memref<128xf32, #tpu.memory_space<vmem>>
      %dma_start3A_1055 = arith.constant 0 : i32
      %dma_start3A_1056 = tpu.memref_slice %arg11[%dma_start3A_1052, %dma_start3A_1055] : memref<16x128xi32, #tpu.memory_space<vmem>> -> memref<1x128xi32, #tpu.memory_space<vmem>>
      %dma_start3A_1057 = tpu.memref_squeeze %dma_start3A_1056 : memref<1x128xi32, #tpu.memory_space<vmem>> -> memref<128xi32, #tpu.memory_space<vmem>>
      %dma_start3A_1058 = arith.constant 0 : i32
      %dma_start3A_1059 = tpu.memref_slice %arg9[%dma_start3A_1058] : memref<100352xf32, #tpu.memory_space<vmem_shared>> -> memref<100352xf32, #tpu.memory_space<vmem_shared>>
      tpu.enqueue_indirect_dma source(%dma_start3A_1054 : memref<128xf32, #tpu.memory_space<vmem>>) target(%dma_start3A_1059 : memref<100352xf32, #tpu.memory_space<vmem_shared>>) offsets(%dma_start3A_1057 : memref<128xi32, #tpu.memory_space<vmem>>) semaphore(%arg19 : memref<!tpu.dma_semaphore, #tpu.memory_space<semaphore_mem>>) {add = true}
      %dma_start3A_1060 = arith.constant 1 : i32
      %dma_start3A_1061 = arith.constant 128 : i32
      %dma_start3A_1062 = tpu.memref_slice %arg16[%dma_start3A_1061] : memref<2048xf32, #tpu.memory_space<vmem>> -> memref<128xf32, #tpu.memory_space<vmem>>
      %dma_start3A_1063 = arith.constant 0 : i32
      %dma_start3A_1064 = tpu.memref_slice %arg11[%dma_start3A_1060, %dma_start3A_1063] : memref<16x128xi32, #tpu.memory_space<vmem>> -> memref<1x128xi32, #tpu.memory_space<vmem>>
      %dma_start3A_1065 = tpu.memref_squeeze %dma_start3A_1064 : memref<1x128xi32, #tpu.memory_space<vmem>> -> memref<128xi32, #tpu.memory_space<vmem>>
      %dma_start3A_1066 = arith.constant 0 : i32
      %dma_start3A_1067 = tpu.memref_slice %arg8[%dma_start3A_1066] : memref<100352xf32, #tpu.memory_space<vmem_shared>> -> memref<100352xf32, #tpu.memory_space<vmem_shared>>
      tpu.enqueue_indirect_dma source(%dma_start3A_1062 : memref<128xf32, #tpu.memory_space<vmem>>) target(%dma_start3A_1067 : memref<100352xf32, #tpu.memory_space<vmem_shared>>) offsets(%dma_start3A_1065 : memref<128xi32, #tpu.memory_space<vmem>>) semaphore(%arg19 : memref<!tpu.dma_semaphore, #tpu.memory_space<semaphore_mem>>) {add = true}
      %dma_start3A_1068 = arith.constant 1 : i32
      %dma_start3A_1069 = arith.constant 128 : i32
      %dma_start3A_1070 = tpu.memref_slice %arg17[%dma_start3A_1069] : memref<2048xf32, #tpu.memory_space<vmem>> -> memref<128xf32, #tpu.memory_space<vmem>>
      %dma_start3A_1071 = arith.constant 0 : i32
      %dma_start3A_1072 = tpu.memref_slice %arg11[%dma_start3A_1068, %dma_start3A_1071] : memref<16x128xi32, #tpu.memory_space<vmem>> -> memref<1x128xi32, #tpu.memory_space<vmem>>
      %dma_start3A_1073 = tpu.memref_squeeze %dma_start3A_1072 : memref<1x128xi32, #tpu.memory_space<vmem>> -> memref<128xi32, #tpu.memory_space<vmem>>
      %dma_start3A_1074 = arith.constant 0 : i32
      %dma_start3A_1075 = tpu.memref_slice %arg9[%dma_start3A_1074] : memref<100352xf32, #tpu.memory_space<vmem_shared>> -> memref<100352xf32, #tpu.memory_space<vmem_shared>>
      tpu.enqueue_indirect_dma source(%dma_start3A_1070 : memref<128xf32, #tpu.memory_space<vmem>>) target(%dma_start3A_1075 : memref<100352xf32, #tpu.memory_space<vmem_shared>>) offsets(%dma_start3A_1073 : memref<128xi32, #tpu.memory_space<vmem>>) semaphore(%arg19 : memref<!tpu.dma_semaphore, #tpu.memory_space<semaphore_mem>>) {add = true}
      %dma_start3A_1076 = arith.constant 2 : i32
      %dma_start3A_1077 = arith.constant 256 : i32
      %dma_start3A_1078 = tpu.memref_slice %arg16[%dma_start3A_1077] : memref<2048xf32, #tpu.memory_space<vmem>> -> memref<128xf32, #tpu.memory_space<vmem>>
      %dma_start3A_1079 = arith.constant 0 : i32
      %dma_start3A_1080 = tpu.memref_slice %arg11[%dma_start3A_1076, %dma_start3A_1079] : memref<16x128xi32, #tpu.memory_space<vmem>> -> memref<1x128xi32, #tpu.memory_space<vmem>>
      %dma_start3A_1081 = tpu.memref_squeeze %dma_start3A_1080 : memref<1x128xi32, #tpu.memory_space<vmem>> -> memref<128xi32, #tpu.memory_space<vmem>>
      %dma_start3A_1082 = arith.constant 0 : i32
      %dma_start3A_1083 = tpu.memref_slice %arg8[%dma_start3A_1082] : memref<100352xf32, #tpu.memory_space<vmem_shared>> -> memref<100352xf32, #tpu.memory_space<vmem_shared>>
      tpu.enqueue_indirect_dma source(%dma_start3A_1078 : memref<128xf32, #tpu.memory_space<vmem>>) target(%dma_start3A_1083 : memref<100352xf32, #tpu.memory_space<vmem_shared>>) offsets(%dma_start3A_1081 : memref<128xi32, #tpu.memory_space<vmem>>) semaphore(%arg19 : memref<!tpu.dma_semaphore, #tpu.memory_space<semaphore_mem>>) {add = true}
      %dma_start3A_1084 = arith.constant 2 : i32
      %dma_start3A_1085 = arith.constant 256 : i32
      %dma_start3A_1086 = tpu.memref_slice %arg17[%dma_start3A_1085] : memref<2048xf32, #tpu.memory_space<vmem>> -> memref<128xf32, #tpu.memory_space<vmem>>
      %dma_start3A_1087 = arith.constant 0 : i32
      %dma_start3A_1088 = tpu.memref_slice %arg11[%dma_start3A_1084, %dma_start3A_1087] : memref<16x128xi32, #tpu.memory_space<vmem>> -> memref<1x128xi32, #tpu.memory_space<vmem>>
      %dma_start3A_1089 = tpu.memref_squeeze %dma_start3A_1088 : memref<1x128xi32, #tpu.memory_space<vmem>> -> memref<128xi32, #tpu.memory_space<vmem>>
      %dma_start3A_1090 = arith.constant 0 : i32
      %dma_start3A_1091 = tpu.memref_slice %arg9[%dma_start3A_1090] : memref<100352xf32, #tpu.memory_space<vmem_shared>> -> memref<100352xf32, #tpu.memory_space<vmem_shared>>
      tpu.enqueue_indirect_dma source(%dma_start3A_1086 : memref<128xf32, #tpu.memory_space<vmem>>) target(%dma_start3A_1091 : memref<100352xf32, #tpu.memory_space<vmem_shared>>) offsets(%dma_start3A_1089 : memref<128xi32, #tpu.memory_space<vmem>>) semaphore(%arg19 : memref<!tpu.dma_semaphore, #tpu.memory_space<semaphore_mem>>) {add = true}
      %dma_start3A_1092 = arith.constant 3 : i32
      %dma_start3A_1093 = arith.constant 384 : i32
      %dma_start3A_1094 = tpu.memref_slice %arg16[%dma_start3A_1093] : memref<2048xf32, #tpu.memory_space<vmem>> -> memref<128xf32, #tpu.memory_space<vmem>>
      %dma_start3A_1095 = arith.constant 0 : i32
      %dma_start3A_1096 = tpu.memref_slice %arg11[%dma_start3A_1092, %dma_start3A_1095] : memref<16x128xi32, #tpu.memory_space<vmem>> -> memref<1x128xi32, #tpu.memory_space<vmem>>
      %dma_start3A_1097 = tpu.memref_squeeze %dma_start3A_1096 : memref<1x128xi32, #tpu.memory_space<vmem>> -> memref<128xi32, #tpu.memory_space<vmem>>
      %dma_start3A_1098 = arith.constant 0 : i32
      %dma_start3A_1099 = tpu.memref_slice %arg8[%dma_start3A_1098] : memref<100352xf32, #tpu.memory_space<vmem_shared>> -> memref<100352xf32, #tpu.memory_space<vmem_shared>>
      tpu.enqueue_indirect_dma source(%dma_start3A_1094 : memref<128xf32, #tpu.memory_space<vmem>>) target(%dma_start3A_1099 : memref<100352xf32, #tpu.memory_space<vmem_shared>>) offsets(%dma_start3A_1097 : memref<128xi32, #tpu.memory_space<vmem>>) semaphore(%arg19 : memref<!tpu.dma_semaphore, #tpu.memory_space<semaphore_mem>>) {add = true}
      %dma_start3A_1100 = arith.constant 3 : i32
      %dma_start3A_1101 = arith.constant 384 : i32
      %dma_start3A_1102 = tpu.memref_slice %arg17[%dma_start3A_1101] : memref<2048xf32, #tpu.memory_space<vmem>> -> memref<128xf32, #tpu.memory_space<vmem>>
      %dma_start3A_1103 = arith.constant 0 : i32
      %dma_start3A_1104 = tpu.memref_slice %arg11[%dma_start3A_1100, %dma_start3A_1103] : memref<16x128xi32, #tpu.memory_space<vmem>> -> memref<1x128xi32, #tpu.memory_space<vmem>>
      %dma_start3A_1105 = tpu.memref_squeeze %dma_start3A_1104 : memref<1x128xi32, #tpu.memory_space<vmem>> -> memref<128xi32, #tpu.memory_space<vmem>>
      %dma_start3A_1106 = arith.constant 0 : i32
      %dma_start3A_1107 = tpu.memref_slice %arg9[%dma_start3A_1106] : memref<100352xf32, #tpu.memory_space<vmem_shared>> -> memref<100352xf32, #tpu.memory_space<vmem_shared>>
      tpu.enqueue_indirect_dma source(%dma_start3A_1102 : memref<128xf32, #tpu.memory_space<vmem>>) target(%dma_start3A_1107 : memref<100352xf32, #tpu.memory_space<vmem_shared>>) offsets(%dma_start3A_1105 : memref<128xi32, #tpu.memory_space<vmem>>) semaphore(%arg19 : memref<!tpu.dma_semaphore, #tpu.memory_space<semaphore_mem>>) {add = true}
      %dma_start3A_1108 = arith.constant 4 : i32
      %dma_start3A_1109 = arith.constant 512 : i32
      %dma_start3A_1110 = tpu.memref_slice %arg16[%dma_start3A_1109] : memref<2048xf32, #tpu.memory_space<vmem>> -> memref<128xf32, #tpu.memory_space<vmem>>
      %dma_start3A_1111 = arith.constant 0 : i32
      %dma_start3A_1112 = tpu.memref_slice %arg11[%dma_start3A_1108, %dma_start3A_1111] : memref<16x128xi32, #tpu.memory_space<vmem>> -> memref<1x128xi32, #tpu.memory_space<vmem>>
      %dma_start3A_1113 = tpu.memref_squeeze %dma_start3A_1112 : memref<1x128xi32, #tpu.memory_space<vmem>> -> memref<128xi32, #tpu.memory_space<vmem>>
      %dma_start3A_1114 = arith.constant 0 : i32
      %dma_start3A_1115 = tpu.memref_slice %arg8[%dma_start3A_1114] : memref<100352xf32, #tpu.memory_space<vmem_shared>> -> memref<100352xf32, #tpu.memory_space<vmem_shared>>
      tpu.enqueue_indirect_dma source(%dma_start3A_1110 : memref<128xf32, #tpu.memory_space<vmem>>) target(%dma_start3A_1115 : memref<100352xf32, #tpu.memory_space<vmem_shared>>) offsets(%dma_start3A_1113 : memref<128xi32, #tpu.memory_space<vmem>>) semaphore(%arg19 : memref<!tpu.dma_semaphore, #tpu.memory_space<semaphore_mem>>) {add = true}
      %dma_start3A_1116 = arith.constant 4 : i32
      %dma_start3A_1117 = arith.constant 512 : i32
      %dma_start3A_1118 = tpu.memref_slice %arg17[%dma_start3A_1117] : memref<2048xf32, #tpu.memory_space<vmem>> -> memref<128xf32, #tpu.memory_space<vmem>>
      %dma_start3A_1119 = arith.constant 0 : i32
      %dma_start3A_1120 = tpu.memref_slice %arg11[%dma_start3A_1116, %dma_start3A_1119] : memref<16x128xi32, #tpu.memory_space<vmem>> -> memref<1x128xi32, #tpu.memory_space<vmem>>
      %dma_start3A_1121 = tpu.memref_squeeze %dma_start3A_1120 : memref<1x128xi32, #tpu.memory_space<vmem>> -> memref<128xi32, #tpu.memory_space<vmem>>
      %dma_start3A_1122 = arith.constant 0 : i32
      %dma_start3A_1123 = tpu.memref_slice %arg9[%dma_start3A_1122] : memref<100352xf32, #tpu.memory_space<vmem_shared>> -> memref<100352xf32, #tpu.memory_space<vmem_shared>>
      tpu.enqueue_indirect_dma source(%dma_start3A_1118 : memref<128xf32, #tpu.memory_space<vmem>>) target(%dma_start3A_1123 : memref<100352xf32, #tpu.memory_space<vmem_shared>>) offsets(%dma_start3A_1121 : memref<128xi32, #tpu.memory_space<vmem>>) semaphore(%arg19 : memref<!tpu.dma_semaphore, #tpu.memory_space<semaphore_mem>>) {add = true}
      %dma_start3A_1124 = arith.constant 5 : i32
      %dma_start3A_1125 = arith.constant 640 : i32
      %dma_start3A_1126 = tpu.memref_slice %arg16[%dma_start3A_1125] : memref<2048xf32, #tpu.memory_space<vmem>> -> memref<128xf32, #tpu.memory_space<vmem>>
      %dma_start3A_1127 = arith.constant 0 : i32
      %dma_start3A_1128 = tpu.memref_slice %arg11[%dma_start3A_1124, %dma_start3A_1127] : memref<16x128xi32, #tpu.memory_space<vmem>> -> memref<1x128xi32, #tpu.memory_space<vmem>>
      %dma_start3A_1129 = tpu.memref_squeeze %dma_start3A_1128 : memref<1x128xi32, #tpu.memory_space<vmem>> -> memref<128xi32, #tpu.memory_space<vmem>>
      %dma_start3A_1130 = arith.constant 0 : i32
      %dma_start3A_1131 = tpu.memref_slice %arg8[%dma_start3A_1130] : memref<100352xf32, #tpu.memory_space<vmem_shared>> -> memref<100352xf32, #tpu.memory_space<vmem_shared>>
      tpu.enqueue_indirect_dma source(%dma_start3A_1126 : memref<128xf32, #tpu.memory_space<vmem>>) target(%dma_start3A_1131 : memref<100352xf32, #tpu.memory_space<vmem_shared>>) offsets(%dma_start3A_1129 : memref<128xi32, #tpu.memory_space<vmem>>) semaphore(%arg19 : memref<!tpu.dma_semaphore, #tpu.memory_space<semaphore_mem>>) {add = true}
      %dma_start3A_1132 = arith.constant 5 : i32
      %dma_start3A_1133 = arith.constant 640 : i32
      %dma_start3A_1134 = tpu.memref_slice %arg17[%dma_start3A_1133] : memref<2048xf32, #tpu.memory_space<vmem>> -> memref<128xf32, #tpu.memory_space<vmem>>
      %dma_start3A_1135 = arith.constant 0 : i32
      %dma_start3A_1136 = tpu.memref_slice %arg11[%dma_start3A_1132, %dma_start3A_1135] : memref<16x128xi32, #tpu.memory_space<vmem>> -> memref<1x128xi32, #tpu.memory_space<vmem>>
      %dma_start3A_1137 = tpu.memref_squeeze %dma_start3A_1136 : memref<1x128xi32, #tpu.memory_space<vmem>> -> memref<128xi32, #tpu.memory_space<vmem>>
      %dma_start3A_1138 = arith.constant 0 : i32
      %dma_start3A_1139 = tpu.memref_slice %arg9[%dma_start3A_1138] : memref<100352xf32, #tpu.memory_space<vmem_shared>> -> memref<100352xf32, #tpu.memory_space<vmem_shared>>
      tpu.enqueue_indirect_dma source(%dma_start3A_1134 : memref<128xf32, #tpu.memory_space<vmem>>) target(%dma_start3A_1139 : memref<100352xf32, #tpu.memory_space<vmem_shared>>) offsets(%dma_start3A_1137 : memref<128xi32, #tpu.memory_space<vmem>>) semaphore(%arg19 : memref<!tpu.dma_semaphore, #tpu.memory_space<semaphore_mem>>) {add = true}
      %dma_start3A_1140 = arith.constant 6 : i32
      %dma_start3A_1141 = arith.constant 768 : i32
      %dma_start3A_1142 = tpu.memref_slice %arg16[%dma_start3A_1141] : memref<2048xf32, #tpu.memory_space<vmem>> -> memref<128xf32, #tpu.memory_space<vmem>>
      %dma_start3A_1143 = arith.constant 0 : i32
      %dma_start3A_1144 = tpu.memref_slice %arg11[%dma_start3A_1140, %dma_start3A_1143] : memref<16x128xi32, #tpu.memory_space<vmem>> -> memref<1x128xi32, #tpu.memory_space<vmem>>
      %dma_start3A_1145 = tpu.memref_squeeze %dma_start3A_1144 : memref<1x128xi32, #tpu.memory_space<vmem>> -> memref<128xi32, #tpu.memory_space<vmem>>
      %dma_start3A_1146 = arith.constant 0 : i32
      %dma_start3A_1147 = tpu.memref_slice %arg8[%dma_start3A_1146] : memref<100352xf32, #tpu.memory_space<vmem_shared>> -> memref<100352xf32, #tpu.memory_space<vmem_shared>>
      tpu.enqueue_indirect_dma source(%dma_start3A_1142 : memref<128xf32, #tpu.memory_space<vmem>>) target(%dma_start3A_1147 : memref<100352xf32, #tpu.memory_space<vmem_shared>>) offsets(%dma_start3A_1145 : memref<128xi32, #tpu.memory_space<vmem>>) semaphore(%arg19 : memref<!tpu.dma_semaphore, #tpu.memory_space<semaphore_mem>>) {add = true}
      %dma_start3A_1148 = arith.constant 6 : i32
      %dma_start3A_1149 = arith.constant 768 : i32
      %dma_start3A_1150 = tpu.memref_slice %arg17[%dma_start3A_1149] : memref<2048xf32, #tpu.memory_space<vmem>> -> memref<128xf32, #tpu.memory_space<vmem>>
      %dma_start3A_1151 = arith.constant 0 : i32
      %dma_start3A_1152 = tpu.memref_slice %arg11[%dma_start3A_1148, %dma_start3A_1151] : memref<16x128xi32, #tpu.memory_space<vmem>> -> memref<1x128xi32, #tpu.memory_space<vmem>>
      %dma_start3A_1153 = tpu.memref_squeeze %dma_start3A_1152 : memref<1x128xi32, #tpu.memory_space<vmem>> -> memref<128xi32, #tpu.memory_space<vmem>>
      %dma_start3A_1154 = arith.constant 0 : i32
      %dma_start3A_1155 = tpu.memref_slice %arg9[%dma_start3A_1154] : memref<100352xf32, #tpu.memory_space<vmem_shared>> -> memref<100352xf32, #tpu.memory_space<vmem_shared>>
      tpu.enqueue_indirect_dma source(%dma_start3A_1150 : memref<128xf32, #tpu.memory_space<vmem>>) target(%dma_start3A_1155 : memref<100352xf32, #tpu.memory_space<vmem_shared>>) offsets(%dma_start3A_1153 : memref<128xi32, #tpu.memory_space<vmem>>) semaphore(%arg19 : memref<!tpu.dma_semaphore, #tpu.memory_space<semaphore_mem>>) {add = true}
      %dma_start3A_1156 = arith.constant 7 : i32
      %dma_start3A_1157 = arith.constant 896 : i32
      %dma_start3A_1158 = tpu.memref_slice %arg16[%dma_start3A_1157] : memref<2048xf32, #tpu.memory_space<vmem>> -> memref<128xf32, #tpu.memory_space<vmem>>
      %dma_start3A_1159 = arith.constant 0 : i32
      %dma_start3A_1160 = tpu.memref_slice %arg11[%dma_start3A_1156, %dma_start3A_1159] : memref<16x128xi32, #tpu.memory_space<vmem>> -> memref<1x128xi32, #tpu.memory_space<vmem>>
      %dma_start3A_1161 = tpu.memref_squeeze %dma_start3A_1160 : memref<1x128xi32, #tpu.memory_space<vmem>> -> memref<128xi32, #tpu.memory_space<vmem>>
      %dma_start3A_1162 = arith.constant 0 : i32
      %dma_start3A_1163 = tpu.memref_slice %arg8[%dma_start3A_1162] : memref<100352xf32, #tpu.memory_space<vmem_shared>> -> memref<100352xf32, #tpu.memory_space<vmem_shared>>
      tpu.enqueue_indirect_dma source(%dma_start3A_1158 : memref<128xf32, #tpu.memory_space<vmem>>) target(%dma_start3A_1163 : memref<100352xf32, #tpu.memory_space<vmem_shared>>) offsets(%dma_start3A_1161 : memref<128xi32, #tpu.memory_space<vmem>>) semaphore(%arg19 : memref<!tpu.dma_semaphore, #tpu.memory_space<semaphore_mem>>) {add = true}
      %dma_start3A_1164 = arith.constant 7 : i32
      %dma_start3A_1165 = arith.constant 896 : i32
      %dma_start3A_1166 = tpu.memref_slice %arg17[%dma_start3A_1165] : memref<2048xf32, #tpu.memory_space<vmem>> -> memref<128xf32, #tpu.memory_space<vmem>>
      %dma_start3A_1167 = arith.constant 0 : i32
      %dma_start3A_1168 = tpu.memref_slice %arg11[%dma_start3A_1164, %dma_start3A_1167] : memref<16x128xi32, #tpu.memory_space<vmem>> -> memref<1x128xi32, #tpu.memory_space<vmem>>
      %dma_start3A_1169 = tpu.memref_squeeze %dma_start3A_1168 : memref<1x128xi32, #tpu.memory_space<vmem>> -> memref<128xi32, #tpu.memory_space<vmem>>
      %dma_start3A_1170 = arith.constant 0 : i32
      %dma_start3A_1171 = tpu.memref_slice %arg9[%dma_start3A_1170] : memref<100352xf32, #tpu.memory_space<vmem_shared>> -> memref<100352xf32, #tpu.memory_space<vmem_shared>>
      tpu.enqueue_indirect_dma source(%dma_start3A_1166 : memref<128xf32, #tpu.memory_space<vmem>>) target(%dma_start3A_1171 : memref<100352xf32, #tpu.memory_space<vmem_shared>>) offsets(%dma_start3A_1169 : memref<128xi32, #tpu.memory_space<vmem>>) semaphore(%arg19 : memref<!tpu.dma_semaphore, #tpu.memory_space<semaphore_mem>>) {add = true}
      %dma_start3A_1172 = arith.constant 8 : i32
      %dma_start3A_1173 = arith.constant 1024 : i32
      %dma_start3A_1174 = tpu.memref_slice %arg16[%dma_start3A_1173] : memref<2048xf32, #tpu.memory_space<vmem>> -> memref<128xf32, #tpu.memory_space<vmem>>
      %dma_start3A_1175 = arith.constant 0 : i32
      %dma_start3A_1176 = tpu.memref_slice %arg11[%dma_start3A_1172, %dma_start3A_1175] : memref<16x128xi32, #tpu.memory_space<vmem>> -> memref<1x128xi32, #tpu.memory_space<vmem>>
      %dma_start3A_1177 = tpu.memref_squeeze %dma_start3A_1176 : memref<1x128xi32, #tpu.memory_space<vmem>> -> memref<128xi32, #tpu.memory_space<vmem>>
      %dma_start3A_1178 = arith.constant 0 : i32
      %dma_start3A_1179 = tpu.memref_slice %arg8[%dma_start3A_1178] : memref<100352xf32, #tpu.memory_space<vmem_shared>> -> memref<100352xf32, #tpu.memory_space<vmem_shared>>
      tpu.enqueue_indirect_dma source(%dma_start3A_1174 : memref<128xf32, #tpu.memory_space<vmem>>) target(%dma_start3A_1179 : memref<100352xf32, #tpu.memory_space<vmem_shared>>) offsets(%dma_start3A_1177 : memref<128xi32, #tpu.memory_space<vmem>>) semaphore(%arg19 : memref<!tpu.dma_semaphore, #tpu.memory_space<semaphore_mem>>) {add = true}
      %dma_start3A_1180 = arith.constant 8 : i32
      %dma_start3A_1181 = arith.constant 1024 : i32
      %dma_start3A_1182 = tpu.memref_slice %arg17[%dma_start3A_1181] : memref<2048xf32, #tpu.memory_space<vmem>> -> memref<128xf32, #tpu.memory_space<vmem>>
      %dma_start3A_1183 = arith.constant 0 : i32
      %dma_start3A_1184 = tpu.memref_slice %arg11[%dma_start3A_1180, %dma_start3A_1183] : memref<16x128xi32, #tpu.memory_space<vmem>> -> memref<1x128xi32, #tpu.memory_space<vmem>>
      %dma_start3A_1185 = tpu.memref_squeeze %dma_start3A_1184 : memref<1x128xi32, #tpu.memory_space<vmem>> -> memref<128xi32, #tpu.memory_space<vmem>>
      %dma_start3A_1186 = arith.constant 0 : i32
      %dma_start3A_1187 = tpu.memref_slice %arg9[%dma_start3A_1186] : memref<100352xf32, #tpu.memory_space<vmem_shared>> -> memref<100352xf32, #tpu.memory_space<vmem_shared>>
      tpu.enqueue_indirect_dma source(%dma_start3A_1182 : memref<128xf32, #tpu.memory_space<vmem>>) target(%dma_start3A_1187 : memref<100352xf32, #tpu.memory_space<vmem_shared>>) offsets(%dma_start3A_1185 : memref<128xi32, #tpu.memory_space<vmem>>) semaphore(%arg19 : memref<!tpu.dma_semaphore, #tpu.memory_space<semaphore_mem>>) {add = true}
      %dma_start3A_1188 = arith.constant 9 : i32
      %dma_start3A_1189 = arith.constant 1152 : i32
      %dma_start3A_1190 = tpu.memref_slice %arg16[%dma_start3A_1189] : memref<2048xf32, #tpu.memory_space<vmem>> -> memref<128xf32, #tpu.memory_space<vmem>>
      %dma_start3A_1191 = arith.constant 0 : i32
      %dma_start3A_1192 = tpu.memref_slice %arg11[%dma_start3A_1188, %dma_start3A_1191] : memref<16x128xi32, #tpu.memory_space<vmem>> -> memref<1x128xi32, #tpu.memory_space<vmem>>
      %dma_start3A_1193 = tpu.memref_squeeze %dma_start3A_1192 : memref<1x128xi32, #tpu.memory_space<vmem>> -> memref<128xi32, #tpu.memory_space<vmem>>
      %dma_start3A_1194 = arith.constant 0 : i32
      %dma_start3A_1195 = tpu.memref_slice %arg8[%dma_start3A_1194] : memref<100352xf32, #tpu.memory_space<vmem_shared>> -> memref<100352xf32, #tpu.memory_space<vmem_shared>>
      tpu.enqueue_indirect_dma source(%dma_start3A_1190 : memref<128xf32, #tpu.memory_space<vmem>>) target(%dma_start3A_1195 : memref<100352xf32, #tpu.memory_space<vmem_shared>>) offsets(%dma_start3A_1193 : memref<128xi32, #tpu.memory_space<vmem>>) semaphore(%arg19 : memref<!tpu.dma_semaphore, #tpu.memory_space<semaphore_mem>>) {add = true}
      %dma_start3A_1196 = arith.constant 9 : i32
      %dma_start3A_1197 = arith.constant 1152 : i32
      %dma_start3A_1198 = tpu.memref_slice %arg17[%dma_start3A_1197] : memref<2048xf32, #tpu.memory_space<vmem>> -> memref<128xf32, #tpu.memory_space<vmem>>
      %dma_start3A_1199 = arith.constant 0 : i32
      %dma_start3A_1200 = tpu.memref_slice %arg11[%dma_start3A_1196, %dma_start3A_1199] : memref<16x128xi32, #tpu.memory_space<vmem>> -> memref<1x128xi32, #tpu.memory_space<vmem>>
      %dma_start3A_1201 = tpu.memref_squeeze %dma_start3A_1200 : memref<1x128xi32, #tpu.memory_space<vmem>> -> memref<128xi32, #tpu.memory_space<vmem>>
      %dma_start3A_1202 = arith.constant 0 : i32
      %dma_start3A_1203 = tpu.memref_slice %arg9[%dma_start3A_1202] : memref<100352xf32, #tpu.memory_space<vmem_shared>> -> memref<100352xf32, #tpu.memory_space<vmem_shared>>
      tpu.enqueue_indirect_dma source(%dma_start3A_1198 : memref<128xf32, #tpu.memory_space<vmem>>) target(%dma_start3A_1203 : memref<100352xf32, #tpu.memory_space<vmem_shared>>) offsets(%dma_start3A_1201 : memref<128xi32, #tpu.memory_space<vmem>>) semaphore(%arg19 : memref<!tpu.dma_semaphore, #tpu.memory_space<semaphore_mem>>) {add = true}
      %dma_start3A_1204 = arith.constant 10 : i32
      %dma_start3A_1205 = arith.constant 1280 : i32
      %dma_start3A_1206 = tpu.memref_slice %arg16[%dma_start3A_1205] : memref<2048xf32, #tpu.memory_space<vmem>> -> memref<128xf32, #tpu.memory_space<vmem>>
      %dma_start3A_1207 = arith.constant 0 : i32
      %dma_start3A_1208 = tpu.memref_slice %arg11[%dma_start3A_1204, %dma_start3A_1207] : memref<16x128xi32, #tpu.memory_space<vmem>> -> memref<1x128xi32, #tpu.memory_space<vmem>>
      %dma_start3A_1209 = tpu.memref_squeeze %dma_start3A_1208 : memref<1x128xi32, #tpu.memory_space<vmem>> -> memref<128xi32, #tpu.memory_space<vmem>>
      %dma_start3A_1210 = arith.constant 0 : i32
      %dma_start3A_1211 = tpu.memref_slice %arg8[%dma_start3A_1210] : memref<100352xf32, #tpu.memory_space<vmem_shared>> -> memref<100352xf32, #tpu.memory_space<vmem_shared>>
      tpu.enqueue_indirect_dma source(%dma_start3A_1206 : memref<128xf32, #tpu.memory_space<vmem>>) target(%dma_start3A_1211 : memref<100352xf32, #tpu.memory_space<vmem_shared>>) offsets(%dma_start3A_1209 : memref<128xi32, #tpu.memory_space<vmem>>) semaphore(%arg19 : memref<!tpu.dma_semaphore, #tpu.memory_space<semaphore_mem>>) {add = true}
      %dma_start3A_1212 = arith.constant 10 : i32
      %dma_start3A_1213 = arith.constant 1280 : i32
      %dma_start3A_1214 = tpu.memref_slice %arg17[%dma_start3A_1213] : memref<2048xf32, #tpu.memory_space<vmem>> -> memref<128xf32, #tpu.memory_space<vmem>>
      %dma_start3A_1215 = arith.constant 0 : i32
      %dma_start3A_1216 = tpu.memref_slice %arg11[%dma_start3A_1212, %dma_start3A_1215] : memref<16x128xi32, #tpu.memory_space<vmem>> -> memref<1x128xi32, #tpu.memory_space<vmem>>
      %dma_start3A_1217 = tpu.memref_squeeze %dma_start3A_1216 : memref<1x128xi32, #tpu.memory_space<vmem>> -> memref<128xi32, #tpu.memory_space<vmem>>
      %dma_start3A_1218 = arith.constant 0 : i32
      %dma_start3A_1219 = tpu.memref_slice %arg9[%dma_start3A_1218] : memref<100352xf32, #tpu.memory_space<vmem_shared>> -> memref<100352xf32, #tpu.memory_space<vmem_shared>>
      tpu.enqueue_indirect_dma source(%dma_start3A_1214 : memref<128xf32, #tpu.memory_space<vmem>>) target(%dma_start3A_1219 : memref<100352xf32, #tpu.memory_space<vmem_shared>>) offsets(%dma_start3A_1217 : memref<128xi32, #tpu.memory_space<vmem>>) semaphore(%arg19 : memref<!tpu.dma_semaphore, #tpu.memory_space<semaphore_mem>>) {add = true}
      %dma_start3A_1220 = arith.constant 11 : i32
      %dma_start3A_1221 = arith.constant 1408 : i32
      %dma_start3A_1222 = tpu.memref_slice %arg16[%dma_start3A_1221] : memref<2048xf32, #tpu.memory_space<vmem>> -> memref<128xf32, #tpu.memory_space<vmem>>
      %dma_start3A_1223 = arith.constant 0 : i32
      %dma_start3A_1224 = tpu.memref_slice %arg11[%dma_start3A_1220, %dma_start3A_1223] : memref<16x128xi32, #tpu.memory_space<vmem>> -> memref<1x128xi32, #tpu.memory_space<vmem>>
      %dma_start3A_1225 = tpu.memref_squeeze %dma_start3A_1224 : memref<1x128xi32, #tpu.memory_space<vmem>> -> memref<128xi32, #tpu.memory_space<vmem>>
      %dma_start3A_1226 = arith.constant 0 : i32
      %dma_start3A_1227 = tpu.memref_slice %arg8[%dma_start3A_1226] : memref<100352xf32, #tpu.memory_space<vmem_shared>> -> memref<100352xf32, #tpu.memory_space<vmem_shared>>
      tpu.enqueue_indirect_dma source(%dma_start3A_1222 : memref<128xf32, #tpu.memory_space<vmem>>) target(%dma_start3A_1227 : memref<100352xf32, #tpu.memory_space<vmem_shared>>) offsets(%dma_start3A_1225 : memref<128xi32, #tpu.memory_space<vmem>>) semaphore(%arg19 : memref<!tpu.dma_semaphore, #tpu.memory_space<semaphore_mem>>) {add = true}
      %dma_start3A_1228 = arith.constant 11 : i32
      %dma_start3A_1229 = arith.constant 1408 : i32
      %dma_start3A_1230 = tpu.memref_slice %arg17[%dma_start3A_1229] : memref<2048xf32, #tpu.memory_space<vmem>> -> memref<128xf32, #tpu.memory_space<vmem>>
      %dma_start3A_1231 = arith.constant 0 : i32
      %dma_start3A_1232 = tpu.memref_slice %arg11[%dma_start3A_1228, %dma_start3A_1231] : memref<16x128xi32, #tpu.memory_space<vmem>> -> memref<1x128xi32, #tpu.memory_space<vmem>>
      %dma_start3A_1233 = tpu.memref_squeeze %dma_start3A_1232 : memref<1x128xi32, #tpu.memory_space<vmem>> -> memref<128xi32, #tpu.memory_space<vmem>>
      %dma_start3A_1234 = arith.constant 0 : i32
      %dma_start3A_1235 = tpu.memref_slice %arg9[%dma_start3A_1234] : memref<100352xf32, #tpu.memory_space<vmem_shared>> -> memref<100352xf32, #tpu.memory_space<vmem_shared>>
      tpu.enqueue_indirect_dma source(%dma_start3A_1230 : memref<128xf32, #tpu.memory_space<vmem>>) target(%dma_start3A_1235 : memref<100352xf32, #tpu.memory_space<vmem_shared>>) offsets(%dma_start3A_1233 : memref<128xi32, #tpu.memory_space<vmem>>) semaphore(%arg19 : memref<!tpu.dma_semaphore, #tpu.memory_space<semaphore_mem>>) {add = true}
      %dma_start3A_1236 = arith.constant 12 : i32
      %dma_start3A_1237 = arith.constant 1536 : i32
      %dma_start3A_1238 = tpu.memref_slice %arg16[%dma_start3A_1237] : memref<2048xf32, #tpu.memory_space<vmem>> -> memref<128xf32, #tpu.memory_space<vmem>>
      %dma_start3A_1239 = arith.constant 0 : i32
      %dma_start3A_1240 = tpu.memref_slice %arg11[%dma_start3A_1236, %dma_start3A_1239] : memref<16x128xi32, #tpu.memory_space<vmem>> -> memref<1x128xi32, #tpu.memory_space<vmem>>
      %dma_start3A_1241 = tpu.memref_squeeze %dma_start3A_1240 : memref<1x128xi32, #tpu.memory_space<vmem>> -> memref<128xi32, #tpu.memory_space<vmem>>
      %dma_start3A_1242 = arith.constant 0 : i32
      %dma_start3A_1243 = tpu.memref_slice %arg8[%dma_start3A_1242] : memref<100352xf32, #tpu.memory_space<vmem_shared>> -> memref<100352xf32, #tpu.memory_space<vmem_shared>>
      tpu.enqueue_indirect_dma source(%dma_start3A_1238 : memref<128xf32, #tpu.memory_space<vmem>>) target(%dma_start3A_1243 : memref<100352xf32, #tpu.memory_space<vmem_shared>>) offsets(%dma_start3A_1241 : memref<128xi32, #tpu.memory_space<vmem>>) semaphore(%arg19 : memref<!tpu.dma_semaphore, #tpu.memory_space<semaphore_mem>>) {add = true}
      %dma_start3A_1244 = arith.constant 12 : i32
      %dma_start3A_1245 = arith.constant 1536 : i32
      %dma_start3A_1246 = tpu.memref_slice %arg17[%dma_start3A_1245] : memref<2048xf32, #tpu.memory_space<vmem>> -> memref<128xf32, #tpu.memory_space<vmem>>
      %dma_start3A_1247 = arith.constant 0 : i32
      %dma_start3A_1248 = tpu.memref_slice %arg11[%dma_start3A_1244, %dma_start3A_1247] : memref<16x128xi32, #tpu.memory_space<vmem>> -> memref<1x128xi32, #tpu.memory_space<vmem>>
      %dma_start3A_1249 = tpu.memref_squeeze %dma_start3A_1248 : memref<1x128xi32, #tpu.memory_space<vmem>> -> memref<128xi32, #tpu.memory_space<vmem>>
      %dma_start3A_1250 = arith.constant 0 : i32
      %dma_start3A_1251 = tpu.memref_slice %arg9[%dma_start3A_1250] : memref<100352xf32, #tpu.memory_space<vmem_shared>> -> memref<100352xf32, #tpu.memory_space<vmem_shared>>
      tpu.enqueue_indirect_dma source(%dma_start3A_1246 : memref<128xf32, #tpu.memory_space<vmem>>) target(%dma_start3A_1251 : memref<100352xf32, #tpu.memory_space<vmem_shared>>) offsets(%dma_start3A_1249 : memref<128xi32, #tpu.memory_space<vmem>>) semaphore(%arg19 : memref<!tpu.dma_semaphore, #tpu.memory_space<semaphore_mem>>) {add = true}
      %dma_start3A_1252 = arith.constant 13 : i32
      %dma_start3A_1253 = arith.constant 1664 : i32
      %dma_start3A_1254 = tpu.memref_slice %arg16[%dma_start3A_1253] : memref<2048xf32, #tpu.memory_space<vmem>> -> memref<128xf32, #tpu.memory_space<vmem>>
      %dma_start3A_1255 = arith.constant 0 : i32
      %dma_start3A_1256 = tpu.memref_slice %arg11[%dma_start3A_1252, %dma_start3A_1255] : memref<16x128xi32, #tpu.memory_space<vmem>> -> memref<1x128xi32, #tpu.memory_space<vmem>>
      %dma_start3A_1257 = tpu.memref_squeeze %dma_start3A_1256 : memref<1x128xi32, #tpu.memory_space<vmem>> -> memref<128xi32, #tpu.memory_space<vmem>>
      %dma_start3A_1258 = arith.constant 0 : i32
      %dma_start3A_1259 = tpu.memref_slice %arg8[%dma_start3A_1258] : memref<100352xf32, #tpu.memory_space<vmem_shared>> -> memref<100352xf32, #tpu.memory_space<vmem_shared>>
      tpu.enqueue_indirect_dma source(%dma_start3A_1254 : memref<128xf32, #tpu.memory_space<vmem>>) target(%dma_start3A_1259 : memref<100352xf32, #tpu.memory_space<vmem_shared>>) offsets(%dma_start3A_1257 : memref<128xi32, #tpu.memory_space<vmem>>) semaphore(%arg19 : memref<!tpu.dma_semaphore, #tpu.memory_space<semaphore_mem>>) {add = true}
      %dma_start3A_1260 = arith.constant 13 : i32
      %dma_start3A_1261 = arith.constant 1664 : i32
      %dma_start3A_1262 = tpu.memref_slice %arg17[%dma_start3A_1261] : memref<2048xf32, #tpu.memory_space<vmem>> -> memref<128xf32, #tpu.memory_space<vmem>>
      %dma_start3A_1263 = arith.constant 0 : i32
      %dma_start3A_1264 = tpu.memref_slice %arg11[%dma_start3A_1260, %dma_start3A_1263] : memref<16x128xi32, #tpu.memory_space<vmem>> -> memref<1x128xi32, #tpu.memory_space<vmem>>
      %dma_start3A_1265 = tpu.memref_squeeze %dma_start3A_1264 : memref<1x128xi32, #tpu.memory_space<vmem>> -> memref<128xi32, #tpu.memory_space<vmem>>
      %dma_start3A_1266 = arith.constant 0 : i32
      %dma_start3A_1267 = tpu.memref_slice %arg9[%dma_start3A_1266] : memref<100352xf32, #tpu.memory_space<vmem_shared>> -> memref<100352xf32, #tpu.memory_space<vmem_shared>>
      tpu.enqueue_indirect_dma source(%dma_start3A_1262 : memref<128xf32, #tpu.memory_space<vmem>>) target(%dma_start3A_1267 : memref<100352xf32, #tpu.memory_space<vmem_shared>>) offsets(%dma_start3A_1265 : memref<128xi32, #tpu.memory_space<vmem>>) semaphore(%arg19 : memref<!tpu.dma_semaphore, #tpu.memory_space<semaphore_mem>>) {add = true}
      %dma_start3A_1268 = arith.constant 14 : i32
      %dma_start3A_1269 = arith.constant 1792 : i32
      %dma_start3A_1270 = tpu.memref_slice %arg16[%dma_start3A_1269] : memref<2048xf32, #tpu.memory_space<vmem>> -> memref<128xf32, #tpu.memory_space<vmem>>
      %dma_start3A_1271 = arith.constant 0 : i32
      %dma_start3A_1272 = tpu.memref_slice %arg11[%dma_start3A_1268, %dma_start3A_1271] : memref<16x128xi32, #tpu.memory_space<vmem>> -> memref<1x128xi32, #tpu.memory_space<vmem>>
      %dma_start3A_1273 = tpu.memref_squeeze %dma_start3A_1272 : memref<1x128xi32, #tpu.memory_space<vmem>> -> memref<128xi32, #tpu.memory_space<vmem>>
      %dma_start3A_1274 = arith.constant 0 : i32
      %dma_start3A_1275 = tpu.memref_slice %arg8[%dma_start3A_1274] : memref<100352xf32, #tpu.memory_space<vmem_shared>> -> memref<100352xf32, #tpu.memory_space<vmem_shared>>
      tpu.enqueue_indirect_dma source(%dma_start3A_1270 : memref<128xf32, #tpu.memory_space<vmem>>) target(%dma_start3A_1275 : memref<100352xf32, #tpu.memory_space<vmem_shared>>) offsets(%dma_start3A_1273 : memref<128xi32, #tpu.memory_space<vmem>>) semaphore(%arg19 : memref<!tpu.dma_semaphore, #tpu.memory_space<semaphore_mem>>) {add = true}
      %dma_start3A_1276 = arith.constant 14 : i32
      %dma_start3A_1277 = arith.constant 1792 : i32
      %dma_start3A_1278 = tpu.memref_slice %arg17[%dma_start3A_1277] : memref<2048xf32, #tpu.memory_space<vmem>> -> memref<128xf32, #tpu.memory_space<vmem>>
      %dma_start3A_1279 = arith.constant 0 : i32
      %dma_start3A_1280 = tpu.memref_slice %arg11[%dma_start3A_1276, %dma_start3A_1279] : memref<16x128xi32, #tpu.memory_space<vmem>> -> memref<1x128xi32, #tpu.memory_space<vmem>>
      %dma_start3A_1281 = tpu.memref_squeeze %dma_start3A_1280 : memref<1x128xi32, #tpu.memory_space<vmem>> -> memref<128xi32, #tpu.memory_space<vmem>>
      %dma_start3A_1282 = arith.constant 0 : i32
      %dma_start3A_1283 = tpu.memref_slice %arg9[%dma_start3A_1282] : memref<100352xf32, #tpu.memory_space<vmem_shared>> -> memref<100352xf32, #tpu.memory_space<vmem_shared>>
      tpu.enqueue_indirect_dma source(%dma_start3A_1278 : memref<128xf32, #tpu.memory_space<vmem>>) target(%dma_start3A_1283 : memref<100352xf32, #tpu.memory_space<vmem_shared>>) offsets(%dma_start3A_1281 : memref<128xi32, #tpu.memory_space<vmem>>) semaphore(%arg19 : memref<!tpu.dma_semaphore, #tpu.memory_space<semaphore_mem>>) {add = true}
      %dma_start3A_1284 = arith.constant 15 : i32
      %dma_start3A_1285 = arith.constant 1920 : i32
      %dma_start3A_1286 = tpu.memref_slice %arg16[%dma_start3A_1285] : memref<2048xf32, #tpu.memory_space<vmem>> -> memref<128xf32, #tpu.memory_space<vmem>>
      %dma_start3A_1287 = arith.constant 0 : i32
      %dma_start3A_1288 = tpu.memref_slice %arg11[%dma_start3A_1284, %dma_start3A_1287] : memref<16x128xi32, #tpu.memory_space<vmem>> -> memref<1x128xi32, #tpu.memory_space<vmem>>
      %dma_start3A_1289 = tpu.memref_squeeze %dma_start3A_1288 : memref<1x128xi32, #tpu.memory_space<vmem>> -> memref<128xi32, #tpu.memory_space<vmem>>
      %dma_start3A_1290 = arith.constant 0 : i32
      %dma_start3A_1291 = tpu.memref_slice %arg8[%dma_start3A_1290] : memref<100352xf32, #tpu.memory_space<vmem_shared>> -> memref<100352xf32, #tpu.memory_space<vmem_shared>>
      tpu.enqueue_indirect_dma source(%dma_start3A_1286 : memref<128xf32, #tpu.memory_space<vmem>>) target(%dma_start3A_1291 : memref<100352xf32, #tpu.memory_space<vmem_shared>>) offsets(%dma_start3A_1289 : memref<128xi32, #tpu.memory_space<vmem>>) semaphore(%arg19 : memref<!tpu.dma_semaphore, #tpu.memory_space<semaphore_mem>>) {add = true}
      %dma_start3A_1292 = arith.constant 15 : i32
      %dma_start3A_1293 = arith.constant 1920 : i32
      %dma_start3A_1294 = tpu.memref_slice %arg17[%dma_start3A_1293] : memref<2048xf32, #tpu.memory_space<vmem>> -> memref<128xf32, #tpu.memory_space<vmem>>
      %dma_start3A_1295 = arith.constant 0 : i32
      %dma_start3A_1296 = tpu.memref_slice %arg11[%dma_start3A_1292, %dma_start3A_1295] : memref<16x128xi32, #tpu.memory_space<vmem>> -> memref<1x128xi32, #tpu.memory_space<vmem>>
      %dma_start3A_1297 = tpu.memref_squeeze %dma_start3A_1296 : memref<1x128xi32, #tpu.memory_space<vmem>> -> memref<128xi32, #tpu.memory_space<vmem>>
      %dma_start3A_1298 = arith.constant 0 : i32
      %dma_start3A_1299 = tpu.memref_slice %arg9[%dma_start3A_1298] : memref<100352xf32, #tpu.memory_space<vmem_shared>> -> memref<100352xf32, #tpu.memory_space<vmem_shared>>
      tpu.enqueue_indirect_dma source(%dma_start3A_1294 : memref<128xf32, #tpu.memory_space<vmem>>) target(%dma_start3A_1299 : memref<100352xf32, #tpu.memory_space<vmem_shared>>) offsets(%dma_start3A_1297 : memref<128xi32, #tpu.memory_space<vmem>>) semaphore(%arg19 : memref<!tpu.dma_semaphore, #tpu.memory_space<semaphore_mem>>) {add = true}
      %dma_wait3A_1300 = arith.constant 0 : i32
      %dma_wait3A_1301 = arith.constant 0 : i32
      %dma_wait3A_1302 = tpu.memref_slice %arg16[%dma_wait3A_1301] : memref<2048xf32, #tpu.memory_space<vmem>> -> memref<128xf32, #tpu.memory_space<vmem>>
      %dma_wait3A_1303 = arith.constant 0 : i32
      %dma_wait3A_1304 = tpu.memref_slice %arg11[%dma_wait3A_1300, %dma_wait3A_1303] : memref<16x128xi32, #tpu.memory_space<vmem>> -> memref<1x128xi32, #tpu.memory_space<vmem>>
      %dma_wait3A_1305 = tpu.memref_squeeze %dma_wait3A_1304 : memref<1x128xi32, #tpu.memory_space<vmem>> -> memref<128xi32, #tpu.memory_space<vmem>>
      %dma_wait3A_1306 = arith.constant 0 : i32
      %dma_wait3A_1307 = tpu.memref_slice %arg8[%dma_wait3A_1306] : memref<100352xf32, #tpu.memory_space<vmem_shared>> -> memref<100352xf32, #tpu.memory_space<vmem_shared>>
      tpu.wait_indirect_dma semaphore(%arg19 : memref<!tpu.dma_semaphore, #tpu.memory_space<semaphore_mem>>) src(%dma_wait3A_1302 : memref<128xf32, #tpu.memory_space<vmem>>) dst(%dma_wait3A_1307 : memref<100352xf32, #tpu.memory_space<vmem_shared>>)
      %dma_wait3A_1308 = arith.constant 0 : i32
      %dma_wait3A_1309 = arith.constant 0 : i32
      %dma_wait3A_1310 = tpu.memref_slice %arg17[%dma_wait3A_1309] : memref<2048xf32, #tpu.memory_space<vmem>> -> memref<128xf32, #tpu.memory_space<vmem>>
      %dma_wait3A_1311 = arith.constant 0 : i32
      %dma_wait3A_1312 = tpu.memref_slice %arg11[%dma_wait3A_1308, %dma_wait3A_1311] : memref<16x128xi32, #tpu.memory_space<vmem>> -> memref<1x128xi32, #tpu.memory_space<vmem>>
      %dma_wait3A_1313 = tpu.memref_squeeze %dma_wait3A_1312 : memref<1x128xi32, #tpu.memory_space<vmem>> -> memref<128xi32, #tpu.memory_space<vmem>>
      %dma_wait3A_1314 = arith.constant 0 : i32
      %dma_wait3A_1315 = tpu.memref_slice %arg9[%dma_wait3A_1314] : memref<100352xf32, #tpu.memory_space<vmem_shared>> -> memref<100352xf32, #tpu.memory_space<vmem_shared>>
      tpu.wait_indirect_dma semaphore(%arg19 : memref<!tpu.dma_semaphore, #tpu.memory_space<semaphore_mem>>) src(%dma_wait3A_1310 : memref<128xf32, #tpu.memory_space<vmem>>) dst(%dma_wait3A_1315 : memref<100352xf32, #tpu.memory_space<vmem_shared>>)
      %dma_wait3A_1316 = arith.constant 1 : i32
      %dma_wait3A_1317 = arith.constant 128 : i32
      %dma_wait3A_1318 = tpu.memref_slice %arg16[%dma_wait3A_1317] : memref<2048xf32, #tpu.memory_space<vmem>> -> memref<128xf32, #tpu.memory_space<vmem>>
      %dma_wait3A_1319 = arith.constant 0 : i32
      %dma_wait3A_1320 = tpu.memref_slice %arg11[%dma_wait3A_1316, %dma_wait3A_1319] : memref<16x128xi32, #tpu.memory_space<vmem>> -> memref<1x128xi32, #tpu.memory_space<vmem>>
      %dma_wait3A_1321 = tpu.memref_squeeze %dma_wait3A_1320 : memref<1x128xi32, #tpu.memory_space<vmem>> -> memref<128xi32, #tpu.memory_space<vmem>>
      %dma_wait3A_1322 = arith.constant 0 : i32
      %dma_wait3A_1323 = tpu.memref_slice %arg8[%dma_wait3A_1322] : memref<100352xf32, #tpu.memory_space<vmem_shared>> -> memref<100352xf32, #tpu.memory_space<vmem_shared>>
      tpu.wait_indirect_dma semaphore(%arg19 : memref<!tpu.dma_semaphore, #tpu.memory_space<semaphore_mem>>) src(%dma_wait3A_1318 : memref<128xf32, #tpu.memory_space<vmem>>) dst(%dma_wait3A_1323 : memref<100352xf32, #tpu.memory_space<vmem_shared>>)
      %dma_wait3A_1324 = arith.constant 1 : i32
      %dma_wait3A_1325 = arith.constant 128 : i32
      %dma_wait3A_1326 = tpu.memref_slice %arg17[%dma_wait3A_1325] : memref<2048xf32, #tpu.memory_space<vmem>> -> memref<128xf32, #tpu.memory_space<vmem>>
      %dma_wait3A_1327 = arith.constant 0 : i32
      %dma_wait3A_1328 = tpu.memref_slice %arg11[%dma_wait3A_1324, %dma_wait3A_1327] : memref<16x128xi32, #tpu.memory_space<vmem>> -> memref<1x128xi32, #tpu.memory_space<vmem>>
      %dma_wait3A_1329 = tpu.memref_squeeze %dma_wait3A_1328 : memref<1x128xi32, #tpu.memory_space<vmem>> -> memref<128xi32, #tpu.memory_space<vmem>>
      %dma_wait3A_1330 = arith.constant 0 : i32
      %dma_wait3A_1331 = tpu.memref_slice %arg9[%dma_wait3A_1330] : memref<100352xf32, #tpu.memory_space<vmem_shared>> -> memref<100352xf32, #tpu.memory_space<vmem_shared>>
      tpu.wait_indirect_dma semaphore(%arg19 : memref<!tpu.dma_semaphore, #tpu.memory_space<semaphore_mem>>) src(%dma_wait3A_1326 : memref<128xf32, #tpu.memory_space<vmem>>) dst(%dma_wait3A_1331 : memref<100352xf32, #tpu.memory_space<vmem_shared>>)
      %dma_wait3A_1332 = arith.constant 2 : i32
      %dma_wait3A_1333 = arith.constant 256 : i32
      %dma_wait3A_1334 = tpu.memref_slice %arg16[%dma_wait3A_1333] : memref<2048xf32, #tpu.memory_space<vmem>> -> memref<128xf32, #tpu.memory_space<vmem>>
      %dma_wait3A_1335 = arith.constant 0 : i32
      %dma_wait3A_1336 = tpu.memref_slice %arg11[%dma_wait3A_1332, %dma_wait3A_1335] : memref<16x128xi32, #tpu.memory_space<vmem>> -> memref<1x128xi32, #tpu.memory_space<vmem>>
      %dma_wait3A_1337 = tpu.memref_squeeze %dma_wait3A_1336 : memref<1x128xi32, #tpu.memory_space<vmem>> -> memref<128xi32, #tpu.memory_space<vmem>>
      %dma_wait3A_1338 = arith.constant 0 : i32
      %dma_wait3A_1339 = tpu.memref_slice %arg8[%dma_wait3A_1338] : memref<100352xf32, #tpu.memory_space<vmem_shared>> -> memref<100352xf32, #tpu.memory_space<vmem_shared>>
      tpu.wait_indirect_dma semaphore(%arg19 : memref<!tpu.dma_semaphore, #tpu.memory_space<semaphore_mem>>) src(%dma_wait3A_1334 : memref<128xf32, #tpu.memory_space<vmem>>) dst(%dma_wait3A_1339 : memref<100352xf32, #tpu.memory_space<vmem_shared>>)
      %dma_wait3A_1340 = arith.constant 2 : i32
      %dma_wait3A_1341 = arith.constant 256 : i32
      %dma_wait3A_1342 = tpu.memref_slice %arg17[%dma_wait3A_1341] : memref<2048xf32, #tpu.memory_space<vmem>> -> memref<128xf32, #tpu.memory_space<vmem>>
      %dma_wait3A_1343 = arith.constant 0 : i32
      %dma_wait3A_1344 = tpu.memref_slice %arg11[%dma_wait3A_1340, %dma_wait3A_1343] : memref<16x128xi32, #tpu.memory_space<vmem>> -> memref<1x128xi32, #tpu.memory_space<vmem>>
      %dma_wait3A_1345 = tpu.memref_squeeze %dma_wait3A_1344 : memref<1x128xi32, #tpu.memory_space<vmem>> -> memref<128xi32, #tpu.memory_space<vmem>>
      %dma_wait3A_1346 = arith.constant 0 : i32
      %dma_wait3A_1347 = tpu.memref_slice %arg9[%dma_wait3A_1346] : memref<100352xf32, #tpu.memory_space<vmem_shared>> -> memref<100352xf32, #tpu.memory_space<vmem_shared>>
      tpu.wait_indirect_dma semaphore(%arg19 : memref<!tpu.dma_semaphore, #tpu.memory_space<semaphore_mem>>) src(%dma_wait3A_1342 : memref<128xf32, #tpu.memory_space<vmem>>) dst(%dma_wait3A_1347 : memref<100352xf32, #tpu.memory_space<vmem_shared>>)
      %dma_wait3A_1348 = arith.constant 3 : i32
      %dma_wait3A_1349 = arith.constant 384 : i32
      %dma_wait3A_1350 = tpu.memref_slice %arg16[%dma_wait3A_1349] : memref<2048xf32, #tpu.memory_space<vmem>> -> memref<128xf32, #tpu.memory_space<vmem>>
      %dma_wait3A_1351 = arith.constant 0 : i32
      %dma_wait3A_1352 = tpu.memref_slice %arg11[%dma_wait3A_1348, %dma_wait3A_1351] : memref<16x128xi32, #tpu.memory_space<vmem>> -> memref<1x128xi32, #tpu.memory_space<vmem>>
      %dma_wait3A_1353 = tpu.memref_squeeze %dma_wait3A_1352 : memref<1x128xi32, #tpu.memory_space<vmem>> -> memref<128xi32, #tpu.memory_space<vmem>>
      %dma_wait3A_1354 = arith.constant 0 : i32
      %dma_wait3A_1355 = tpu.memref_slice %arg8[%dma_wait3A_1354] : memref<100352xf32, #tpu.memory_space<vmem_shared>> -> memref<100352xf32, #tpu.memory_space<vmem_shared>>
      tpu.wait_indirect_dma semaphore(%arg19 : memref<!tpu.dma_semaphore, #tpu.memory_space<semaphore_mem>>) src(%dma_wait3A_1350 : memref<128xf32, #tpu.memory_space<vmem>>) dst(%dma_wait3A_1355 : memref<100352xf32, #tpu.memory_space<vmem_shared>>)
      %dma_wait3A_1356 = arith.constant 3 : i32
      %dma_wait3A_1357 = arith.constant 384 : i32
      %dma_wait3A_1358 = tpu.memref_slice %arg17[%dma_wait3A_1357] : memref<2048xf32, #tpu.memory_space<vmem>> -> memref<128xf32, #tpu.memory_space<vmem>>
      %dma_wait3A_1359 = arith.constant 0 : i32
      %dma_wait3A_1360 = tpu.memref_slice %arg11[%dma_wait3A_1356, %dma_wait3A_1359] : memref<16x128xi32, #tpu.memory_space<vmem>> -> memref<1x128xi32, #tpu.memory_space<vmem>>
      %dma_wait3A_1361 = tpu.memref_squeeze %dma_wait3A_1360 : memref<1x128xi32, #tpu.memory_space<vmem>> -> memref<128xi32, #tpu.memory_space<vmem>>
      %dma_wait3A_1362 = arith.constant 0 : i32
      %dma_wait3A_1363 = tpu.memref_slice %arg9[%dma_wait3A_1362] : memref<100352xf32, #tpu.memory_space<vmem_shared>> -> memref<100352xf32, #tpu.memory_space<vmem_shared>>
      tpu.wait_indirect_dma semaphore(%arg19 : memref<!tpu.dma_semaphore, #tpu.memory_space<semaphore_mem>>) src(%dma_wait3A_1358 : memref<128xf32, #tpu.memory_space<vmem>>) dst(%dma_wait3A_1363 : memref<100352xf32, #tpu.memory_space<vmem_shared>>)
      %dma_wait3A_1364 = arith.constant 4 : i32
      %dma_wait3A_1365 = arith.constant 512 : i32
      %dma_wait3A_1366 = tpu.memref_slice %arg16[%dma_wait3A_1365] : memref<2048xf32, #tpu.memory_space<vmem>> -> memref<128xf32, #tpu.memory_space<vmem>>
      %dma_wait3A_1367 = arith.constant 0 : i32
      %dma_wait3A_1368 = tpu.memref_slice %arg11[%dma_wait3A_1364, %dma_wait3A_1367] : memref<16x128xi32, #tpu.memory_space<vmem>> -> memref<1x128xi32, #tpu.memory_space<vmem>>
      %dma_wait3A_1369 = tpu.memref_squeeze %dma_wait3A_1368 : memref<1x128xi32, #tpu.memory_space<vmem>> -> memref<128xi32, #tpu.memory_space<vmem>>
      %dma_wait3A_1370 = arith.constant 0 : i32
      %dma_wait3A_1371 = tpu.memref_slice %arg8[%dma_wait3A_1370] : memref<100352xf32, #tpu.memory_space<vmem_shared>> -> memref<100352xf32, #tpu.memory_space<vmem_shared>>
      tpu.wait_indirect_dma semaphore(%arg19 : memref<!tpu.dma_semaphore, #tpu.memory_space<semaphore_mem>>) src(%dma_wait3A_1366 : memref<128xf32, #tpu.memory_space<vmem>>) dst(%dma_wait3A_1371 : memref<100352xf32, #tpu.memory_space<vmem_shared>>)
      %dma_wait3A_1372 = arith.constant 4 : i32
      %dma_wait3A_1373 = arith.constant 512 : i32
      %dma_wait3A_1374 = tpu.memref_slice %arg17[%dma_wait3A_1373] : memref<2048xf32, #tpu.memory_space<vmem>> -> memref<128xf32, #tpu.memory_space<vmem>>
      %dma_wait3A_1375 = arith.constant 0 : i32
      %dma_wait3A_1376 = tpu.memref_slice %arg11[%dma_wait3A_1372, %dma_wait3A_1375] : memref<16x128xi32, #tpu.memory_space<vmem>> -> memref<1x128xi32, #tpu.memory_space<vmem>>
      %dma_wait3A_1377 = tpu.memref_squeeze %dma_wait3A_1376 : memref<1x128xi32, #tpu.memory_space<vmem>> -> memref<128xi32, #tpu.memory_space<vmem>>
      %dma_wait3A_1378 = arith.constant 0 : i32
      %dma_wait3A_1379 = tpu.memref_slice %arg9[%dma_wait3A_1378] : memref<100352xf32, #tpu.memory_space<vmem_shared>> -> memref<100352xf32, #tpu.memory_space<vmem_shared>>
      tpu.wait_indirect_dma semaphore(%arg19 : memref<!tpu.dma_semaphore, #tpu.memory_space<semaphore_mem>>) src(%dma_wait3A_1374 : memref<128xf32, #tpu.memory_space<vmem>>) dst(%dma_wait3A_1379 : memref<100352xf32, #tpu.memory_space<vmem_shared>>)
      %dma_wait3A_1380 = arith.constant 5 : i32
      %dma_wait3A_1381 = arith.constant 640 : i32
      %dma_wait3A_1382 = tpu.memref_slice %arg16[%dma_wait3A_1381] : memref<2048xf32, #tpu.memory_space<vmem>> -> memref<128xf32, #tpu.memory_space<vmem>>
      %dma_wait3A_1383 = arith.constant 0 : i32
      %dma_wait3A_1384 = tpu.memref_slice %arg11[%dma_wait3A_1380, %dma_wait3A_1383] : memref<16x128xi32, #tpu.memory_space<vmem>> -> memref<1x128xi32, #tpu.memory_space<vmem>>
      %dma_wait3A_1385 = tpu.memref_squeeze %dma_wait3A_1384 : memref<1x128xi32, #tpu.memory_space<vmem>> -> memref<128xi32, #tpu.memory_space<vmem>>
      %dma_wait3A_1386 = arith.constant 0 : i32
      %dma_wait3A_1387 = tpu.memref_slice %arg8[%dma_wait3A_1386] : memref<100352xf32, #tpu.memory_space<vmem_shared>> -> memref<100352xf32, #tpu.memory_space<vmem_shared>>
      tpu.wait_indirect_dma semaphore(%arg19 : memref<!tpu.dma_semaphore, #tpu.memory_space<semaphore_mem>>) src(%dma_wait3A_1382 : memref<128xf32, #tpu.memory_space<vmem>>) dst(%dma_wait3A_1387 : memref<100352xf32, #tpu.memory_space<vmem_shared>>)
      %dma_wait3A_1388 = arith.constant 5 : i32
      %dma_wait3A_1389 = arith.constant 640 : i32
      %dma_wait3A_1390 = tpu.memref_slice %arg17[%dma_wait3A_1389] : memref<2048xf32, #tpu.memory_space<vmem>> -> memref<128xf32, #tpu.memory_space<vmem>>
      %dma_wait3A_1391 = arith.constant 0 : i32
      %dma_wait3A_1392 = tpu.memref_slice %arg11[%dma_wait3A_1388, %dma_wait3A_1391] : memref<16x128xi32, #tpu.memory_space<vmem>> -> memref<1x128xi32, #tpu.memory_space<vmem>>
      %dma_wait3A_1393 = tpu.memref_squeeze %dma_wait3A_1392 : memref<1x128xi32, #tpu.memory_space<vmem>> -> memref<128xi32, #tpu.memory_space<vmem>>
      %dma_wait3A_1394 = arith.constant 0 : i32
      %dma_wait3A_1395 = tpu.memref_slice %arg9[%dma_wait3A_1394] : memref<100352xf32, #tpu.memory_space<vmem_shared>> -> memref<100352xf32, #tpu.memory_space<vmem_shared>>
      tpu.wait_indirect_dma semaphore(%arg19 : memref<!tpu.dma_semaphore, #tpu.memory_space<semaphore_mem>>) src(%dma_wait3A_1390 : memref<128xf32, #tpu.memory_space<vmem>>) dst(%dma_wait3A_1395 : memref<100352xf32, #tpu.memory_space<vmem_shared>>)
      %dma_wait3A_1396 = arith.constant 6 : i32
      %dma_wait3A_1397 = arith.constant 768 : i32
      %dma_wait3A_1398 = tpu.memref_slice %arg16[%dma_wait3A_1397] : memref<2048xf32, #tpu.memory_space<vmem>> -> memref<128xf32, #tpu.memory_space<vmem>>
      %dma_wait3A_1399 = arith.constant 0 : i32
      %dma_wait3A_1400 = tpu.memref_slice %arg11[%dma_wait3A_1396, %dma_wait3A_1399] : memref<16x128xi32, #tpu.memory_space<vmem>> -> memref<1x128xi32, #tpu.memory_space<vmem>>
      %dma_wait3A_1401 = tpu.memref_squeeze %dma_wait3A_1400 : memref<1x128xi32, #tpu.memory_space<vmem>> -> memref<128xi32, #tpu.memory_space<vmem>>
      %dma_wait3A_1402 = arith.constant 0 : i32
      %dma_wait3A_1403 = tpu.memref_slice %arg8[%dma_wait3A_1402] : memref<100352xf32, #tpu.memory_space<vmem_shared>> -> memref<100352xf32, #tpu.memory_space<vmem_shared>>
      tpu.wait_indirect_dma semaphore(%arg19 : memref<!tpu.dma_semaphore, #tpu.memory_space<semaphore_mem>>) src(%dma_wait3A_1398 : memref<128xf32, #tpu.memory_space<vmem>>) dst(%dma_wait3A_1403 : memref<100352xf32, #tpu.memory_space<vmem_shared>>)
      %dma_wait3A_1404 = arith.constant 6 : i32
      %dma_wait3A_1405 = arith.constant 768 : i32
      %dma_wait3A_1406 = tpu.memref_slice %arg17[%dma_wait3A_1405] : memref<2048xf32, #tpu.memory_space<vmem>> -> memref<128xf32, #tpu.memory_space<vmem>>
      %dma_wait3A_1407 = arith.constant 0 : i32
      %dma_wait3A_1408 = tpu.memref_slice %arg11[%dma_wait3A_1404, %dma_wait3A_1407] : memref<16x128xi32, #tpu.memory_space<vmem>> -> memref<1x128xi32, #tpu.memory_space<vmem>>
      %dma_wait3A_1409 = tpu.memref_squeeze %dma_wait3A_1408 : memref<1x128xi32, #tpu.memory_space<vmem>> -> memref<128xi32, #tpu.memory_space<vmem>>
      %dma_wait3A_1410 = arith.constant 0 : i32
      %dma_wait3A_1411 = tpu.memref_slice %arg9[%dma_wait3A_1410] : memref<100352xf32, #tpu.memory_space<vmem_shared>> -> memref<100352xf32, #tpu.memory_space<vmem_shared>>
      tpu.wait_indirect_dma semaphore(%arg19 : memref<!tpu.dma_semaphore, #tpu.memory_space<semaphore_mem>>) src(%dma_wait3A_1406 : memref<128xf32, #tpu.memory_space<vmem>>) dst(%dma_wait3A_1411 : memref<100352xf32, #tpu.memory_space<vmem_shared>>)
      %dma_wait3A_1412 = arith.constant 7 : i32
      %dma_wait3A_1413 = arith.constant 896 : i32
      %dma_wait3A_1414 = tpu.memref_slice %arg16[%dma_wait3A_1413] : memref<2048xf32, #tpu.memory_space<vmem>> -> memref<128xf32, #tpu.memory_space<vmem>>
      %dma_wait3A_1415 = arith.constant 0 : i32
      %dma_wait3A_1416 = tpu.memref_slice %arg11[%dma_wait3A_1412, %dma_wait3A_1415] : memref<16x128xi32, #tpu.memory_space<vmem>> -> memref<1x128xi32, #tpu.memory_space<vmem>>
      %dma_wait3A_1417 = tpu.memref_squeeze %dma_wait3A_1416 : memref<1x128xi32, #tpu.memory_space<vmem>> -> memref<128xi32, #tpu.memory_space<vmem>>
      %dma_wait3A_1418 = arith.constant 0 : i32
      %dma_wait3A_1419 = tpu.memref_slice %arg8[%dma_wait3A_1418] : memref<100352xf32, #tpu.memory_space<vmem_shared>> -> memref<100352xf32, #tpu.memory_space<vmem_shared>>
      tpu.wait_indirect_dma semaphore(%arg19 : memref<!tpu.dma_semaphore, #tpu.memory_space<semaphore_mem>>) src(%dma_wait3A_1414 : memref<128xf32, #tpu.memory_space<vmem>>) dst(%dma_wait3A_1419 : memref<100352xf32, #tpu.memory_space<vmem_shared>>)
      %dma_wait3A_1420 = arith.constant 7 : i32
      %dma_wait3A_1421 = arith.constant 896 : i32
      %dma_wait3A_1422 = tpu.memref_slice %arg17[%dma_wait3A_1421] : memref<2048xf32, #tpu.memory_space<vmem>> -> memref<128xf32, #tpu.memory_space<vmem>>
      %dma_wait3A_1423 = arith.constant 0 : i32
      %dma_wait3A_1424 = tpu.memref_slice %arg11[%dma_wait3A_1420, %dma_wait3A_1423] : memref<16x128xi32, #tpu.memory_space<vmem>> -> memref<1x128xi32, #tpu.memory_space<vmem>>
      %dma_wait3A_1425 = tpu.memref_squeeze %dma_wait3A_1424 : memref<1x128xi32, #tpu.memory_space<vmem>> -> memref<128xi32, #tpu.memory_space<vmem>>
      %dma_wait3A_1426 = arith.constant 0 : i32
      %dma_wait3A_1427 = tpu.memref_slice %arg9[%dma_wait3A_1426] : memref<100352xf32, #tpu.memory_space<vmem_shared>> -> memref<100352xf32, #tpu.memory_space<vmem_shared>>
      tpu.wait_indirect_dma semaphore(%arg19 : memref<!tpu.dma_semaphore, #tpu.memory_space<semaphore_mem>>) src(%dma_wait3A_1422 : memref<128xf32, #tpu.memory_space<vmem>>) dst(%dma_wait3A_1427 : memref<100352xf32, #tpu.memory_space<vmem_shared>>)
      %dma_wait3A_1428 = arith.constant 8 : i32
      %dma_wait3A_1429 = arith.constant 1024 : i32
      %dma_wait3A_1430 = tpu.memref_slice %arg16[%dma_wait3A_1429] : memref<2048xf32, #tpu.memory_space<vmem>> -> memref<128xf32, #tpu.memory_space<vmem>>
      %dma_wait3A_1431 = arith.constant 0 : i32
      %dma_wait3A_1432 = tpu.memref_slice %arg11[%dma_wait3A_1428, %dma_wait3A_1431] : memref<16x128xi32, #tpu.memory_space<vmem>> -> memref<1x128xi32, #tpu.memory_space<vmem>>
      %dma_wait3A_1433 = tpu.memref_squeeze %dma_wait3A_1432 : memref<1x128xi32, #tpu.memory_space<vmem>> -> memref<128xi32, #tpu.memory_space<vmem>>
      %dma_wait3A_1434 = arith.constant 0 : i32
      %dma_wait3A_1435 = tpu.memref_slice %arg8[%dma_wait3A_1434] : memref<100352xf32, #tpu.memory_space<vmem_shared>> -> memref<100352xf32, #tpu.memory_space<vmem_shared>>
      tpu.wait_indirect_dma semaphore(%arg19 : memref<!tpu.dma_semaphore, #tpu.memory_space<semaphore_mem>>) src(%dma_wait3A_1430 : memref<128xf32, #tpu.memory_space<vmem>>) dst(%dma_wait3A_1435 : memref<100352xf32, #tpu.memory_space<vmem_shared>>)
      %dma_wait3A_1436 = arith.constant 8 : i32
      %dma_wait3A_1437 = arith.constant 1024 : i32
      %dma_wait3A_1438 = tpu.memref_slice %arg17[%dma_wait3A_1437] : memref<2048xf32, #tpu.memory_space<vmem>> -> memref<128xf32, #tpu.memory_space<vmem>>
      %dma_wait3A_1439 = arith.constant 0 : i32
      %dma_wait3A_1440 = tpu.memref_slice %arg11[%dma_wait3A_1436, %dma_wait3A_1439] : memref<16x128xi32, #tpu.memory_space<vmem>> -> memref<1x128xi32, #tpu.memory_space<vmem>>
      %dma_wait3A_1441 = tpu.memref_squeeze %dma_wait3A_1440 : memref<1x128xi32, #tpu.memory_space<vmem>> -> memref<128xi32, #tpu.memory_space<vmem>>
      %dma_wait3A_1442 = arith.constant 0 : i32
      %dma_wait3A_1443 = tpu.memref_slice %arg9[%dma_wait3A_1442] : memref<100352xf32, #tpu.memory_space<vmem_shared>> -> memref<100352xf32, #tpu.memory_space<vmem_shared>>
      tpu.wait_indirect_dma semaphore(%arg19 : memref<!tpu.dma_semaphore, #tpu.memory_space<semaphore_mem>>) src(%dma_wait3A_1438 : memref<128xf32, #tpu.memory_space<vmem>>) dst(%dma_wait3A_1443 : memref<100352xf32, #tpu.memory_space<vmem_shared>>)
      %dma_wait3A_1444 = arith.constant 9 : i32
      %dma_wait3A_1445 = arith.constant 1152 : i32
      %dma_wait3A_1446 = tpu.memref_slice %arg16[%dma_wait3A_1445] : memref<2048xf32, #tpu.memory_space<vmem>> -> memref<128xf32, #tpu.memory_space<vmem>>
      %dma_wait3A_1447 = arith.constant 0 : i32
      %dma_wait3A_1448 = tpu.memref_slice %arg11[%dma_wait3A_1444, %dma_wait3A_1447] : memref<16x128xi32, #tpu.memory_space<vmem>> -> memref<1x128xi32, #tpu.memory_space<vmem>>
      %dma_wait3A_1449 = tpu.memref_squeeze %dma_wait3A_1448 : memref<1x128xi32, #tpu.memory_space<vmem>> -> memref<128xi32, #tpu.memory_space<vmem>>
      %dma_wait3A_1450 = arith.constant 0 : i32
      %dma_wait3A_1451 = tpu.memref_slice %arg8[%dma_wait3A_1450] : memref<100352xf32, #tpu.memory_space<vmem_shared>> -> memref<100352xf32, #tpu.memory_space<vmem_shared>>
      tpu.wait_indirect_dma semaphore(%arg19 : memref<!tpu.dma_semaphore, #tpu.memory_space<semaphore_mem>>) src(%dma_wait3A_1446 : memref<128xf32, #tpu.memory_space<vmem>>) dst(%dma_wait3A_1451 : memref<100352xf32, #tpu.memory_space<vmem_shared>>)
      %dma_wait3A_1452 = arith.constant 9 : i32
      %dma_wait3A_1453 = arith.constant 1152 : i32
      %dma_wait3A_1454 = tpu.memref_slice %arg17[%dma_wait3A_1453] : memref<2048xf32, #tpu.memory_space<vmem>> -> memref<128xf32, #tpu.memory_space<vmem>>
      %dma_wait3A_1455 = arith.constant 0 : i32
      %dma_wait3A_1456 = tpu.memref_slice %arg11[%dma_wait3A_1452, %dma_wait3A_1455] : memref<16x128xi32, #tpu.memory_space<vmem>> -> memref<1x128xi32, #tpu.memory_space<vmem>>
      %dma_wait3A_1457 = tpu.memref_squeeze %dma_wait3A_1456 : memref<1x128xi32, #tpu.memory_space<vmem>> -> memref<128xi32, #tpu.memory_space<vmem>>
      %dma_wait3A_1458 = arith.constant 0 : i32
      %dma_wait3A_1459 = tpu.memref_slice %arg9[%dma_wait3A_1458] : memref<100352xf32, #tpu.memory_space<vmem_shared>> -> memref<100352xf32, #tpu.memory_space<vmem_shared>>
      tpu.wait_indirect_dma semaphore(%arg19 : memref<!tpu.dma_semaphore, #tpu.memory_space<semaphore_mem>>) src(%dma_wait3A_1454 : memref<128xf32, #tpu.memory_space<vmem>>) dst(%dma_wait3A_1459 : memref<100352xf32, #tpu.memory_space<vmem_shared>>)
      %dma_wait3A_1460 = arith.constant 10 : i32
      %dma_wait3A_1461 = arith.constant 1280 : i32
      %dma_wait3A_1462 = tpu.memref_slice %arg16[%dma_wait3A_1461] : memref<2048xf32, #tpu.memory_space<vmem>> -> memref<128xf32, #tpu.memory_space<vmem>>
      %dma_wait3A_1463 = arith.constant 0 : i32
      %dma_wait3A_1464 = tpu.memref_slice %arg11[%dma_wait3A_1460, %dma_wait3A_1463] : memref<16x128xi32, #tpu.memory_space<vmem>> -> memref<1x128xi32, #tpu.memory_space<vmem>>
      %dma_wait3A_1465 = tpu.memref_squeeze %dma_wait3A_1464 : memref<1x128xi32, #tpu.memory_space<vmem>> -> memref<128xi32, #tpu.memory_space<vmem>>
      %dma_wait3A_1466 = arith.constant 0 : i32
      %dma_wait3A_1467 = tpu.memref_slice %arg8[%dma_wait3A_1466] : memref<100352xf32, #tpu.memory_space<vmem_shared>> -> memref<100352xf32, #tpu.memory_space<vmem_shared>>
      tpu.wait_indirect_dma semaphore(%arg19 : memref<!tpu.dma_semaphore, #tpu.memory_space<semaphore_mem>>) src(%dma_wait3A_1462 : memref<128xf32, #tpu.memory_space<vmem>>) dst(%dma_wait3A_1467 : memref<100352xf32, #tpu.memory_space<vmem_shared>>)
      %dma_wait3A_1468 = arith.constant 10 : i32
      %dma_wait3A_1469 = arith.constant 1280 : i32
      %dma_wait3A_1470 = tpu.memref_slice %arg17[%dma_wait3A_1469] : memref<2048xf32, #tpu.memory_space<vmem>> -> memref<128xf32, #tpu.memory_space<vmem>>
      %dma_wait3A_1471 = arith.constant 0 : i32
      %dma_wait3A_1472 = tpu.memref_slice %arg11[%dma_wait3A_1468, %dma_wait3A_1471] : memref<16x128xi32, #tpu.memory_space<vmem>> -> memref<1x128xi32, #tpu.memory_space<vmem>>
      %dma_wait3A_1473 = tpu.memref_squeeze %dma_wait3A_1472 : memref<1x128xi32, #tpu.memory_space<vmem>> -> memref<128xi32, #tpu.memory_space<vmem>>
      %dma_wait3A_1474 = arith.constant 0 : i32
      %dma_wait3A_1475 = tpu.memref_slice %arg9[%dma_wait3A_1474] : memref<100352xf32, #tpu.memory_space<vmem_shared>> -> memref<100352xf32, #tpu.memory_space<vmem_shared>>
      tpu.wait_indirect_dma semaphore(%arg19 : memref<!tpu.dma_semaphore, #tpu.memory_space<semaphore_mem>>) src(%dma_wait3A_1470 : memref<128xf32, #tpu.memory_space<vmem>>) dst(%dma_wait3A_1475 : memref<100352xf32, #tpu.memory_space<vmem_shared>>)
      %dma_wait3A_1476 = arith.constant 11 : i32
      %dma_wait3A_1477 = arith.constant 1408 : i32
      %dma_wait3A_1478 = tpu.memref_slice %arg16[%dma_wait3A_1477] : memref<2048xf32, #tpu.memory_space<vmem>> -> memref<128xf32, #tpu.memory_space<vmem>>
      %dma_wait3A_1479 = arith.constant 0 : i32
      %dma_wait3A_1480 = tpu.memref_slice %arg11[%dma_wait3A_1476, %dma_wait3A_1479] : memref<16x128xi32, #tpu.memory_space<vmem>> -> memref<1x128xi32, #tpu.memory_space<vmem>>
      %dma_wait3A_1481 = tpu.memref_squeeze %dma_wait3A_1480 : memref<1x128xi32, #tpu.memory_space<vmem>> -> memref<128xi32, #tpu.memory_space<vmem>>
      %dma_wait3A_1482 = arith.constant 0 : i32
      %dma_wait3A_1483 = tpu.memref_slice %arg8[%dma_wait3A_1482] : memref<100352xf32, #tpu.memory_space<vmem_shared>> -> memref<100352xf32, #tpu.memory_space<vmem_shared>>
      tpu.wait_indirect_dma semaphore(%arg19 : memref<!tpu.dma_semaphore, #tpu.memory_space<semaphore_mem>>) src(%dma_wait3A_1478 : memref<128xf32, #tpu.memory_space<vmem>>) dst(%dma_wait3A_1483 : memref<100352xf32, #tpu.memory_space<vmem_shared>>)
      %dma_wait3A_1484 = arith.constant 11 : i32
      %dma_wait3A_1485 = arith.constant 1408 : i32
      %dma_wait3A_1486 = tpu.memref_slice %arg17[%dma_wait3A_1485] : memref<2048xf32, #tpu.memory_space<vmem>> -> memref<128xf32, #tpu.memory_space<vmem>>
      %dma_wait3A_1487 = arith.constant 0 : i32
      %dma_wait3A_1488 = tpu.memref_slice %arg11[%dma_wait3A_1484, %dma_wait3A_1487] : memref<16x128xi32, #tpu.memory_space<vmem>> -> memref<1x128xi32, #tpu.memory_space<vmem>>
      %dma_wait3A_1489 = tpu.memref_squeeze %dma_wait3A_1488 : memref<1x128xi32, #tpu.memory_space<vmem>> -> memref<128xi32, #tpu.memory_space<vmem>>
      %dma_wait3A_1490 = arith.constant 0 : i32
      %dma_wait3A_1491 = tpu.memref_slice %arg9[%dma_wait3A_1490] : memref<100352xf32, #tpu.memory_space<vmem_shared>> -> memref<100352xf32, #tpu.memory_space<vmem_shared>>
      tpu.wait_indirect_dma semaphore(%arg19 : memref<!tpu.dma_semaphore, #tpu.memory_space<semaphore_mem>>) src(%dma_wait3A_1486 : memref<128xf32, #tpu.memory_space<vmem>>) dst(%dma_wait3A_1491 : memref<100352xf32, #tpu.memory_space<vmem_shared>>)
      %dma_wait3A_1492 = arith.constant 12 : i32
      %dma_wait3A_1493 = arith.constant 1536 : i32
      %dma_wait3A_1494 = tpu.memref_slice %arg16[%dma_wait3A_1493] : memref<2048xf32, #tpu.memory_space<vmem>> -> memref<128xf32, #tpu.memory_space<vmem>>
      %dma_wait3A_1495 = arith.constant 0 : i32
      %dma_wait3A_1496 = tpu.memref_slice %arg11[%dma_wait3A_1492, %dma_wait3A_1495] : memref<16x128xi32, #tpu.memory_space<vmem>> -> memref<1x128xi32, #tpu.memory_space<vmem>>
      %dma_wait3A_1497 = tpu.memref_squeeze %dma_wait3A_1496 : memref<1x128xi32, #tpu.memory_space<vmem>> -> memref<128xi32, #tpu.memory_space<vmem>>
      %dma_wait3A_1498 = arith.constant 0 : i32
      %dma_wait3A_1499 = tpu.memref_slice %arg8[%dma_wait3A_1498] : memref<100352xf32, #tpu.memory_space<vmem_shared>> -> memref<100352xf32, #tpu.memory_space<vmem_shared>>
      tpu.wait_indirect_dma semaphore(%arg19 : memref<!tpu.dma_semaphore, #tpu.memory_space<semaphore_mem>>) src(%dma_wait3A_1494 : memref<128xf32, #tpu.memory_space<vmem>>) dst(%dma_wait3A_1499 : memref<100352xf32, #tpu.memory_space<vmem_shared>>)
      %dma_wait3A_1500 = arith.constant 12 : i32
      %dma_wait3A_1501 = arith.constant 1536 : i32
      %dma_wait3A_1502 = tpu.memref_slice %arg17[%dma_wait3A_1501] : memref<2048xf32, #tpu.memory_space<vmem>> -> memref<128xf32, #tpu.memory_space<vmem>>
      %dma_wait3A_1503 = arith.constant 0 : i32
      %dma_wait3A_1504 = tpu.memref_slice %arg11[%dma_wait3A_1500, %dma_wait3A_1503] : memref<16x128xi32, #tpu.memory_space<vmem>> -> memref<1x128xi32, #tpu.memory_space<vmem>>
      %dma_wait3A_1505 = tpu.memref_squeeze %dma_wait3A_1504 : memref<1x128xi32, #tpu.memory_space<vmem>> -> memref<128xi32, #tpu.memory_space<vmem>>
      %dma_wait3A_1506 = arith.constant 0 : i32
      %dma_wait3A_1507 = tpu.memref_slice %arg9[%dma_wait3A_1506] : memref<100352xf32, #tpu.memory_space<vmem_shared>> -> memref<100352xf32, #tpu.memory_space<vmem_shared>>
      tpu.wait_indirect_dma semaphore(%arg19 : memref<!tpu.dma_semaphore, #tpu.memory_space<semaphore_mem>>) src(%dma_wait3A_1502 : memref<128xf32, #tpu.memory_space<vmem>>) dst(%dma_wait3A_1507 : memref<100352xf32, #tpu.memory_space<vmem_shared>>)
      %dma_wait3A_1508 = arith.constant 13 : i32
      %dma_wait3A_1509 = arith.constant 1664 : i32
      %dma_wait3A_1510 = tpu.memref_slice %arg16[%dma_wait3A_1509] : memref<2048xf32, #tpu.memory_space<vmem>> -> memref<128xf32, #tpu.memory_space<vmem>>
      %dma_wait3A_1511 = arith.constant 0 : i32
      %dma_wait3A_1512 = tpu.memref_slice %arg11[%dma_wait3A_1508, %dma_wait3A_1511] : memref<16x128xi32, #tpu.memory_space<vmem>> -> memref<1x128xi32, #tpu.memory_space<vmem>>
      %dma_wait3A_1513 = tpu.memref_squeeze %dma_wait3A_1512 : memref<1x128xi32, #tpu.memory_space<vmem>> -> memref<128xi32, #tpu.memory_space<vmem>>
      %dma_wait3A_1514 = arith.constant 0 : i32
      %dma_wait3A_1515 = tpu.memref_slice %arg8[%dma_wait3A_1514] : memref<100352xf32, #tpu.memory_space<vmem_shared>> -> memref<100352xf32, #tpu.memory_space<vmem_shared>>
      tpu.wait_indirect_dma semaphore(%arg19 : memref<!tpu.dma_semaphore, #tpu.memory_space<semaphore_mem>>) src(%dma_wait3A_1510 : memref<128xf32, #tpu.memory_space<vmem>>) dst(%dma_wait3A_1515 : memref<100352xf32, #tpu.memory_space<vmem_shared>>)
      %dma_wait3A_1516 = arith.constant 13 : i32
      %dma_wait3A_1517 = arith.constant 1664 : i32
      %dma_wait3A_1518 = tpu.memref_slice %arg17[%dma_wait3A_1517] : memref<2048xf32, #tpu.memory_space<vmem>> -> memref<128xf32, #tpu.memory_space<vmem>>
      %dma_wait3A_1519 = arith.constant 0 : i32
      %dma_wait3A_1520 = tpu.memref_slice %arg11[%dma_wait3A_1516, %dma_wait3A_1519] : memref<16x128xi32, #tpu.memory_space<vmem>> -> memref<1x128xi32, #tpu.memory_space<vmem>>
      %dma_wait3A_1521 = tpu.memref_squeeze %dma_wait3A_1520 : memref<1x128xi32, #tpu.memory_space<vmem>> -> memref<128xi32, #tpu.memory_space<vmem>>
      %dma_wait3A_1522 = arith.constant 0 : i32
      %dma_wait3A_1523 = tpu.memref_slice %arg9[%dma_wait3A_1522] : memref<100352xf32, #tpu.memory_space<vmem_shared>> -> memref<100352xf32, #tpu.memory_space<vmem_shared>>
      tpu.wait_indirect_dma semaphore(%arg19 : memref<!tpu.dma_semaphore, #tpu.memory_space<semaphore_mem>>) src(%dma_wait3A_1518 : memref<128xf32, #tpu.memory_space<vmem>>) dst(%dma_wait3A_1523 : memref<100352xf32, #tpu.memory_space<vmem_shared>>)
      %dma_wait3A_1524 = arith.constant 14 : i32
      %dma_wait3A_1525 = arith.constant 1792 : i32
      %dma_wait3A_1526 = tpu.memref_slice %arg16[%dma_wait3A_1525] : memref<2048xf32, #tpu.memory_space<vmem>> -> memref<128xf32, #tpu.memory_space<vmem>>
      %dma_wait3A_1527 = arith.constant 0 : i32
      %dma_wait3A_1528 = tpu.memref_slice %arg11[%dma_wait3A_1524, %dma_wait3A_1527] : memref<16x128xi32, #tpu.memory_space<vmem>> -> memref<1x128xi32, #tpu.memory_space<vmem>>
      %dma_wait3A_1529 = tpu.memref_squeeze %dma_wait3A_1528 : memref<1x128xi32, #tpu.memory_space<vmem>> -> memref<128xi32, #tpu.memory_space<vmem>>
      %dma_wait3A_1530 = arith.constant 0 : i32
      %dma_wait3A_1531 = tpu.memref_slice %arg8[%dma_wait3A_1530] : memref<100352xf32, #tpu.memory_space<vmem_shared>> -> memref<100352xf32, #tpu.memory_space<vmem_shared>>
      tpu.wait_indirect_dma semaphore(%arg19 : memref<!tpu.dma_semaphore, #tpu.memory_space<semaphore_mem>>) src(%dma_wait3A_1526 : memref<128xf32, #tpu.memory_space<vmem>>) dst(%dma_wait3A_1531 : memref<100352xf32, #tpu.memory_space<vmem_shared>>)
      %dma_wait3A_1532 = arith.constant 14 : i32
      %dma_wait3A_1533 = arith.constant 1792 : i32
      %dma_wait3A_1534 = tpu.memref_slice %arg17[%dma_wait3A_1533] : memref<2048xf32, #tpu.memory_space<vmem>> -> memref<128xf32, #tpu.memory_space<vmem>>
      %dma_wait3A_1535 = arith.constant 0 : i32
      %dma_wait3A_1536 = tpu.memref_slice %arg11[%dma_wait3A_1532, %dma_wait3A_1535] : memref<16x128xi32, #tpu.memory_space<vmem>> -> memref<1x128xi32, #tpu.memory_space<vmem>>
      %dma_wait3A_1537 = tpu.memref_squeeze %dma_wait3A_1536 : memref<1x128xi32, #tpu.memory_space<vmem>> -> memref<128xi32, #tpu.memory_space<vmem>>
      %dma_wait3A_1538 = arith.constant 0 : i32
      %dma_wait3A_1539 = tpu.memref_slice %arg9[%dma_wait3A_1538] : memref<100352xf32, #tpu.memory_space<vmem_shared>> -> memref<100352xf32, #tpu.memory_space<vmem_shared>>
      tpu.wait_indirect_dma semaphore(%arg19 : memref<!tpu.dma_semaphore, #tpu.memory_space<semaphore_mem>>) src(%dma_wait3A_1534 : memref<128xf32, #tpu.memory_space<vmem>>) dst(%dma_wait3A_1539 : memref<100352xf32, #tpu.memory_space<vmem_shared>>)
      %dma_wait3A_1540 = arith.constant 15 : i32
      %dma_wait3A_1541 = arith.constant 1920 : i32
      %dma_wait3A_1542 = tpu.memref_slice %arg16[%dma_wait3A_1541] : memref<2048xf32, #tpu.memory_space<vmem>> -> memref<128xf32, #tpu.memory_space<vmem>>
      %dma_wait3A_1543 = arith.constant 0 : i32
      %dma_wait3A_1544 = tpu.memref_slice %arg11[%dma_wait3A_1540, %dma_wait3A_1543] : memref<16x128xi32, #tpu.memory_space<vmem>> -> memref<1x128xi32, #tpu.memory_space<vmem>>
      %dma_wait3A_1545 = tpu.memref_squeeze %dma_wait3A_1544 : memref<1x128xi32, #tpu.memory_space<vmem>> -> memref<128xi32, #tpu.memory_space<vmem>>
      %dma_wait3A_1546 = arith.constant 0 : i32
      %dma_wait3A_1547 = tpu.memref_slice %arg8[%dma_wait3A_1546] : memref<100352xf32, #tpu.memory_space<vmem_shared>> -> memref<100352xf32, #tpu.memory_space<vmem_shared>>
      tpu.wait_indirect_dma semaphore(%arg19 : memref<!tpu.dma_semaphore, #tpu.memory_space<semaphore_mem>>) src(%dma_wait3A_1542 : memref<128xf32, #tpu.memory_space<vmem>>) dst(%dma_wait3A_1547 : memref<100352xf32, #tpu.memory_space<vmem_shared>>)
      %dma_wait3A_1548 = arith.constant 15 : i32
      %dma_wait3A_1549 = arith.constant 1920 : i32
      %dma_wait3A_1550 = tpu.memref_slice %arg17[%dma_wait3A_1549] : memref<2048xf32, #tpu.memory_space<vmem>> -> memref<128xf32, #tpu.memory_space<vmem>>
      %dma_wait3A_1551 = arith.constant 0 : i32
      %dma_wait3A_1552 = tpu.memref_slice %arg11[%dma_wait3A_1548, %dma_wait3A_1551] : memref<16x128xi32, #tpu.memory_space<vmem>> -> memref<1x128xi32, #tpu.memory_space<vmem>>
      %dma_wait3A_1553 = tpu.memref_squeeze %dma_wait3A_1552 : memref<1x128xi32, #tpu.memory_space<vmem>> -> memref<128xi32, #tpu.memory_space<vmem>>
      %dma_wait3A_1554 = arith.constant 0 : i32
      %dma_wait3A_1555 = tpu.memref_slice %arg9[%dma_wait3A_1554] : memref<100352xf32, #tpu.memory_space<vmem_shared>> -> memref<100352xf32, #tpu.memory_space<vmem_shared>>
      tpu.wait_indirect_dma semaphore(%arg19 : memref<!tpu.dma_semaphore, #tpu.memory_space<semaphore_mem>>) src(%dma_wait3A_1550 : memref<128xf32, #tpu.memory_space<vmem>>) dst(%dma_wait3A_1555 : memref<100352xf32, #tpu.memory_space<vmem_shared>>)
    }
    %scan3A_7 = arith.constant 98 : i32
    %barrier3A_8 = arith.constant 0 : index
    tpu.barrier barrier_id(%barrier3A_8)
    %run_scoped3A = arith.constant 0 : i32
    "tpu.region"() ({
      %run_scoped3A_10 = tpu.sem_alloc : memref<!tpu.dma_semaphore, #tpu.memory_space<semaphore_mem>>
      %dma_start3A = tpu.memref_slice %arg7[%arg0, %run_scoped3A, %mul3A_2] : memref<2x2x100352xf32, #tpu.memory_space<hbm>> -> memref<1x1x6272xf32, #tpu.memory_space<hbm>>
      %dma_start3A_11 = tpu.memref_squeeze %dma_start3A : memref<1x1x6272xf32, #tpu.memory_space<hbm>> -> memref<6272xf32, #tpu.memory_space<hbm>>
      %dma_start3A_12 = tpu.memref_slice %arg8[%mul3A_2] : memref<100352xf32, #tpu.memory_space<vmem_shared>> -> memref<6272xf32, #tpu.memory_space<vmem_shared>>
      tpu.enqueue_dma source(%dma_start3A_12 : memref<6272xf32, #tpu.memory_space<vmem_shared>>) target(%dma_start3A_11 : memref<6272xf32, #tpu.memory_space<hbm>>) target_semaphore(%run_scoped3A_10 : memref<!tpu.dma_semaphore, #tpu.memory_space<semaphore_mem>>)
      %dma_wait3A = tpu.memref_slice %arg7[%arg0, %run_scoped3A, %mul3A_2] : memref<2x2x100352xf32, #tpu.memory_space<hbm>> -> memref<1x1x6272xf32, #tpu.memory_space<hbm>>
      %dma_wait3A_13 = tpu.memref_squeeze %dma_wait3A : memref<1x1x6272xf32, #tpu.memory_space<hbm>> -> memref<6272xf32, #tpu.memory_space<hbm>>
      %dma_wait3A_14 = tpu.memref_slice %arg8[%mul3A_2] : memref<100352xf32, #tpu.memory_space<vmem_shared>> -> memref<6272xf32, #tpu.memory_space<vmem_shared>>
      tpu.wait_dma2 semaphore(%run_scoped3A_10 : memref<!tpu.dma_semaphore, #tpu.memory_space<semaphore_mem>>) src(%dma_wait3A_14 : memref<6272xf32, #tpu.memory_space<vmem_shared>>) dst(%dma_wait3A_13 : memref<6272xf32, #tpu.memory_space<hbm>>)
      tpu.yield
    }) : () -> ()
    %run_scoped3A_9 = arith.constant 1 : i32
    "tpu.region"() ({
      %run_scoped3A_10 = tpu.sem_alloc : memref<!tpu.dma_semaphore, #tpu.memory_space<semaphore_mem>>
      %dma_start3A = tpu.memref_slice %arg7[%arg0, %run_scoped3A_9, %mul3A_2] : memref<2x2x100352xf32, #tpu.memory_space<hbm>> -> memref<1x1x6272xf32, #tpu.memory_space<hbm>>
      %dma_start3A_11 = tpu.memref_squeeze %dma_start3A : memref<1x1x6272xf32, #tpu.memory_space<hbm>> -> memref<6272xf32, #tpu.memory_space<hbm>>
      %dma_start3A_12 = tpu.memref_slice %arg9[%mul3A_2] : memref<100352xf32, #tpu.memory_space<vmem_shared>> -> memref<6272xf32, #tpu.memory_space<vmem_shared>>
      tpu.enqueue_dma source(%dma_start3A_12 : memref<6272xf32, #tpu.memory_space<vmem_shared>>) target(%dma_start3A_11 : memref<6272xf32, #tpu.memory_space<hbm>>) target_semaphore(%run_scoped3A_10 : memref<!tpu.dma_semaphore, #tpu.memory_space<semaphore_mem>>)
      %dma_wait3A = tpu.memref_slice %arg7[%arg0, %run_scoped3A_9, %mul3A_2] : memref<2x2x100352xf32, #tpu.memory_space<hbm>> -> memref<1x1x6272xf32, #tpu.memory_space<hbm>>
      %dma_wait3A_13 = tpu.memref_squeeze %dma_wait3A : memref<1x1x6272xf32, #tpu.memory_space<hbm>> -> memref<6272xf32, #tpu.memory_space<hbm>>
      %dma_wait3A_14 = tpu.memref_slice %arg9[%mul3A_2] : memref<100352xf32, #tpu.memory_space<vmem_shared>> -> memref<6272xf32, #tpu.memory_space<vmem_shared>>
      tpu.wait_dma2 semaphore(%run_scoped3A_10 : memref<!tpu.dma_semaphore, #tpu.memory_space<semaphore_mem>>) src(%dma_wait3A_14 : memref<6272xf32, #tpu.memory_space<vmem_shared>>) dst(%dma_wait3A_13 : memref<6272xf32, #tpu.memory_space<hbm>>)
      tpu.yield
    }) : () -> ()
    return
  }
}

module attributes {stable_mosaic.version = 14 : i64} {
  func.func @_combine_body(%arg0: memref<2x2x784x128xf32, #tpu.memory_space<vmem>>, %arg1: memref<2x784x128xf32, #tpu.memory_space<vmem>>, %arg2: memref<2x784x128xf32, #tpu.memory_space<vmem>>) attributes {dimension_semantics = [], scalar_prefetch = 0 : i64, scratch_operands = 0 : i64, tpu.core_type = #tpu.core_type<tc>} {
    %get3A = arith.constant 0 : index
    %get3A_0 = arith.constant 0 : index
    %get3A_1 = arith.constant 0 : index
    %get3A_2 = arith.constant 0 : index
    %get3A_3 = vector.load %arg0[%get3A, %get3A_0, %get3A_1, %get3A_2] : memref<2x2x784x128xf32, #tpu.memory_space<vmem>>, vector<1x1x784x128xf32>
    %get3A_4 = vector.shape_cast %get3A_3 : vector<1x1x784x128xf32> to vector<784x128xf32>
    %get3A_5 = arith.constant 1 : index
    %get3A_6 = arith.constant 0 : index
    %get3A_7 = arith.constant 0 : index
    %get3A_8 = arith.constant 0 : index
    %get3A_9 = vector.load %arg0[%get3A_5, %get3A_6, %get3A_7, %get3A_8] : memref<2x2x784x128xf32, #tpu.memory_space<vmem>>, vector<1x1x784x128xf32>
    %get3A_10 = vector.shape_cast %get3A_9 : vector<1x1x784x128xf32> to vector<784x128xf32>
    %add3A = arith.addf %get3A_4, %get3A_10 : vector<784x128xf32>
    %get3A_11 = arith.constant 0 : index
    %get3A_12 = arith.constant 0 : index
    %get3A_13 = arith.constant 0 : index
    %get3A_14 = vector.load %arg1[%get3A_11, %get3A_12, %get3A_13] : memref<2x784x128xf32, #tpu.memory_space<vmem>>, vector<1x784x128xf32>
    %get3A_15 = vector.shape_cast %get3A_14 : vector<1x784x128xf32> to vector<784x128xf32>
    %mul3A = arith.constant 1.000000e-01 : f32
    %mul3A_16 = vector.broadcast %mul3A : f32 to vector<784x128xf32>
    %mul3A_17 = arith.mulf %mul3A_16, %get3A_15 : vector<784x128xf32>
    %sub3A = arith.subf %add3A, %mul3A_17 : vector<784x128xf32>
    %swap3A = arith.constant 0 : index
    %swap3A_18 = arith.constant 0 : index
    %swap3A_19 = arith.constant 0 : index
    %swap3A_20 = vector.load %arg2[%swap3A, %swap3A_18, %swap3A_19] : memref<2x784x128xf32, #tpu.memory_space<vmem>>, vector<1x784x128xf32>
    %swap3A_21 = vector.shape_cast %swap3A_20 : vector<1x784x128xf32> to vector<784x128xf32>
    %swap3A_22 = vector.shape_cast %sub3A : vector<784x128xf32> to vector<1x784x128xf32>
    tpu.vector_store %arg2[%swap3A, %swap3A_18, %swap3A_19], %swap3A_22 {strides = array<i32>} : memref<2x784x128xf32, #tpu.memory_space<vmem>>, vector<1x784x128xf32>,
    %get3A_23 = arith.constant 0 : index
    %get3A_24 = arith.constant 1 : index
    %get3A_25 = arith.constant 0 : index
    %get3A_26 = arith.constant 0 : index
    %get3A_27 = vector.load %arg0[%get3A_23, %get3A_24, %get3A_25, %get3A_26] : memref<2x2x784x128xf32, #tpu.memory_space<vmem>>, vector<1x1x784x128xf32>
    %get3A_28 = vector.shape_cast %get3A_27 : vector<1x1x784x128xf32> to vector<784x128xf32>
    %get3A_29 = arith.constant 1 : index
    %get3A_30 = arith.constant 1 : index
    %get3A_31 = arith.constant 0 : index
    %get3A_32 = arith.constant 0 : index
    %get3A_33 = vector.load %arg0[%get3A_29, %get3A_30, %get3A_31, %get3A_32] : memref<2x2x784x128xf32, #tpu.memory_space<vmem>>, vector<1x1x784x128xf32>
    %get3A_34 = vector.shape_cast %get3A_33 : vector<1x1x784x128xf32> to vector<784x128xf32>
    %add3A_35 = arith.addf %get3A_28, %get3A_34 : vector<784x128xf32>
    %get3A_36 = arith.constant 1 : index
    %get3A_37 = arith.constant 0 : index
    %get3A_38 = arith.constant 0 : index
    %get3A_39 = vector.load %arg1[%get3A_36, %get3A_37, %get3A_38] : memref<2x784x128xf32, #tpu.memory_space<vmem>>, vector<1x784x128xf32>
    %get3A_40 = vector.shape_cast %get3A_39 : vector<1x784x128xf32> to vector<784x128xf32>
    %mul3A_41 = arith.constant 1.000000e-01 : f32
    %mul3A_42 = vector.broadcast %mul3A_41 : f32 to vector<784x128xf32>
    %mul3A_43 = arith.mulf %mul3A_42, %get3A_40 : vector<784x128xf32>
    %sub3A_44 = arith.subf %add3A_35, %mul3A_43 : vector<784x128xf32>
    %swap3A_45 = arith.constant 1 : index
    %swap3A_46 = arith.constant 0 : index
    %swap3A_47 = arith.constant 0 : index
    %swap3A_48 = vector.load %arg2[%swap3A_45, %swap3A_46, %swap3A_47] : memref<2x784x128xf32, #tpu.memory_space<vmem>>, vector<1x784x128xf32>
    %swap3A_49 = vector.shape_cast %swap3A_48 : vector<1x784x128xf32> to vector<784x128xf32>
    %swap3A_50 = vector.shape_cast %sub3A_44 : vector<784x128xf32> to vector<1x784x128xf32>
    tpu.vector_store %arg2[%swap3A_45, %swap3A_46, %swap3A_47], %swap3A_50 {strides = array<i32>} : memref<2x784x128xf32, #tpu.memory_space<vmem>>, vector<1x784x128xf32>,
    return
  }
}

</mosaic_0001>

<sc_bundles>
// kernel: kernel.4.cloned.1.call-start
scs
__scs_entry_jumppad:
0x0: {  	(pc) =	sbr.rel $0x88, $3  }
0x1: {  	(tag) =	ssettag $0x0;
	lr =	simm.s32 $0x1  }
0x2: {  	[smem:$0x3F9E] =	sst lr;
	_ =	strace $0xD0000000  }
0x3: {  	_ = 	snop  }
0x4: {  	_ = 	snop  }
0x5: {  	_ = 	snop  }
0x6: {  	_ = 	snop  }
0x7: {  	_ = 	snop  }
__scs_overlays_trampoline_lowered:
0x8: {  	[smem:$0x3FAD] =	sst s0  }
0x9: {  	[smem:$0x3FAE] =	sst s1  }
0xa: {  	[smem:$0x3FAF] =	sst s2  }
0xb: {  	[smem:$0x3FB0] =	sst s3  }
0xc: {  	[smem:$0x3FB1] =	sst s4  }
0xd: {  	[smem:$0x3FB2] =	sst s5  }
0xe: {  	[smem:$0x3FB3] =	sst s6  }
0xf: {  	[smem:$0x3FB4] =	sst s7  }
0x10: {  	[smem:$0x3FB5] =	sst s8  }
0x11: {  	[smem:$0x3FB6] =	sst s9;
	s0 =	simm.s32 @!p0 $0x0  }
0x12: {  	s1 =	sld [smem:$0x3F9C];
	s0 =	simm.s32 @p0 $0x1  }
0x13: {  	[smem:$0x3FB7] =	sst s0;
	s0 =	simm.s32 @!p1 $0x0  }
0x14: {  	s2 =	sld [smem:$0x3F9B];
	s0 =	simm.s32 @p1 $0x1  }
0x15: {  	[smem:$0x3FB8] =	sst s0;
	s0 =	simm.s32 @!p2 $0x0  }
0x16: {  	s3 =	sld [smem:$0x3FDB];
	s0 =	simm.s32 @p2 $0x1  }
0x17: {  	s4 =	simm.s32 $0x1BF5;
	[smem:$0x3FBA] =	sst s0  }
0x18: {  	s0 =	sld [smem:$0x3F9D];
	_ =	swait.ge [sflag:s4], $0x0  }
0x19: {  	s7 =	sld [smem:$0x3F9E]  }
0x1a: {  	s8 =	sadd.s32 $0xFFFFE003, lr  }
0x1b: {  	s9 =	sadd.s32 $0xFFFFFEF7, lr;
	s5 =	simm.s32 $0xFFFFFFFF;
	p2 =	slt.u32 s8, $0xFFFFF086  }
0x1c: {  	p1 =	slt.u32 s9, $0xF7A;
	s5 =	simm.s32 @!p2 $0x0  }
0x1d: {  	s5 =	simm.s32 @p1 $0x1;
	p0 =	seq.s32 s7, s2  }
0x1e: {  	s7 =	smul.u32 @!p0 $0xF7A, s2;
	p2 =	seq.s32 @!p0 s5, $0x0  }
0x1f: {  	s9 =	smul.u32 $0xF7A, s1;
	s8 =	simm.s32 @!p0 $0x1BF5;
	p2 =	por !p2, p0  }
0x20: {  	[sflag:s8] =	ssyncset.s32 @!p0 $0xFFFFF086;
	s6 =	sadd.s32 @!p0 s3, s7;
	s7 =	simm.s32 @!p0 $0x108  }
0x21: {  	s3 =	sadd.s32 s3, s9;
	s6 =	sadd.s32 @!p0 $0x88, s6;
	s7 =	simm.s32 @p2 $0x1082  }
0x22: {  	[simem:s7], [sflag:s8] =	dma.local @!p0 [hbm:s6], $0xF7A  }
0x23: {  	s9 =	sor.u32 $0xD0000000, s2;
	s6 =	simm.s32 $0x108;
	_ =	swait.ge @!p0 [sflag:s8], $0x0  }
0x24: {  	s3 =	sadd.s32 $0x88, s3;
	s6 =	simm.s32 @!p1 $0x1082;
	[sflag:s4] =	ssyncset.s32 $0xFFFFF086  }
0x25: {  	[simem:s6], [sflag:s4] =	dma.local [hbm:s3], $0xF7A  }
0x26: {  	[smem:$0x3F9E] =	sst s1;
	(tag) =	ssettag s2;
	_ =	strace s9  }
0x27: {  	s1 =	sld [smem:$0x3FAE]  }
0x28: {  	s2 =	sld [smem:$0x3FAF]  }
0x29: {  	s4 =	sld [smem:$0x3FB1]  }
0x2a: {  	p0 =	seq.s32 s5, $0x0;
	s5 =	sld [smem:$0x3FB2]  }
0x2b: {  	s6 =	sld [smem:$0x3FB3]  }
0x2c: {  	s7 =	sld [smem:$0x3FB4]  }
0x2d: {  	s3 =	simm.s32 $0x108;
	s8 =	sld [smem:$0x3FB5]  }
0x2e: {  	s3 =	simm.s32 @!p0 $0x1082;
	s9 =	sld [smem:$0x3FB6]  }
0x2f: {  	lr =	sadd.s32 s0, s3;
	s0 =	sld [smem:$0x3FAD]  }
0x30: {  	s3 =	sld [smem:$0x3FB0]  }
0x31: {  	[smem:$0x3FB9] =	sst s10  }
0x32: {  	s10 =	sld [smem:$0x3FB7];
	_ =	sdelay $0x3  }
0x33: {  	p0 =	seq.s32 s10, $0x1;
	s10 =	sld [smem:$0x3FB9];
	_ =	sdelay $0x3  }
0x34: {  	[smem:$0x3FB9] =	sst s10  }
0x35: {  	s10 =	sld [smem:$0x3FB8];
	_ =	sdelay $0x3  }
0x36: {  	p1 =	seq.s32 s10, $0x1;
	s10 =	sld [smem:$0x3FB9];
	_ =	sdelay $0x3  }
0x37: {  	[smem:$0x3FB9] =	sst s10  }
0x38: {  	s10 =	sld [smem:$0x3FBA]  }
0x39: {  	_ = 	snop;
	(pc) =	sbr.ind lr, $3  }
0x3a: {  	_ = 	snop  }
0x3b: {  	_ = 	snop  }
0x3c: {  	p2 =	seq.s32 s10, $0x1;
	s10 =	sld [smem:$0x3FB9]  }
0x3d: {  	_ =	shalt  }
0x3e: {  	_ =	shalt  }
0x3f: {  	_ =	shalt  }
0x40: {  	_ =	shalt  }
0x41: {  	_ =	shalt  }
0x42: {  	_ =	shalt  }
0x43: {  	_ =	shalt  }
0x44: {  	_ =	shalt  }
0x45: {  	_ =	shalt  }
0x46: {  	_ =	shalt  }
0x47: {  	_ =	shalt  }
0x48: {  	_ =	shalt  }
0x49: {  	_ =	shalt  }
0x4a: {  	_ =	shalt  }
0x4b: {  	_ =	shalt  }
0x4c: {  	_ =	shalt  }
0x4d: {  	_ =	shalt  }
0x4e: {  	_ =	shalt  }
0x4f: {  	_ =	shalt  }
0x50: {  	_ =	shalt  }
0x51: {  	_ =	shalt  }
0x52: {  	_ =	shalt  }
0x53: {  	_ =	shalt  }
0x54: {  	_ =	shalt  }
0x55: {  	_ =	shalt  }
0x56: {  	_ =	shalt  }
0x57: {  	_ =	shalt  }
0x58: {  	_ =	shalt  }
0x59: {  	_ =	shalt  }
0x5a: {  	_ =	shalt  }
0x5b: {  	_ =	shalt  }
0x5c: {  	_ =	shalt  }
0x5d: {  	_ =	shalt  }
0x5e: {  	_ =	shalt  }
0x5f: {  	_ =	shalt  }
0x60: {  	_ =	shalt  }
0x61: {  	_ =	shalt  }
0x62: {  	_ =	shalt  }
0x63: {  	_ =	shalt  }
0x64: {  	_ =	shalt  }
0x65: {  	_ =	shalt  }
0x66: {  	_ =	shalt  }
0x67: {  	_ =	shalt  }
0x68: {  	_ =	shalt  }
0x69: {  	_ =	shalt  }
0x6a: {  	_ =	shalt  }
0x6b: {  	_ =	shalt  }
0x6c: {  	_ =	shalt  }
0x6d: {  	_ =	shalt  }
0x6e: {  	_ =	shalt  }
0x6f: {  	_ =	shalt  }
0x70: {  	_ =	shalt  }
0x71: {  	_ =	shalt  }
0x72: {  	_ =	shalt  }
0x73: {  	_ =	shalt  }
0x74: {  	_ =	shalt  }
0x75: {  	_ =	shalt  }
0x76: {  	_ =	shalt  }
0x77: {  	_ =	shalt  }
0x78: {  	_ =	shalt  }
0x79: {  	_ =	shalt  }
0x7a: {  	_ =	shalt  }
0x7b: {  	_ =	shalt  }
0x7c: {  	_ =	shalt  }
0x7d: {  	_ =	shalt  }
0x7e: {  	_ =	shalt  }
0x7f: {  	_ =	shalt  }
0x80: {  	_ =	shalt  }
0x81: {  	_ =	shalt  }
0x82: {  	_ =	shalt  }
0x83: {  	_ =	shalt  }
0x84: {  	_ =	shalt  }
0x85: {  	_ =	shalt  }
0x86: {  	_ =	shalt  }
0x87: {  	_ =	shalt  }
.Lfunc_end0:
.L_simem_size_0:
called_computation_lowered:
.L_overlay_start_0:
0x88: {  	s2 =	sld [smem:$0x3FD9]  }
0x89: {  	s3 =	sld [smem:$0x3FFE];
	_ =	sdelay $0x1  }
0x8a: {  	s1 =	srdreg.scid  }
0x8b: {  	s0 =	sand.u32 $0x1, s1  }
0x8c: {  	s17 =	sshll.u32 s0, $0xA;
	s2 =	sadd.s32 s3, s2  }
0x8d: {  	s2 =	sadd.s32 s2, s17  }
0x8e: {  	[smem:$0x3FC5] =	sst s2  }
0x8f: {  	_ = 	snop  }
0x90: {  	s2 =	sld [smem:$0x3FD0];
	(tm) =	ssettm $0x1  }
0x91: {  	s18 =	sld [smem:$0x3FFB];
	_ =	sdelay $0x3  }
0x92: {  	_ =	strace s18  }
0x93: {  	s3 =	sld [smem:$0x3FFC];
	_ =	sdelay $0x3  }
0x94: {  	_ =	strace s3  }
0x95: {  	s3 =	sld [smem:$0x3FFD];
	_ =	sdelay $0x3  }
0x96: {  	_ =	strace s3  }
0x97: {  	_ =	strace $0x8FFFFFFF  }
0x98: {  	s19 =	sld [smem:$0x3FDB];
	_ =	sdelay $0x1  }
0x99: {  	s4 =	simm.s32 $_scs_section_size  }
0x9a: {  	s5 =	simm.s32 $_size__tile_overlayer_lowered;
	s6 =	simm.s32 $_tile_overlayer_lowered  }
0x9b: {  	s22 =	simm.s32 $0x1BFF;
	s21 =	sshll.u32 s6, $0x1;
	s3 =	sadd.s32 s4, s19  }
0x9c: {  	s7 =	simm.s32 $0x0;
	s20 =	sshll.u32 s5, $0x1;
	s5 =	sadd.s32 s21, s3  }
0x9d: {  	[timem:s7], [sflag:s22] =	dma.local [hbm:s5], s20  }
0x9e: {  	_ =	swait.ge [sflag:s22], s20  }
0x9f: {  	s4 =	ssub.s32 $0x0, s20;
	[sflag:s22] =	ssyncset.done $0x0  }
0xa0: {  	[sflag:s22] =	ssyncadd.s32 s4;
	_ =	sdelay $0x1  }
0xa1: {  	s23 =	simm.s32 $0x1B8B  }
0xa2: {  	_ =	swait.ge [sflag:s23], $0x1  }
0xa3: {  	[sflag:s23] =	ssyncset.done $0x0  }
0xa4: {  	s25 =	simm.s32 $0x1B8E;
	s24 =	sld [smem:$0x3FFE];
	[sflag:s23] =	ssyncadd.s32 $0xFFFFFFFF  }
0xa5: {  	s26 =	simm.s32 $execute0_lowered;
	[smem:$0x3FD2] =	sst s25  }
0xa6: {  	s5 =	sshll.u32 s26, $0x1;
	_ =	strace $0x80000046;
	[dreg:$0x1] =	wrdreg $0xFFFFFFFF  }
0xa7: {  	s28 =	simm.s32 $_size_execute0_lowered;
	s3 =	sadd.s32 s3, s5;
	[dreg:$0x0] =	wrdreg $0x0  }
0xa8: {  	s5 =	sshll.u32 s28, $0x1;
	[dreg:$0x2] =	wrdreg s3  }
0xa9: {  	[dreg:$0x3] =	wrdreg s5  }
0xaa: {  	[dreg:$0x4] =	wrdreg $0xC0  }
0xab: {  	_ =	task [dreg:s7], $0x5FFFF  }
0xac: {  	[dreg:$0x1] =	wrdreg $0xFFFFFFFF  }
0xad: {  	[dreg:$0x0] =	wrdreg $0x60  }
0xae: {  	[dreg:$0x2] =	wrdreg s24  }
0xaf: {  	[dreg:$0x3] =	wrdreg s2  }
0xb0: {  	[dreg:$0x4] =	wrdreg $0x0  }
0xb1: {  	[dreg:$0x5] =	wrdreg $0x18800  }
0xb2: {  	[dreg:$0x6] =	wrdreg $0x9  }
0xb3: {  	_ =	task.clear_ibuf [dreg:s7], $0x7FFFF;
	_ =	strace $0x90000046  }
0xb4: {  	s29 =	simm.s32 $0x9;
	_ =	strace $0x80000048  }
0xb5: {  	_ =	swait.ge [sflag:s29], $0x1  }
0xb6: {  	[sflag:s29] =	ssyncadd.s32 $0xFFFFFFFF  }
0xb7: {  	_ =	strace $0x90000048  }
0xb8: {  	_ =	sfence  }
0xb9: {  	s30 =	sld [smem:$0x0];
	_ =	sdelay $0x2  }
0xba: {  	s31 =	sshll.u32 s1, $0xD;
	s1 =	sshrl.u32 s1, $0x2  }
0xbb: {  	s3 =	sand.u32 $0x4000, s31;
	s1 =	sadd.s32 s1, s30  }
0xbc: {  	s0 =	sor.u32 s3, s0;
	s1 =	sshll.u32 s1, $0x11  }
0xbd: {  	s0 =	sor.u32 s1, s0  }
0xbe: {  	s0 =	sadd.s32 $0x8F2B, s0  }
0xbf: {  	[sflag:s0] =	ssyncadd.remote.s32 $0x1  }
0xc0: {  	_ =	sfence.sel $0xFFFF  }
0xc1: {  	[dreg:$0x0] =	wrdreg $0xFFFFFFFF;
	(pc) =	sbr.abs _section_cstart, $3  }
0xc2: {  	[dreg:$0x1] =	wrdreg $0xFFFFFFFF  }
0xc3: {  	_ =	task.clear_ibuf [dreg:s7], $0x2FFFF;
	_ =	strace $0x9FFFFFFF  }
0xc4: {  	(tm) =	ssettm $0x7FFFFFFF  }
0xc5: {  	_ =	shalt  }
tec
execute0_lowered:
.L_overlay_start_1:
0x0: {  	(tag) =	ssettag $0x1  }
0x1: {  	s0 =	rddreg [dreg:$0x0]  }
0x2: {  	s2 =	rddreg [dreg:$0x1]  }
0x3: {  	s3 =	rddreg [dreg:$0x2]  }
0x4: {  	s4 =	rddreg [dreg:$0x3]  }
0x5: {  	s10 =	stileid.u32;
	s1 =	srdreg.scid;
	s11 =	simm.s32 $0x0  }
0x6: {  	s16 =	simm.s32 $0x3;
	s13 =	simm.s32 $0x3A00;
	s28 =	simm.s32 $0x3B00  }
0x7: {  	s17 =	simm.s32 $0x3D00;
	s15 =	simm.s32 $0x3F80;
	s12 =	simm.s32 $0x4080  }
0x8: {  	s30 =	simm.s32 $0x1;
	s31 =	simm.s32 $0x2;
	s5 =	smul.u32 $0x1880, s10  }
0x9: {  	s1 =	sand.u32 $0x1, s1;
	[smem:$0x7FF] =	sst s11;
	s8 =	smul.u32 $0x3100, s10  }
0xa: {  	s6 =	sadd.s32 $0xC3A00, s0;
	s9 =	sadd.s32 $0x18AC00, s0;
	s19 =	sadd.s32 $0xC6C00, s0  }
0xb: {  	s24 =	sshll.u32 s10, $0x6;
	_ =	strace $0x80000047;
	[dreg:$0x6] =	wrdreg s9  }
0xc: {  	s7 =	smul.u32 $0x31000, s1;
	[dreg:$0x7] =	wrdreg s19;
	s22 =	ssub.s32 $0x2, s1  }
0xd: {  	s1 =	sshll.u32 s1, $0x4;
	s14 =	sor.u32 $0x1C03, s24;
	s19 =	simm.s32 $0x3900  }
0xe: {  	s9 =	simm.s32 $0x3B80;
	s24 =	simm.s32 $0x3D80;
	s20 =	sshrl.u32 s5, $0x3  }
0xf: {  	s23 =	sshrl.u32 s22, $0x1;
	s1 =	sor.u32 s10, s1;
	s25 =	sadd.s32 s5, s3  }
0x10: {  	s5 =	sadd.s32 s5, s4;
	s10 =	simm.s32 $0x3C80;
	[dreg:$0x9] =	wrdreg s14  }
0x11: {  	s7 =	sadd.s32 s8, s7;
	s21 =	sadd.s32 s20, s0;
	s1 =	smul.u32 $0x31000, s1  }
0x12: {  	s18 =	sshrl.u32 s5, $0x3;
	s20 =	simm.s32 $0x80;
	s5 =	simm.s32 $0x3A80  }
0x13: {  	s7 =	sshrl.u32 s7, $0x3;
	s8 =	sadd.s32 $0x400, s21;
	[dreg:$0xf] =	wrdreg s18  }
0x14: {  	s21 =	simm.s32 $0x3980;
	s0 =	sadd.s32 s7, s0;
	[dreg:$0x8] =	wrdreg s8  }
0x15: {  	s7 =	ssub.s32 s22, s23;
	[dreg:$0xa] =	wrdreg s1;
	s26 =	sadd.s32 $0x3600, s0  }
0x16: {  	s22 =	simm.s32 $0x3E00;
	s0 =	sadd.s32 $0x3610, s0;
	[dreg:$0xb] =	wrdreg s26  }
0x17: {  	s8 =	simm.s32 $0x3E80;
	s29 =	smax.u32 s7, $0x1;
	[dreg:$0xc] =	wrdreg s0  }
0x18: {  	s1 =	simm.s32 $0x4000;
	s7 =	sshrl.u32 s25, $0x3;
	[dreg:$0xd] =	wrdreg s29  }
0x19: {  	s25 =	simm.s32 $0x3F00;
	s26 =	simm.s32 $0x3C00;
	[dreg:$0xe] =	wrdreg s7  }
.LBB2_1:
0x1a: {  	[dreg:$0x5] =	wrdreg s11  }
0x1b: {  	s0 =	rddreg [dreg:$0x8]  }
0x1c: {  	[spmem:s7], [sflag:s14] =	dma.local [hbm:s0], $0x310  }
0x1d: {  	_ =	swait.ge [sflag:s16], $0x310  }
0x1e: {  	[sflag:s16] =	ssyncset.done $0x0  }
0x1f: {  	[sflag:s16] =	ssyncadd.s32 $0xFFFFFCF0  }
0x20: {  	[spmem:s18], [sflag:s14] =	dma.local [hbm:s0], $0x310  }
0x21: {  	_ =	swait.ge [sflag:s16], $0x310  }
0x22: {  	[sflag:s16] =	ssyncset.done $0x0  }
0x23: {  	[sflag:s16] =	ssyncadd.s32 $0xFFFFFCF0  }
0x24: {  	s14 =	simm.s32 $0x0;
	[bflag:$0x0] =	sbarrier.arrive $0xFFFF  }
.LBB2_2:
0x25: {  	s0 =	sshll.u32 s14, $0xB;
	s7 =	rddreg [dreg:$0xa]  }
0x26: {  	s0 =	sadd.s32 s7, s0  }
0x27: {  	s23 =	rddreg [dreg:$0x6];
	s0 =	sshrl.u32 s0, $0x3  }
0x28: {  	s11 =	simm.s32 $0x0;
	s18 =	simm.s32 $0x3100;
	s7 =	sadd.s32 s23, s0  }
0x29: {  	[tilespmem:s18], [sflag:$0x3] =	stream.linear.gather [hbm4b:s7+s11], $0x800, $0x38;
	[tilespmem:$0x7100] =	vst v63  }
0x2a: {  	_ =	swait.ge [sflag:s16], $0x800  }
0x2b: {  	[sflag:s16] =	ssyncset.done $0x0;
	s29 =	rddreg [dreg:$0x7]  }
0x2c: {  	[sflag:s16] =	ssyncadd.s32 $0xFFFFF800;
	s0 =	sadd.s32 s29, s0  }
0x2d: {  	[tilespmem:s19], [sflag:$0x3] =	stream.linear.gather [hbm4b:s0+s11], $0x800, $0x38;
	[tilespmem:$0x7100] =	vst v63  }
0x2e: {  	_ =	swait.ge [sflag:s16], $0x800  }
0x2f: {  	[sflag:s16] =	ssyncset.done $0x0  }
0x30: {  	s23 =	simm.s32 $0x4100;
	[sflag:s16] =	ssyncadd.s32 $0xFFFFF800  }
0x31: {  	[tilespmem:s23], [sflag:$0x1] =	stream.indirect.gather [hbm4b:s6+s20], $0x1, s18, s20, $0xb8;
	[tilespmem:$0x7100] =	vst v63  }
0x32: {  	s29 =	simm.s32 $0x4900  }
0x33: {  	[tilespmem:s29], [sflag:$0x1] =	stream.indirect.gather [hbm4b:s2+s20], $0x1, s18, s20, $0xb8;
	[tilespmem:$0x7100] =	vst v63  }
0x34: {  	s7 =	simm.s32 $0x5100  }
0x35: {  	[tilespmem:s7], [sflag:$0x1] =	stream.indirect.gather [hbm4b:s6+s20], $0x1, s19, s20, $0xb8;
	[tilespmem:$0x7100] =	vst v63  }
0x36: {  	s11 =	simm.s32 $0x5900  }
0x37: {  	[tilespmem:s11], [sflag:$0x1] =	stream.indirect.gather [hbm4b:s2+s20], $0x1, s19, s20, $0xb8;
	[tilespmem:$0x7100] =	vst v63  }
0x38: {  	s23 =	simm.s32 $0x4180;
	s18 =	simm.s32 $0x3180  }
0x39: {  	[tilespmem:s23], [sflag:$0x1] =	stream.indirect.gather [hbm4b:s6+s20], $0x1, s18, s20, $0xb8;
	[tilespmem:$0x7100] =	vst v63  }
0x3a: {  	s29 =	simm.s32 $0x4980  }
0x3b: {  	[tilespmem:s29], [sflag:$0x1] =	stream.indirect.gather [hbm4b:s2+s20], $0x1, s18, s20, $0xb8;
	[tilespmem:$0x7100] =	vst v63  }
0x3c: {  	s11 =	simm.s32 $0x5180  }
0x3d: {  	[tilespmem:s11], [sflag:$0x1] =	stream.indirect.gather [hbm4b:s6+s20], $0x1, s21, s20, $0xb8;
	[tilespmem:$0x7100] =	vst v63  }
0x3e: {  	s18 =	simm.s32 $0x5980  }
0x3f: {  	[tilespmem:s18], [sflag:$0x1] =	stream.indirect.gather [hbm4b:s2+s20], $0x1, s21, s20, $0xb8;
	[tilespmem:$0x7100] =	vst v63  }
0x40: {  	s23 =	simm.s32 $0x4200;
	s21 =	simm.s32 $0x3200  }
0x41: {  	[tilespmem:s23], [sflag:$0x1] =	stream.indirect.gather [hbm4b:s6+s20], $0x1, s21, s20, $0xb8;
	[tilespmem:$0x7100] =	vst v63  }
0x42: {  	s29 =	simm.s32 $0x4A00  }
0x43: {  	[tilespmem:s29], [sflag:$0x1] =	stream.indirect.gather [hbm4b:s2+s20], $0x1, s21, s20, $0xb8;
	[tilespmem:$0x7100] =	vst v63  }
0x44: {  	s11 =	simm.s32 $0x5200  }
0x45: {  	[tilespmem:s11], [sflag:$0x1] =	stream.indirect.gather [hbm4b:s6+s20], $0x1, s13, s20, $0xb8;
	[tilespmem:$0x7100] =	vst v63  }
0x46: {  	s18 =	simm.s32 $0x5A00  }
0x47: {  	[tilespmem:s18], [sflag:$0x1] =	stream.indirect.gather [hbm4b:s2+s20], $0x1, s13, s20, $0xb8;
	[tilespmem:$0x7100] =	vst v63  }
0x48: {  	s23 =	simm.s32 $0x4280;
	s21 =	simm.s32 $0x3280  }
0x49: {  	[tilespmem:s23], [sflag:$0x1] =	stream.indirect.gather [hbm4b:s6+s20], $0x1, s21, s20, $0xb8;
	[tilespmem:$0x7100] =	vst v63  }
0x4a: {  	s29 =	simm.s32 $0x4A80  }
0x4b: {  	[tilespmem:s29], [sflag:$0x1] =	stream.indirect.gather [hbm4b:s2+s20], $0x1, s21, s20, $0xb8;
	[tilespmem:$0x7100] =	vst v63  }
0x4c: {  	s11 =	simm.s32 $0x5280  }
0x4d: {  	[tilespmem:s11], [sflag:$0x1] =	stream.indirect.gather [hbm4b:s6+s20], $0x1, s5, s20, $0xb8;
	[tilespmem:$0x7100] =	vst v63  }
0x4e: {  	s18 =	simm.s32 $0x5A80  }
0x4f: {  	[tilespmem:s18], [sflag:$0x1] =	stream.indirect.gather [hbm4b:s2+s20], $0x1, s5, s20, $0xb8;
	[tilespmem:$0x7100] =	vst v63  }
0x50: {  	s23 =	simm.s32 $0x4300;
	s21 =	simm.s32 $0x3300  }
0x51: {  	[tilespmem:s23], [sflag:$0x1] =	stream.indirect.gather [hbm4b:s6+s20], $0x1, s21, s20, $0xb8;
	[tilespmem:$0x7100] =	vst v63  }
0x52: {  	s29 =	simm.s32 $0x4B00  }
0x53: {  	[tilespmem:s29], [sflag:$0x1] =	stream.indirect.gather [hbm4b:s2+s20], $0x1, s21, s20, $0xb8;
	[tilespmem:$0x7100] =	vst v63  }
0x54: {  	s11 =	simm.s32 $0x5300  }
0x55: {  	[tilespmem:s11], [sflag:$0x1] =	stream.indirect.gather [hbm4b:s6+s20], $0x1, s28, s20, $0xb8;
	[tilespmem:$0x7100] =	vst v63  }
0x56: {  	s18 =	simm.s32 $0x5B00  }
0x57: {  	[tilespmem:s18], [sflag:$0x1] =	stream.indirect.gather [hbm4b:s2+s20], $0x1, s28, s20, $0xb8;
	[tilespmem:$0x7100] =	vst v63  }
0x58: {  	s23 =	simm.s32 $0x4380;
	s21 =	simm.s32 $0x3380  }
0x59: {  	[tilespmem:s23], [sflag:$0x1] =	stream.indirect.gather [hbm4b:s6+s20], $0x1, s21, s20, $0xb8;
	[tilespmem:$0x7100] =	vst v63  }
0x5a: {  	s29 =	simm.s32 $0x4B80  }
0x5b: {  	[tilespmem:s29], [sflag:$0x1] =	stream.indirect.gather [hbm4b:s2+s20], $0x1, s21, s20, $0xb8;
	[tilespmem:$0x7100] =	vst v63  }
0x5c: {  	s11 =	simm.s32 $0x5380  }
0x5d: {  	[tilespmem:s11], [sflag:$0x1] =	stream.indirect.gather [hbm4b:s6+s20], $0x1, s9, s20, $0xb8;
	[tilespmem:$0x7100] =	vst v63  }
0x5e: {  	s18 =	simm.s32 $0x5B80  }
0x5f: {  	[tilespmem:s18], [sflag:$0x1] =	stream.indirect.gather [hbm4b:s2+s20], $0x1, s9, s20, $0xb8;
	[tilespmem:$0x7100] =	vst v63  }
0x60: {  	s23 =	simm.s32 $0x4400;
	s21 =	simm.s32 $0x3400  }
0x61: {  	[tilespmem:s23], [sflag:$0x1] =	stream.indirect.gather [hbm4b:s6+s20], $0x1, s21, s20, $0xb8;
	[tilespmem:$0x7100] =	vst v63  }
0x62: {  	s29 =	simm.s32 $0x4C00  }
0x63: {  	[tilespmem:s29], [sflag:$0x1] =	stream.indirect.gather [hbm4b:s2+s20], $0x1, s21, s20, $0xb8;
	[tilespmem:$0x7100] =	vst v63  }
0x64: {  	s11 =	simm.s32 $0x5400  }
0x65: {  	[tilespmem:s11], [sflag:$0x1] =	stream.indirect.gather [hbm4b:s6+s20], $0x1, s26, s20, $0xb8;
	[tilespmem:$0x7100] =	vst v63  }
0x66: {  	s18 =	simm.s32 $0x5C00  }
0x67: {  	[tilespmem:s18], [sflag:$0x1] =	stream.indirect.gather [hbm4b:s2+s20], $0x1, s26, s20, $0xb8;
	[tilespmem:$0x7100] =	vst v63  }
0x68: {  	s23 =	simm.s32 $0x4480;
	s21 =	simm.s32 $0x3480  }
0x69: {  	[tilespmem:s23], [sflag:$0x1] =	stream.indirect.gather [hbm4b:s6+s20], $0x1, s21, s20, $0xb8;
	[tilespmem:$0x7100] =	vst v63  }
0x6a: {  	s29 =	simm.s32 $0x4C80  }
0x6b: {  	[tilespmem:s29], [sflag:$0x1] =	stream.indirect.gather [hbm4b:s2+s20], $0x1, s21, s20, $0xb8;
	[tilespmem:$0x7100] =	vst v63  }
0x6c: {  	s11 =	simm.s32 $0x5480  }
0x6d: {  	[tilespmem:s11], [sflag:$0x1] =	stream.indirect.gather [hbm4b:s6+s20], $0x1, s10, s20, $0xb8;
	[tilespmem:$0x7100] =	vst v63  }
0x6e: {  	s18 =	simm.s32 $0x5C80  }
0x6f: {  	[tilespmem:s18], [sflag:$0x1] =	stream.indirect.gather [hbm4b:s2+s20], $0x1, s10, s20, $0xb8;
	[tilespmem:$0x7100] =	vst v63  }
0x70: {  	s23 =	simm.s32 $0x4500;
	s21 =	simm.s32 $0x3500  }
0x71: {  	[tilespmem:s23], [sflag:$0x1] =	stream.indirect.gather [hbm4b:s6+s20], $0x1, s21, s20, $0xb8;
	[tilespmem:$0x7100] =	vst v63  }
0x72: {  	s29 =	simm.s32 $0x4D00  }
0x73: {  	[tilespmem:s29], [sflag:$0x1] =	stream.indirect.gather [hbm4b:s2+s20], $0x1, s21, s20, $0xb8;
	[tilespmem:$0x7100] =	vst v63  }
0x74: {  	s11 =	simm.s32 $0x5500  }
0x75: {  	[tilespmem:s11], [sflag:$0x1] =	stream.indirect.gather [hbm4b:s6+s20], $0x1, s17, s20, $0xb8;
	[tilespmem:$0x7100] =	vst v63  }
0x76: {  	s18 =	simm.s32 $0x5D00  }
0x77: {  	[tilespmem:s18], [sflag:$0x1] =	stream.indirect.gather [hbm4b:s2+s20], $0x1, s17, s20, $0xb8;
	[tilespmem:$0x7100] =	vst v63  }
0x78: {  	s23 =	simm.s32 $0x4580;
	s21 =	simm.s32 $0x3580  }
0x79: {  	[tilespmem:s23], [sflag:$0x1] =	stream.indirect.gather [hbm4b:s6+s20], $0x1, s21, s20, $0xb8;
	[tilespmem:$0x7100] =	vst v63  }
0x7a: {  	s29 =	simm.s32 $0x4D80  }
0x7b: {  	[tilespmem:s29], [sflag:$0x1] =	stream.indirect.gather [hbm4b:s2+s20], $0x1, s21, s20, $0xb8;
	[tilespmem:$0x7100] =	vst v63  }
0x7c: {  	s11 =	simm.s32 $0x5580  }
0x7d: {  	[tilespmem:s11], [sflag:$0x1] =	stream.indirect.gather [hbm4b:s6+s20], $0x1, s24, s20, $0xb8;
	[tilespmem:$0x7100] =	vst v63  }
0x7e: {  	s18 =	simm.s32 $0x5D80  }
0x7f: {  	[tilespmem:s18], [sflag:$0x1] =	stream.indirect.gather [hbm4b:s2+s20], $0x1, s24, s20, $0xb8;
	[tilespmem:$0x7100] =	vst v63  }
0x80: {  	s23 =	simm.s32 $0x4600;
	s21 =	simm.s32 $0x3600  }
0x81: {  	[tilespmem:s23], [sflag:$0x1] =	stream.indirect.gather [hbm4b:s6+s20], $0x1, s21, s20, $0xb8;
	[tilespmem:$0x7100] =	vst v63  }
0x82: {  	s29 =	simm.s32 $0x4E00  }
0x83: {  	[tilespmem:s29], [sflag:$0x1] =	stream.indirect.gather [hbm4b:s2+s20], $0x1, s21, s20, $0xb8;
	[tilespmem:$0x7100] =	vst v63  }
0x84: {  	s11 =	simm.s32 $0x5600  }
0x85: {  	[tilespmem:s11], [sflag:$0x1] =	stream.indirect.gather [hbm4b:s6+s20], $0x1, s22, s20, $0xb8;
	[tilespmem:$0x7100] =	vst v63  }
0x86: {  	s18 =	simm.s32 $0x5E00  }
0x87: {  	[tilespmem:s18], [sflag:$0x1] =	stream.indirect.gather [hbm4b:s2+s20], $0x1, s22, s20, $0xb8;
	[tilespmem:$0x7100] =	vst v63  }
0x88: {  	s23 =	simm.s32 $0x4680;
	s21 =	simm.s32 $0x3680  }
0x89: {  	[tilespmem:s23], [sflag:$0x1] =	stream.indirect.gather [hbm4b:s6+s20], $0x1, s21, s20, $0xb8;
	[tilespmem:$0x7100] =	vst v63  }
0x8a: {  	s29 =	simm.s32 $0x4E80  }
0x8b: {  	[tilespmem:s29], [sflag:$0x1] =	stream.indirect.gather [hbm4b:s2+s20], $0x1, s21, s20, $0xb8;
	[tilespmem:$0x7100] =	vst v63  }
0x8c: {  	s11 =	simm.s32 $0x5680  }
0x8d: {  	[tilespmem:s11], [sflag:$0x1] =	stream.indirect.gather [hbm4b:s6+s20], $0x1, s8, s20, $0xb8;
	[tilespmem:$0x7100] =	vst v63  }
0x8e: {  	s18 =	simm.s32 $0x5E80  }
0x8f: {  	[tilespmem:s18], [sflag:$0x1] =	stream.indirect.gather [hbm4b:s2+s20], $0x1, s8, s20, $0xb8;
	[tilespmem:$0x7100] =	vst v63  }
0x90: {  	s23 =	simm.s32 $0x4700;
	s21 =	simm.s32 $0x3700  }
0x91: {  	[tilespmem:s23], [sflag:$0x1] =	stream.indirect.gather [hbm4b:s6+s20], $0x1, s21, s20, $0xb8;
	[tilespmem:$0x7100] =	vst v63  }
0x92: {  	s29 =	simm.s32 $0x4F00  }
0x93: {  	[tilespmem:s29], [sflag:$0x1] =	stream.indirect.gather [hbm4b:s2+s20], $0x1, s21, s20, $0xb8;
	[tilespmem:$0x7100] =	vst v63  }
0x94: {  	s11 =	simm.s32 $0x5700  }
0x95: {  	[tilespmem:s11], [sflag:$0x1] =	stream.indirect.gather [hbm4b:s6+s20], $0x1, s25, s20, $0xb8;
	[tilespmem:$0x7100] =	vst v63  }
0x96: {  	s18 =	simm.s32 $0x5F00  }
0x97: {  	[tilespmem:s18], [sflag:$0x1] =	stream.indirect.gather [hbm4b:s2+s20], $0x1, s25, s20, $0xb8;
	[tilespmem:$0x7100] =	vst v63  }
0x98: {  	s23 =	simm.s32 $0x4780;
	s21 =	simm.s32 $0x3780  }
0x99: {  	[tilespmem:s23], [sflag:$0x1] =	stream.indirect.gather [hbm4b:s6+s20], $0x1, s21, s20, $0xb8;
	[tilespmem:$0x7100] =	vst v63  }
0x9a: {  	s29 =	simm.s32 $0x4F80  }
0x9b: {  	[tilespmem:s29], [sflag:$0x1] =	stream.indirect.gather [hbm4b:s2+s20], $0x1, s21, s20, $0xb8;
	[tilespmem:$0x7100] =	vst v63  }
0x9c: {  	s7 =	simm.s32 $0x5780  }
0x9d: {  	[tilespmem:s7], [sflag:$0x1] =	stream.indirect.gather [hbm4b:s6+s20], $0x1, s15, s20, $0xb8;
	[tilespmem:$0x7100] =	vst v63  }
0x9e: {  	s11 =	simm.s32 $0x5F80  }
0x9f: {  	[tilespmem:s11], [sflag:$0x1] =	stream.indirect.gather [hbm4b:s2+s20], $0x1, s15, s20, $0xb8;
	[tilespmem:$0x7100] =	vst v63  }
0xa0: {  	s18 =	simm.s32 $0x3800;
	s21 =	simm.s32 $0x4800  }
0xa1: {  	[tilespmem:s21], [sflag:$0x1] =	stream.indirect.gather [hbm4b:s6+s20], $0x1, s18, s20, $0xb8;
	[tilespmem:$0x7100] =	vst v63  }
0xa2: {  	s23 =	simm.s32 $0x5000  }
0xa3: {  	[tilespmem:s23], [sflag:$0x1] =	stream.indirect.gather [hbm4b:s2+s20], $0x1, s18, s20, $0xb8;
	[tilespmem:$0x7100] =	vst v63  }
0xa4: {  	s29 =	simm.s32 $0x5800  }
0xa5: {  	[tilespmem:s29], [sflag:$0x1] =	stream.indirect.gather [hbm4b:s6+s20], $0x1, s1, s20, $0xb8;
	[tilespmem:$0x7100] =	vst v63  }
0xa6: {  	s7 =	simm.s32 $0x6000  }
0xa7: {  	[tilespmem:s7], [sflag:$0x1] =	stream.indirect.gather [hbm4b:s2+s20], $0x1, s1, s20, $0xb8;
	[tilespmem:$0x7100] =	vst v63  }
0xa8: {  	s11 =	simm.s32 $0x3880;
	s18 =	simm.s32 $0x4880  }
0xa9: {  	[tilespmem:s18], [sflag:$0x1] =	stream.indirect.gather [hbm4b:s6+s20], $0x1, s11, s20, $0xb8;
	[tilespmem:$0x7100] =	vst v63  }
0xaa: {  	s21 =	simm.s32 $0x5080  }
0xab: {  	[tilespmem:s21], [sflag:$0x1] =	stream.indirect.gather [hbm4b:s2+s20], $0x1, s11, s20, $0xb8;
	[tilespmem:$0x7100] =	vst v63  }
0xac: {  	s23 =	simm.s32 $0x5880  }
0xad: {  	[tilespmem:s23], [sflag:$0x1] =	stream.indirect.gather [hbm4b:s6+s20], $0x1, s12, s20, $0xb8;
	[tilespmem:$0x7100] =	vst v63  }
0xae: {  	s29 =	simm.s32 $0x6080  }
0xaf: {  	[tilespmem:s29], [sflag:$0x1] =	stream.indirect.gather [hbm4b:s2+s20], $0x1, s12, s20, $0xb8;
	[tilespmem:$0x7100] =	vst v63  }
0xb0: {  	_ =	swait.ge [sflag:s30], $0x80  }
0xb1: {  	[sflag:s30] =	ssyncset.done $0x0  }
0xb2: {  	[sflag:s30] =	ssyncadd.s32 $0xFFFFFF80  }
0xb3: {  	_ =	swait.ge [sflag:s30], $0x80  }
0xb4: {  	[sflag:s30] =	ssyncset.done $0x0  }
0xb5: {  	[sflag:s30] =	ssyncadd.s32 $0xFFFFFF80  }
0xb6: {  	_ =	swait.ge [sflag:s30], $0x80  }
0xb7: {  	[sflag:s30] =	ssyncset.done $0x0  }
0xb8: {  	[sflag:s30] =	ssyncadd.s32 $0xFFFFFF80  }
0xb9: {  	_ =	swait.ge [sflag:s30], $0x80  }
0xba: {  	[sflag:s30] =	ssyncset.done $0x0  }
0xbb: {  	[sflag:s30] =	ssyncadd.s32 $0xFFFFFF80  }
0xbc: {  	_ =	swait.ge [sflag:s30], $0x80  }
0xbd: {  	[sflag:s30] =	ssyncset.done $0x0  }
0xbe: {  	[sflag:s30] =	ssyncadd.s32 $0xFFFFFF80  }
0xbf: {  	_ =	swait.ge [sflag:s30], $0x80  }
0xc0: {  	[sflag:s30] =	ssyncset.done $0x0  }
0xc1: {  	[sflag:s30] =	ssyncadd.s32 $0xFFFFFF80  }
0xc2: {  	_ =	swait.ge [sflag:s30], $0x80  }
0xc3: {  	[sflag:s30] =	ssyncset.done $0x0  }
0xc4: {  	[sflag:s30] =	ssyncadd.s32 $0xFFFFFF80  }
0xc5: {  	_ =	swait.ge [sflag:s30], $0x80  }
0xc6: {  	[sflag:s30] =	ssyncset.done $0x0  }
0xc7: {  	[sflag:s30] =	ssyncadd.s32 $0xFFFFFF80  }
0xc8: {  	_ =	swait.ge [sflag:s30], $0x80  }
0xc9: {  	[sflag:s30] =	ssyncset.done $0x0  }
0xca: {  	[sflag:s30] =	ssyncadd.s32 $0xFFFFFF80  }
0xcb: {  	_ =	swait.ge [sflag:s30], $0x80  }
0xcc: {  	[sflag:s30] =	ssyncset.done $0x0  }
0xcd: {  	[sflag:s30] =	ssyncadd.s32 $0xFFFFFF80  }
0xce: {  	_ =	swait.ge [sflag:s30], $0x80  }
0xcf: {  	[sflag:s30] =	ssyncset.done $0x0  }
0xd0: {  	[sflag:s30] =	ssyncadd.s32 $0xFFFFFF80  }
0xd1: {  	_ =	swait.ge [sflag:s30], $0x80  }
0xd2: {  	[sflag:s30] =	ssyncset.done $0x0  }
0xd3: {  	[sflag:s30] =	ssyncadd.s32 $0xFFFFFF80  }
0xd4: {  	_ =	swait.ge [sflag:s30], $0x80  }
0xd5: {  	[sflag:s30] =	ssyncset.done $0x0  }
0xd6: {  	[sflag:s30] =	ssyncadd.s32 $0xFFFFFF80  }
0xd7: {  	_ =	swait.ge [sflag:s30], $0x80  }
0xd8: {  	[sflag:s30] =	ssyncset.done $0x0  }
0xd9: {  	[sflag:s30] =	ssyncadd.s32 $0xFFFFFF80  }
0xda: {  	_ =	swait.ge [sflag:s30], $0x80  }
0xdb: {  	[sflag:s30] =	ssyncset.done $0x0  }
0xdc: {  	[sflag:s30] =	ssyncadd.s32 $0xFFFFFF80  }
0xdd: {  	_ =	swait.ge [sflag:s30], $0x80  }
0xde: {  	[sflag:s30] =	ssyncset.done $0x0  }
0xdf: {  	[sflag:s30] =	ssyncadd.s32 $0xFFFFFF80  }
0xe0: {  	_ =	swait.ge [sflag:s30], $0x80  }
0xe1: {  	[sflag:s30] =	ssyncset.done $0x0  }
0xe2: {  	[sflag:s30] =	ssyncadd.s32 $0xFFFFFF80  }
0xe3: {  	_ =	swait.ge [sflag:s30], $0x80  }
0xe4: {  	[sflag:s30] =	ssyncset.done $0x0  }
0xe5: {  	[sflag:s30] =	ssyncadd.s32 $0xFFFFFF80  }
0xe6: {  	_ =	swait.ge [sflag:s30], $0x80  }
0xe7: {  	[sflag:s30] =	ssyncset.done $0x0  }
0xe8: {  	[sflag:s30] =	ssyncadd.s32 $0xFFFFFF80  }
0xe9: {  	_ =	swait.ge [sflag:s30], $0x80  }
0xea: {  	[sflag:s30] =	ssyncset.done $0x0  }
0xeb: {  	[sflag:s30] =	ssyncadd.s32 $0xFFFFFF80  }
0xec: {  	_ =	swait.ge [sflag:s30], $0x80  }
0xed: {  	[sflag:s30] =	ssyncset.done $0x0  }
0xee: {  	[sflag:s30] =	ssyncadd.s32 $0xFFFFFF80  }
0xef: {  	_ =	swait.ge [sflag:s30], $0x80  }
0xf0: {  	[sflag:s30] =	ssyncset.done $0x0  }
0xf1: {  	[sflag:s30] =	ssyncadd.s32 $0xFFFFFF80  }
0xf2: {  	_ =	swait.ge [sflag:s30], $0x80  }
0xf3: {  	[sflag:s30] =	ssyncset.done $0x0  }
0xf4: {  	[sflag:s30] =	ssyncadd.s32 $0xFFFFFF80  }
0xf5: {  	_ =	swait.ge [sflag:s30], $0x80  }
0xf6: {  	[sflag:s30] =	ssyncset.done $0x0  }
0xf7: {  	[sflag:s30] =	ssyncadd.s32 $0xFFFFFF80  }
0xf8: {  	_ =	swait.ge [sflag:s30], $0x80  }
0xf9: {  	[sflag:s30] =	ssyncset.done $0x0  }
0xfa: {  	[sflag:s30] =	ssyncadd.s32 $0xFFFFFF80  }
0xfb: {  	_ =	swait.ge [sflag:s30], $0x80  }
0xfc: {  	[sflag:s30] =	ssyncset.done $0x0  }
0xfd: {  	[sflag:s30] =	ssyncadd.s32 $0xFFFFFF80  }
0xfe: {  	_ =	swait.ge [sflag:s30], $0x80  }
0xff: {  	[sflag:s30] =	ssyncset.done $0x0  }
0x100: {  	[sflag:s30] =	ssyncadd.s32 $0xFFFFFF80  }
0x101: {  	_ =	swait.ge [sflag:s30], $0x80  }
0x102: {  	[sflag:s30] =	ssyncset.done $0x0  }
0x103: {  	[sflag:s30] =	ssyncadd.s32 $0xFFFFFF80  }
0x104: {  	_ =	swait.ge [sflag:s30], $0x80  }
0x105: {  	[sflag:s30] =	ssyncset.done $0x0  }
0x106: {  	[sflag:s30] =	ssyncadd.s32 $0xFFFFFF80  }
0x107: {  	_ =	swait.ge [sflag:s30], $0x80  }
0x108: {  	[sflag:s30] =	ssyncset.done $0x0  }
0x109: {  	[sflag:s30] =	ssyncadd.s32 $0xFFFFFF80  }
0x10a: {  	_ =	swait.ge [sflag:s30], $0x80  }
0x10b: {  	[sflag:s30] =	ssyncset.done $0x0  }
0x10c: {  	[sflag:s30] =	ssyncadd.s32 $0xFFFFFF80  }
0x10d: {  	_ =	swait.ge [sflag:s30], $0x80  }
0x10e: {  	[sflag:s30] =	ssyncset.done $0x0  }
0x10f: {  	[sflag:s30] =	ssyncadd.s32 $0xFFFFFF80  }
0x110: {  	_ =	swait.ge [sflag:s30], $0x80  }
0x111: {  	[sflag:s30] =	ssyncset.done $0x0  }
0x112: {  	[sflag:s30] =	ssyncadd.s32 $0xFFFFFF80  }
0x113: {  	_ =	swait.ge [sflag:s30], $0x80  }
0x114: {  	[sflag:s30] =	ssyncset.done $0x0  }
0x115: {  	[sflag:s30] =	ssyncadd.s32 $0xFFFFFF80  }
0x116: {  	_ =	swait.ge [sflag:s30], $0x80  }
0x117: {  	[sflag:s30] =	ssyncset.done $0x0  }
0x118: {  	[sflag:s30] =	ssyncadd.s32 $0xFFFFFF80  }
0x119: {  	_ =	swait.ge [sflag:s30], $0x80  }
0x11a: {  	[sflag:s30] =	ssyncset.done $0x0  }
0x11b: {  	[sflag:s30] =	ssyncadd.s32 $0xFFFFFF80  }
0x11c: {  	_ =	swait.ge [sflag:s30], $0x80  }
0x11d: {  	[sflag:s30] =	ssyncset.done $0x0  }
0x11e: {  	[sflag:s30] =	ssyncadd.s32 $0xFFFFFF80  }
0x11f: {  	_ =	swait.ge [sflag:s30], $0x80  }
0x120: {  	[sflag:s30] =	ssyncset.done $0x0  }
0x121: {  	[sflag:s30] =	ssyncadd.s32 $0xFFFFFF80  }
0x122: {  	_ =	swait.ge [sflag:s30], $0x80  }
0x123: {  	[sflag:s30] =	ssyncset.done $0x0  }
0x124: {  	[sflag:s30] =	ssyncadd.s32 $0xFFFFFF80  }
0x125: {  	_ =	swait.ge [sflag:s30], $0x80  }
0x126: {  	[sflag:s30] =	ssyncset.done $0x0  }
0x127: {  	[sflag:s30] =	ssyncadd.s32 $0xFFFFFF80  }
0x128: {  	_ =	swait.ge [sflag:s30], $0x80  }
0x129: {  	[sflag:s30] =	ssyncset.done $0x0  }
0x12a: {  	[sflag:s30] =	ssyncadd.s32 $0xFFFFFF80  }
0x12b: {  	_ =	swait.ge [sflag:s30], $0x80  }
0x12c: {  	[sflag:s30] =	ssyncset.done $0x0  }
0x12d: {  	[sflag:s30] =	ssyncadd.s32 $0xFFFFFF80  }
0x12e: {  	_ =	swait.ge [sflag:s30], $0x80  }
0x12f: {  	[sflag:s30] =	ssyncset.done $0x0  }
0x130: {  	[sflag:s30] =	ssyncadd.s32 $0xFFFFFF80  }
0x131: {  	_ =	swait.ge [sflag:s30], $0x80  }
0x132: {  	[sflag:s30] =	ssyncset.done $0x0  }
0x133: {  	[sflag:s30] =	ssyncadd.s32 $0xFFFFFF80  }
0x134: {  	_ =	swait.ge [sflag:s30], $0x80  }
0x135: {  	[sflag:s30] =	ssyncset.done $0x0  }
0x136: {  	[sflag:s30] =	ssyncadd.s32 $0xFFFFFF80  }
0x137: {  	_ =	swait.ge [sflag:s30], $0x80  }
0x138: {  	[sflag:s30] =	ssyncset.done $0x0  }
0x139: {  	[sflag:s30] =	ssyncadd.s32 $0xFFFFFF80  }
0x13a: {  	_ =	swait.ge [sflag:s30], $0x80  }
0x13b: {  	[sflag:s30] =	ssyncset.done $0x0  }
0x13c: {  	[sflag:s30] =	ssyncadd.s32 $0xFFFFFF80  }
0x13d: {  	_ =	swait.ge [sflag:s30], $0x80  }
0x13e: {  	[sflag:s30] =	ssyncset.done $0x0  }
0x13f: {  	[sflag:s30] =	ssyncadd.s32 $0xFFFFFF80  }
0x140: {  	_ =	swait.ge [sflag:s30], $0x80  }
0x141: {  	[sflag:s30] =	ssyncset.done $0x0  }
0x142: {  	[sflag:s30] =	ssyncadd.s32 $0xFFFFFF80  }
0x143: {  	_ =	swait.ge [sflag:s30], $0x80  }
0x144: {  	[sflag:s30] =	ssyncset.done $0x0  }
0x145: {  	[sflag:s30] =	ssyncadd.s32 $0xFFFFFF80  }
0x146: {  	_ =	swait.ge [sflag:s30], $0x80  }
0x147: {  	[sflag:s30] =	ssyncset.done $0x0  }
0x148: {  	[sflag:s30] =	ssyncadd.s32 $0xFFFFFF80  }
0x149: {  	_ =	swait.ge [sflag:s30], $0x80  }
0x14a: {  	[sflag:s30] =	ssyncset.done $0x0  }
0x14b: {  	[sflag:s30] =	ssyncadd.s32 $0xFFFFFF80  }
0x14c: {  	_ =	swait.ge [sflag:s30], $0x80  }
0x14d: {  	[sflag:s30] =	ssyncset.done $0x0  }
0x14e: {  	[sflag:s30] =	ssyncadd.s32 $0xFFFFFF80  }
0x14f: {  	_ =	swait.ge [sflag:s30], $0x80  }
0x150: {  	[sflag:s30] =	ssyncset.done $0x0  }
0x151: {  	[sflag:s30] =	ssyncadd.s32 $0xFFFFFF80  }
0x152: {  	_ =	swait.ge [sflag:s30], $0x80  }
0x153: {  	[sflag:s30] =	ssyncset.done $0x0  }
0x154: {  	[sflag:s30] =	ssyncadd.s32 $0xFFFFFF80  }
0x155: {  	_ =	swait.ge [sflag:s30], $0x80  }
0x156: {  	[sflag:s30] =	ssyncset.done $0x0  }
0x157: {  	[sflag:s30] =	ssyncadd.s32 $0xFFFFFF80  }
0x158: {  	_ =	swait.ge [sflag:s30], $0x80  }
0x159: {  	[sflag:s30] =	ssyncset.done $0x0  }
0x15a: {  	[sflag:s30] =	ssyncadd.s32 $0xFFFFFF80  }
0x15b: {  	_ =	swait.ge [sflag:s30], $0x80  }
0x15c: {  	[sflag:s30] =	ssyncset.done $0x0  }
0x15d: {  	[sflag:s30] =	ssyncadd.s32 $0xFFFFFF80  }
0x15e: {  	_ =	swait.ge [sflag:s30], $0x80  }
0x15f: {  	[sflag:s30] =	ssyncset.done $0x0  }
0x160: {  	[sflag:s30] =	ssyncadd.s32 $0xFFFFFF80  }
0x161: {  	_ =	swait.ge [sflag:s30], $0x80  }
0x162: {  	[sflag:s30] =	ssyncset.done $0x0  }
0x163: {  	[sflag:s30] =	ssyncadd.s32 $0xFFFFFF80  }
0x164: {  	_ =	swait.ge [sflag:s30], $0x80  }
0x165: {  	[sflag:s30] =	ssyncset.done $0x0  }
0x166: {  	[sflag:s30] =	ssyncadd.s32 $0xFFFFFF80  }
0x167: {  	_ =	swait.ge [sflag:s30], $0x80  }
0x168: {  	[sflag:s30] =	ssyncset.done $0x0  }
0x169: {  	[sflag:s30] =	ssyncadd.s32 $0xFFFFFF80  }
0x16a: {  	_ =	swait.ge [sflag:s30], $0x80  }
0x16b: {  	[sflag:s30] =	ssyncset.done $0x0  }
0x16c: {  	[sflag:s30] =	ssyncadd.s32 $0xFFFFFF80  }
0x16d: {  	_ =	swait.ge [sflag:s30], $0x80  }
0x16e: {  	[sflag:s30] =	ssyncset.done $0x0  }
0x16f: {  	s7 =	simm.s32 $0x0;
	[sflag:s30] =	ssyncadd.s32 $0xFFFFFF80  }
0x170: {  	v0 =	vld [tilespmem:s7+$0x5100]  }
0x171: {  	v1 =	vld [tilespmem:s7+$0x4100]  }
0x172: {  	v2 =	vld [tilespmem:s7+$0x5900]  }
0x173: {  	v3 =	vld [tilespmem:s7+$0x4900];
	_ =	sdelay $0x4  }
0x174: {  	v0 =	vsub.f32 v0, v1;
	v1 =	vsub.f32 v2, v3;
	_ =	sdelay $0x1  }
0x175: {  	v2 =	vmul.f32 v0, v0;
	v3 =	vmul.f32 v1, v1  }
0x176: {  	s11 =	simm.s32 $0x10  }
0x177: {  	v7 =	vld [tilespmem:s11+$0x5900];
	v6 =	vadd.f32 v3, v2  }
0x178: {  	v2 =	vld [tilespmem:s11+$0x5100]  }
0x179: {  	v3 =	vld [tilespmem:s11+$0x4100];
	v4 =	vshrl.u32 v6, $0x1;
	v5 =	vmul.f32 $5.000000000e-01, v6  }
0x17a: {  	v8 =	vld [tilespmem:s11+$0x4900];
	v4 =	vsub.s32 $0x5F3759DF, v4  }
0x17b: {  	v9 =	vmul.f32 v4, v5;
	_ =	sdelay $0x1  }
0x17c: {  	v9 =	vmul.f32 v4, v9  }
0x17d: {  	v2 =	vsub.f32 v2, v3  }
0x17e: {  	v3 =	vsub.f32 v7, v8;
	v9 =	vsub.f32 $1.500000000e+00, v9  }
0x17f: {  	v7 =	vmul.f32 v2, v2  }
0x180: {  	v8 =	vmul.f32 v3, v3;
	v4 =	vmul.f32 v4, v9;
	_ =	sdelay $0x1  }
0x181: {  	s0 =	simm.s32 $0x20;
	v10 =	vadd.f32 v8, v7;
	v9 =	vmul.f32 v4, v5  }
0x182: {  	v12 =	vld [tilespmem:s0+$0x5900]  }
0x183: {  	v14 =	vld [tilespmem:s0+$0x4900];
	v11 =	vshrl.u32 v10, $0x1;
	v13 =	vmul.f32 $5.000000000e-01, v10;
	v8 =	vmul.f32 v9, v4  }
0x184: {  	v7 =	vld [tilespmem:s0+$0x5100];
	v11 =	vsub.s32 $0x5F3759DF, v11  }
0x185: {  	v15 =	vmul.f32 v11, v13;
	v9 =	vld [tilespmem:s0+$0x4100];
	v8 =	vsub.f32 $1.500000000e+00, v8;
	_ =	sdelay $0x1  }
0x186: {  	v8 =	vmul.f32 v8, v4;
	v4 =	vmul.f32 v11, v15;
	_ =	sdelay $0x1  }
0x187: {  	v15 =	vmul.f32 v8, v5;
	v16 =	vsub.f32 $1.500000000e+00, v4  }
0x188: {  	v4 =	vsub.f32 v7, v9;
	v5 =	vsub.f32 v12, v14  }
0x189: {  	v7 =	vmul.f32 v15, v8;
	v11 =	vmul.f32 v11, v16  }
0x18a: {  	s23 =	simm.s32 $0x30;
	v9 =	vmul.f32 v4, v4;
	v12 =	vmul.f32 v5, v5  }
0x18b: {  	v17 =	vld [tilespmem:s23+$0x4900];
	v7 =	vsub.f32 $1.500000000e+00, v7;
	v15 =	vmul.f32 v11, v13  }
0x18c: {  	v14 =	vld [tilespmem:s23+$0x5100];
	v9 =	vadd.f32 v12, v9  }
0x18d: {  	v16 =	vld [tilespmem:s23+$0x4100];
	v7 =	vmul.f32 v7, v8;
	v15 =	vmul.f32 v15, v11  }
0x18e: {  	v8 =	vld [tilespmem:s23+$0x5900];
	v18 =	vshrl.u32 v9, $0x1;
	v12 =	vmul.f32 $5.000000000e-01, v9  }
0x18f: {  	v18 =	vsub.s32 $0x5F3759DF, v18;
	v19 =	vmul.f32 v7, v6;
	v6 =	vsub.f32 $1.500000000e+00, v15  }
0x190: {  	v15 =	vmul.f32 v18, v12  }
0x191: {  	vm0 =	vgt.f32 v19, $1.000000010e-01;
	v20 =	vmul.f32 v6, v11  }
0x192: {  	v6 =	vsub.f32 v14, v16;
	v14 =	vmul.f32 v18, v15;
	v11 =	vnsel vm0, $0x41200000, v7  }
0x193: {  	v7 =	vsub.f32 v8, v17;
	v15 =	vmul.f32 v11, v11  }
0x194: {  	s21 =	simm.s32 $0x40;
	v8 =	vmul.f32 v20, v13;
	v13 =	vmul.f32 v6, v6;
	v14 =	vsub.f32 $1.500000000e+00, v14  }
0x195: {  	v21 =	vld [tilespmem:s21+$0x5100];
	v17 =	vmul.f32 v7, v7;
	v16 =	vmul.f32 v15, v15  }
0x196: {  	v22 =	vld [tilespmem:s21+$0x4100];
	v8 =	vmul.f32 v8, v20;
	v14 =	vmul.f32 v18, v14;
	v18 =	vmax.f32 v19, $9.999999960e-13  }
0x197: {  	v24 =	vld [tilespmem:s21+$0x4900];
	(erf) = vrcp.f32 v18;
	v23 =	vmul.f32 v16, v15  }
0x198: {  	v19 =	vld [tilespmem:s21+$0x5900];
	v13 =	vadd.f32 v17, v13;
	v8 =	vsub.f32 $1.500000000e+00, v8  }
0x199: {  	v15 =	vmul.f32 v14, v12;
	v25 =	vmul.f32 $4.800000000e+01, v23  }
0x19a: {  	v18 =	vshrl.u32 v13, $0x1;
	v16 =	vmul.f32 $5.000000000e-01, v13;
	v17 =	vmul.f32 v8, v20  }
0x19b: {  	v18 =	vsub.s32 $0x5F3759DF, v18;
	v20 =	vmul.f32 v15, v14;
	v25 =	vadd.f32 $-2.400000000e+01, v25  }
0x19c: {  	v8 =	vsub.f32 v21, v22;
	v21 =	vmul.f32 v18, v16;
	v15 =	vmul.f32 v17, v10  }
0x19d: {  	s18 =	simm.s32 $0x140;
	v10 =	vsub.f32 v19, v24;
	v20 =	vsub.f32 $1.500000000e+00, v20;
	v19 =	vmul.f32 v25, v23  }
.LBB2_3:
0x19e: {  	p0 =	sne.s32 s18, $0x1FC0;
	v22 =	vmul.f32 v8, v8;
	v21 =	vmul.f32 v18, v21;
	vm0 =	vgt.f32 v15, $1.000000010e-01  }
0x19f: {  	v20 =	vmul.f32 v20, v14;
	v14 =	vmul.f32 v19, v11;
	v11 =	vnsel vm0, $0x41200000, v17  }
0x1a0: {  	v17 =	vmul.f32 v10, v10;
	v19 =	vsub.f32 $1.500000000e+00, v21;
	v21 =	vmul.f32 v11, v11;
	v23 =	vpop (erf)  }
0x1a1: {  	s29 =	sshra.s32 s18, $0x2;
	v24 =	vmul.f32 v20, v12;
	v23 =	vmul.f32 v14, v23;
	v12 =	vmov v16  }
0x1a2: {  	v25 =	vld [tilespmem:s29+$0x5100];
	v14 =	vmul.f32 v18, v19;
	v16 =	vmul.f32 v21, v21  }
0x1a3: {  	v15 =	vmax.f32 v15, $9.999999960e-13;
	v19 =	vld [tilespmem:s29+$0x4100];
	v18 =	vmul.f32 v24, v20;
	v24 =	vmul.f32 v23, v1;
	v1 =	vmovc v3;
	v3 =	vmovc v5  }
0x1a4: {  	v5 =	vmovc v7;
	v7 =	vmov v10;
	v26 =	vld [tilespmem:s29+$0x5900];
	v27 =	vmul.f32 v16, v21;
	(erf) = vrcp.f32 v15  }
0x1a5: {  	v22 =	vadd.f32 v17, v22;
	v10 =	vld [tilespmem:s29+$0x4900];
	v15 =	vsub.f32 $1.500000000e+00, v18;
	v18 =	vmul.f32 v23, v0;
	[tilespmem:s7+$0x6900] =	vst v24;
	v0 =	vmovc v2  }
.Ltmp0:
0x1a6: {  	v21 =	vmul.f32 v14, v12;
	v2 =	vmovc v4;
	v4 =	vmovc v6;
	v6 =	vmov v8;
	v23 =	vmul.f32 $4.800000000e+01, v27;
	(pc) =	sbr.rel @p0 .LBB2_3-.Ltmp0, $4  }
0x1a7: {  	v16 =	vmul.f32 $5.000000000e-01, v22;
	v8 =	vshrl.u32 v22, $0x1;
	v17 =	vmul.f32 v15, v20;
	[tilespmem:s7+$0x6100] =	vst v18;
	s7 =	smov.u32 s11;
	s11 =	smov.u32 s0;
	s0 =	smov.u32 s23  }
0x1a8: {  	v18 =	vsub.s32 $0x5F3759DF, v8;
	v20 =	vmul.f32 v21, v14;
	s23 =	smov.u32 s21;
	s21 =	smov.u32 s29;
	v23 =	vadd.f32 $-2.400000000e+01, v23  }
0x1a9: {  	v8 =	vsub.f32 v25, v19;
	v21 =	vmul.f32 v18, v16;
	v15 =	vmul.f32 v17, v9;
	v9 =	vmovc v13  }
0x1aa: {  	s18 =	sadd.s32 $0x40, s18;
	v20 =	vsub.f32 $1.500000000e+00, v20;
	v13 =	vmovc v22;
	v10 =	vsub.f32 v26, v10;
	v19 =	vmul.f32 v23, v27  }
0x1ab: {  	_ = 	snop  }
0x1ac: {  	v22 =	vmul.f32 v8, v8;
	v23 =	vmul.f32 v10, v10;
	_ =	sdelay $0x1  }
0x1ad: {  	v22 =	vadd.f32 v23, v22;
	_ =	sdelay $0x1  }
0x1ae: {  	v23 =	vshrl.u32 v22, $0x1;
	v24 =	vmul.f32 $5.000000000e-01, v22  }
0x1af: {  	v23 =	vsub.s32 $0x5F3759DF, v23  }
0x1b0: {  	v21 =	vmul.f32 v18, v21;
	v25 =	vmul.f32 v23, v24;
	_ =	sdelay $0x1  }
0x1b1: {  	v21 =	vsub.f32 $1.500000000e+00, v21;
	v25 =	vmul.f32 v23, v25;
	_ =	sdelay $0x1  }
0x1b2: {  	v63 =	vmul.f32 v18, v21;
	v28 =	vsub.f32 $1.500000000e+00, v25;
	_ =	sdelay $0x1  }
0x1b3: {  	v29 =	vmul.f32 v63, v16;
	v21 =	vmul.f32 v23, v28;
	_ =	sdelay $0x1  }
0x1b4: {  	v30 =	vmul.f32 v29, v63;
	v31 =	vmul.f32 v21, v24  }
0x1b5: {  	v14 =	vmul.f32 v20, v14  }
0x1b6: {  	v23 =	vsub.f32 $1.500000000e+00, v30;
	v20 =	vmul.f32 v31, v21  }
0x1b7: {  	v12 =	vmul.f32 v14, v12  }
0x1b8: {  	v18 =	vmul.f32 v23, v63;
	v20 =	vsub.f32 $1.500000000e+00, v20  }
0x1b9: {  	v12 =	vmul.f32 v12, v14  }
0x1ba: {  	v32 =	vmul.f32 v18, v16;
	v20 =	vmul.f32 v20, v21  }
0x1bb: {  	v12 =	vsub.f32 $1.500000000e+00, v12  }
0x1bc: {  	v16 =	vmul.f32 v32, v18;
	v33 =	vmul.f32 v20, v24  }
0x1bd: {  	vm0 =	vgt.f32 v15, $1.000000010e-01;
	v12 =	vmul.f32 v12, v14  }
0x1be: {  	v17 =	vnsel vm0, $0x41200000, v17;
	v16 =	vsub.f32 $1.500000000e+00, v16;
	v14 =	vmul.f32 v33, v20  }
0x1bf: {  	v39 =	vmax.f32 v15, $9.999999960e-13;
	v34 =	vmul.f32 v17, v17;
	v9 =	vmul.f32 v12, v9  }
0x1c0: {  	v11 =	vmul.f32 v19, v11;
	v16 =	vmul.f32 v16, v18;
	v14 =	vsub.f32 $1.500000000e+00, v14  }
0x1c1: {  	v35 =	vpop (erf);
	(erf) = vrcp.f32 v39;
	v36 =	vmul.f32 v34, v34;
	vm13 =	vgt.f32 v9, $1.000000010e-01  }
0x1c2: {  	v12 =	vnsel vm13, $0x41200000, v12;
	v13 =	vmul.f32 v16, v13;
	v14 =	vmul.f32 v14, v20  }
0x1c3: {  	v37 =	vmul.f32 v36, v34;
	v38 =	vmul.f32 v12, v12  }
0x1c4: {  	v11 =	vmul.f32 v11, v35;
	vm14 =	vgt.f32 v13, $1.000000010e-01;
	v22 =	vmul.f32 v14, v22  }
0x1c5: {  	v40 =	vmul.f32 $4.800000000e+01, v37;
	v41 =	vmul.f32 v38, v38;
	v16 =	vnsel vm14, $0x41200000, v16  }
0x1c6: {  	v9 =	vmax.f32 v9, $9.999999960e-13;
	v43 =	vmul.f32 v16, v16;
	vm15 =	vgt.f32 v22, $1.000000010e-01  }
0x1c7: {  	(erf) = vrcp.f32 v9;
	v19 =	vmul.f32 v41, v38;
	v14 =	vnsel vm15, $0x41200000, v14  }
0x1c8: {  	v13 =	vmax.f32 v13, $9.999999960e-13;
	v44 =	vmul.f32 v43, v43;
	v45 =	vmul.f32 v14, v14  }
0x1c9: {  	v42 =	vadd.f32 $-2.400000000e+01, v40;
	v21 =	vmul.f32 $4.800000000e+01, v19;
	(erf) = vrcp.f32 v13  }
0x1ca: {  	v9 =	vmul.f32 v44, v43;
	v22 =	vmax.f32 v22, $9.999999960e-13;
	v46 =	vmul.f32 v45, v45  }
0x1cb: {  	v15 =	vmul.f32 v42, v37;
	v47 =	vadd.f32 $-2.400000000e+01, v21;
	(erf) = vrcp.f32 v22  }
0x1cc: {  	v48 =	vmul.f32 $4.800000000e+01, v9;
	v13 =	vmul.f32 v46, v45  }
0x1cd: {  	v15 =	vmul.f32 v15, v17;
	v49 =	vmul.f32 v47, v19  }
0x1ce: {  	v1 =	vmul.f32 v11, v1;
	v50 =	vpop (erf);
	v51 =	vadd.f32 $-2.400000000e+01, v48;
	v52 =	vmul.f32 $4.800000000e+01, v13  }
0x1cf: {  	v15 =	vmul.f32 v15, v50;
	v12 =	vmul.f32 v49, v12  }
0x1d0: {  	v0 =	vmul.f32 v11, v0;
	v53 =	vpop (erf);
	v9 =	vmul.f32 v51, v9;
	v54 =	vadd.f32 $-2.400000000e+01, v52  }
0x1d1: {  	v3 =	vmul.f32 v15, v3;
	v12 =	vmul.f32 v12, v53  }
0x1d2: {  	[tilespmem:s7+$0x6900] =	vst v1;
	v55 =	vmul.f32 v9, v16;
	v56 =	vmul.f32 v54, v13  }
0x1d3: {  	[tilespmem:s7+$0x6100] =	vst v0;
	v2 =	vmul.f32 v15, v2;
	v5 =	vmul.f32 v12, v5;
	v57 =	vpop (erf)  }
0x1d4: {  	[tilespmem:s11+$0x6900] =	vst v3;
	v0 =	vmul.f32 v55, v57;
	v58 =	vmul.f32 v56, v14  }
0x1d5: {  	[tilespmem:s11+$0x6100] =	vst v2;
	v59 =	vmul.f32 v12, v4;
	v60 =	vpop (erf)  }
0x1d6: {  	[tilespmem:s0+$0x6900] =	vst v5;
	v61 =	vmul.f32 v0, v7;
	v1 =	vmul.f32 v58, v60  }
0x1d7: {  	[tilespmem:s0+$0x6100] =	vst v59;
	v0 =	vmul.f32 v0, v6  }
0x1d8: {  	[tilespmem:s23+$0x6900] =	vst v61;
	v62 =	vmul.f32 v1, v10  }
0x1d9: {  	[tilespmem:s23+$0x6100] =	vst v0;
	v63 =	vmul.f32 v1, v8  }
0x1da: {  	[tilespmem:s21+$0x6900] =	vst v62  }
0x1db: {  	s23 =	simm.s32 $0x6100;
	[tilespmem:s21+$0x6100] =	vst v63  }
0x1dc: {  	[spmem:s3] =	stream.indirect.scatter.add.f32 [tilespmem:s23], [sflag:$0x2], $0x1, s19, s20, $0xb8;
	[tilespmem:$0x7100] =	vst v63  }
0x1dd: {  	s29 =	simm.s32 $0x6900  }
0x1de: {  	[spmem:s4] =	stream.indirect.scatter.add.f32 [tilespmem:s29], [sflag:$0x2], $0x1, s19, s20, $0xb8;
	[tilespmem:$0x7100] =	vst v63  }
0x1df: {  	s7 =	simm.s32 $0x6180;
	s21 =	simm.s32 $0x3980  }
0x1e0: {  	[spmem:s3] =	stream.indirect.scatter.add.f32 [tilespmem:s7], [sflag:$0x2], $0x1, s21, s20, $0xb8;
	[tilespmem:$0x7100] =	vst v63  }
0x1e1: {  	s11 =	simm.s32 $0x6980  }
0x1e2: {  	[spmem:s4] =	stream.indirect.scatter.add.f32 [tilespmem:s11], [sflag:$0x2], $0x1, s21, s20, $0xb8;
	[tilespmem:$0x7100] =	vst v63  }
0x1e3: {  	s18 =	simm.s32 $0x6200  }
0x1e4: {  	[spmem:s3] =	stream.indirect.scatter.add.f32 [tilespmem:s18], [sflag:$0x2], $0x1, s13, s20, $0xb8;
	[tilespmem:$0x7100] =	vst v63  }
0x1e5: {  	s23 =	simm.s32 $0x6A00  }
0x1e6: {  	[spmem:s4] =	stream.indirect.scatter.add.f32 [tilespmem:s23], [sflag:$0x2], $0x1, s13, s20, $0xb8;
	[tilespmem:$0x7100] =	vst v63  }
0x1e7: {  	s29 =	simm.s32 $0x6280  }
0x1e8: {  	[spmem:s3] =	stream.indirect.scatter.add.f32 [tilespmem:s29], [sflag:$0x2], $0x1, s5, s20, $0xb8;
	[tilespmem:$0x7100] =	vst v63  }
0x1e9: {  	s7 =	simm.s32 $0x6A80  }
0x1ea: {  	[spmem:s4] =	stream.indirect.scatter.add.f32 [tilespmem:s7], [sflag:$0x2], $0x1, s5, s20, $0xb8;
	[tilespmem:$0x7100] =	vst v63  }
0x1eb: {  	s11 =	simm.s32 $0x6300  }
0x1ec: {  	[spmem:s3] =	stream.indirect.scatter.add.f32 [tilespmem:s11], [sflag:$0x2], $0x1, s28, s20, $0xb8;
	[tilespmem:$0x7100] =	vst v63  }
0x1ed: {  	s18 =	simm.s32 $0x6B00  }
0x1ee: {  	[spmem:s4] =	stream.indirect.scatter.add.f32 [tilespmem:s18], [sflag:$0x2], $0x1, s28, s20, $0xb8;
	[tilespmem:$0x7100] =	vst v63  }
0x1ef: {  	s23 =	simm.s32 $0x6380  }
0x1f0: {  	[spmem:s3] =	stream.indirect.scatter.add.f32 [tilespmem:s23], [sflag:$0x2], $0x1, s9, s20, $0xb8;
	[tilespmem:$0x7100] =	vst v63  }
0x1f1: {  	s29 =	simm.s32 $0x6B80  }
0x1f2: {  	[spmem:s4] =	stream.indirect.scatter.add.f32 [tilespmem:s29], [sflag:$0x2], $0x1, s9, s20, $0xb8;
	[tilespmem:$0x7100] =	vst v63  }
0x1f3: {  	s7 =	simm.s32 $0x6400  }
0x1f4: {  	[spmem:s3] =	stream.indirect.scatter.add.f32 [tilespmem:s7], [sflag:$0x2], $0x1, s26, s20, $0xb8;
	[tilespmem:$0x7100] =	vst v63  }
0x1f5: {  	s11 =	simm.s32 $0x6C00  }
0x1f6: {  	[spmem:s4] =	stream.indirect.scatter.add.f32 [tilespmem:s11], [sflag:$0x2], $0x1, s26, s20, $0xb8;
	[tilespmem:$0x7100] =	vst v63  }
0x1f7: {  	s18 =	simm.s32 $0x6480  }
0x1f8: {  	[spmem:s3] =	stream.indirect.scatter.add.f32 [tilespmem:s18], [sflag:$0x2], $0x1, s10, s20, $0xb8;
	[tilespmem:$0x7100] =	vst v63  }
0x1f9: {  	s23 =	simm.s32 $0x6C80  }
0x1fa: {  	[spmem:s4] =	stream.indirect.scatter.add.f32 [tilespmem:s23], [sflag:$0x2], $0x1, s10, s20, $0xb8;
	[tilespmem:$0x7100] =	vst v63  }
0x1fb: {  	s29 =	simm.s32 $0x6500  }
0x1fc: {  	[spmem:s3] =	stream.indirect.scatter.add.f32 [tilespmem:s29], [sflag:$0x2], $0x1, s17, s20, $0xb8;
	[tilespmem:$0x7100] =	vst v63  }
0x1fd: {  	s7 =	simm.s32 $0x6D00  }
0x1fe: {  	[spmem:s4] =	stream.indirect.scatter.add.f32 [tilespmem:s7], [sflag:$0x2], $0x1, s17, s20, $0xb8;
	[tilespmem:$0x7100] =	vst v63  }
0x1ff: {  	s11 =	simm.s32 $0x6580  }
0x200: {  	[spmem:s3] =	stream.indirect.scatter.add.f32 [tilespmem:s11], [sflag:$0x2], $0x1, s24, s20, $0xb8;
	[tilespmem:$0x7100] =	vst v63  }
0x201: {  	s18 =	simm.s32 $0x6D80  }
0x202: {  	[spmem:s4] =	stream.indirect.scatter.add.f32 [tilespmem:s18], [sflag:$0x2], $0x1, s24, s20, $0xb8;
	[tilespmem:$0x7100] =	vst v63  }
0x203: {  	s23 =	simm.s32 $0x6600  }
0x204: {  	[spmem:s3] =	stream.indirect.scatter.add.f32 [tilespmem:s23], [sflag:$0x2], $0x1, s22, s20, $0xb8;
	[tilespmem:$0x7100] =	vst v63  }
0x205: {  	s29 =	simm.s32 $0x6E00  }
0x206: {  	[spmem:s4] =	stream.indirect.scatter.add.f32 [tilespmem:s29], [sflag:$0x2], $0x1, s22, s20, $0xb8;
	[tilespmem:$0x7100] =	vst v63  }
0x207: {  	s7 =	simm.s32 $0x6680  }
0x208: {  	[spmem:s3] =	stream.indirect.scatter.add.f32 [tilespmem:s7], [sflag:$0x2], $0x1, s8, s20, $0xb8;
	[tilespmem:$0x7100] =	vst v63  }
0x209: {  	s11 =	simm.s32 $0x6E80  }
0x20a: {  	[spmem:s4] =	stream.indirect.scatter.add.f32 [tilespmem:s11], [sflag:$0x2], $0x1, s8, s20, $0xb8;
	[tilespmem:$0x7100] =	vst v63  }
0x20b: {  	s18 =	simm.s32 $0x6700  }
0x20c: {  	[spmem:s3] =	stream.indirect.scatter.add.f32 [tilespmem:s18], [sflag:$0x2], $0x1, s25, s20, $0xb8;
	[tilespmem:$0x7100] =	vst v63  }
0x20d: {  	s23 =	simm.s32 $0x6F00  }
0x20e: {  	[spmem:s4] =	stream.indirect.scatter.add.f32 [tilespmem:s23], [sflag:$0x2], $0x1, s25, s20, $0xb8;
	[tilespmem:$0x7100] =	vst v63  }
0x20f: {  	s29 =	simm.s32 $0x6780  }
0x210: {  	[spmem:s3] =	stream.indirect.scatter.add.f32 [tilespmem:s29], [sflag:$0x2], $0x1, s15, s20, $0xb8;
	[tilespmem:$0x7100] =	vst v63  }
0x211: {  	s7 =	simm.s32 $0x6F80  }
0x212: {  	[spmem:s4] =	stream.indirect.scatter.add.f32 [tilespmem:s7], [sflag:$0x2], $0x1, s15, s20, $0xb8;
	[tilespmem:$0x7100] =	vst v63  }
0x213: {  	s11 =	simm.s32 $0x6800  }
0x214: {  	[spmem:s3] =	stream.indirect.scatter.add.f32 [tilespmem:s11], [sflag:$0x2], $0x1, s1, s20, $0xb8;
	[tilespmem:$0x7100] =	vst v63  }
0x215: {  	s18 =	simm.s32 $0x7000  }
0x216: {  	[spmem:s4] =	stream.indirect.scatter.add.f32 [tilespmem:s18], [sflag:$0x2], $0x1, s1, s20, $0xb8;
	[tilespmem:$0x7100] =	vst v63  }
0x217: {  	s23 =	simm.s32 $0x6880  }
0x218: {  	[spmem:s3] =	stream.indirect.scatter.add.f32 [tilespmem:s23], [sflag:$0x2], $0x1, s12, s20, $0xb8;
	[tilespmem:$0x7100] =	vst v63  }
0x219: {  	s29 =	simm.s32 $0x7080  }
0x21a: {  	[spmem:s4] =	stream.indirect.scatter.add.f32 [tilespmem:s29], [sflag:$0x2], $0x1, s12, s20, $0xb8;
	[tilespmem:$0x7100] =	vst v63  }
0x21b: {  	_ =	swait.ge [sflag:s31], $0x80  }
0x21c: {  	[sflag:s31] =	ssyncset.done $0x0  }
0x21d: {  	[sflag:s31] =	ssyncadd.s32 $0xFFFFFF80  }
0x21e: {  	_ =	swait.ge [sflag:s31], $0x80  }
0x21f: {  	[sflag:s31] =	ssyncset.done $0x0  }
0x220: {  	[sflag:s31] =	ssyncadd.s32 $0xFFFFFF80  }
0x221: {  	_ =	swait.ge [sflag:s31], $0x80  }
0x222: {  	[sflag:s31] =	ssyncset.done $0x0  }
0x223: {  	[sflag:s31] =	ssyncadd.s32 $0xFFFFFF80  }
0x224: {  	_ =	swait.ge [sflag:s31], $0x80  }
0x225: {  	[sflag:s31] =	ssyncset.done $0x0  }
0x226: {  	[sflag:s31] =	ssyncadd.s32 $0xFFFFFF80  }
0x227: {  	_ =	swait.ge [sflag:s31], $0x80  }
0x228: {  	[sflag:s31] =	ssyncset.done $0x0  }
0x229: {  	[sflag:s31] =	ssyncadd.s32 $0xFFFFFF80  }
0x22a: {  	_ =	swait.ge [sflag:s31], $0x80  }
0x22b: {  	[sflag:s31] =	ssyncset.done $0x0  }
0x22c: {  	[sflag:s31] =	ssyncadd.s32 $0xFFFFFF80  }
0x22d: {  	_ =	swait.ge [sflag:s31], $0x80  }
0x22e: {  	[sflag:s31] =	ssyncset.done $0x0  }
0x22f: {  	[sflag:s31] =	ssyncadd.s32 $0xFFFFFF80  }
0x230: {  	_ =	swait.ge [sflag:s31], $0x80  }
0x231: {  	[sflag:s31] =	ssyncset.done $0x0  }
0x232: {  	[sflag:s31] =	ssyncadd.s32 $0xFFFFFF80  }
0x233: {  	_ =	swait.ge [sflag:s31], $0x80  }
0x234: {  	[sflag:s31] =	ssyncset.done $0x0  }
0x235: {  	[sflag:s31] =	ssyncadd.s32 $0xFFFFFF80  }
0x236: {  	_ =	swait.ge [sflag:s31], $0x80  }
0x237: {  	[sflag:s31] =	ssyncset.done $0x0  }
0x238: {  	[sflag:s31] =	ssyncadd.s32 $0xFFFFFF80  }
0x239: {  	_ =	swait.ge [sflag:s31], $0x80  }
0x23a: {  	[sflag:s31] =	ssyncset.done $0x0  }
0x23b: {  	[sflag:s31] =	ssyncadd.s32 $0xFFFFFF80  }
0x23c: {  	_ =	swait.ge [sflag:s31], $0x80  }
0x23d: {  	[sflag:s31] =	ssyncset.done $0x0  }
0x23e: {  	[sflag:s31] =	ssyncadd.s32 $0xFFFFFF80  }
0x23f: {  	_ =	swait.ge [sflag:s31], $0x80  }
0x240: {  	[sflag:s31] =	ssyncset.done $0x0  }
0x241: {  	[sflag:s31] =	ssyncadd.s32 $0xFFFFFF80  }
0x242: {  	_ =	swait.ge [sflag:s31], $0x80  }
0x243: {  	[sflag:s31] =	ssyncset.done $0x0  }
0x244: {  	[sflag:s31] =	ssyncadd.s32 $0xFFFFFF80  }
0x245: {  	_ =	swait.ge [sflag:s31], $0x80  }
0x246: {  	[sflag:s31] =	ssyncset.done $0x0  }
0x247: {  	[sflag:s31] =	ssyncadd.s32 $0xFFFFFF80  }
0x248: {  	_ =	swait.ge [sflag:s31], $0x80  }
0x249: {  	[sflag:s31] =	ssyncset.done $0x0  }
0x24a: {  	[sflag:s31] =	ssyncadd.s32 $0xFFFFFF80  }
0x24b: {  	_ =	swait.ge [sflag:s31], $0x80  }
0x24c: {  	[sflag:s31] =	ssyncset.done $0x0  }
0x24d: {  	[sflag:s31] =	ssyncadd.s32 $0xFFFFFF80  }
0x24e: {  	_ =	swait.ge [sflag:s31], $0x80  }
0x24f: {  	[sflag:s31] =	ssyncset.done $0x0  }
0x250: {  	[sflag:s31] =	ssyncadd.s32 $0xFFFFFF80  }
0x251: {  	_ =	swait.ge [sflag:s31], $0x80  }
0x252: {  	[sflag:s31] =	ssyncset.done $0x0  }
0x253: {  	[sflag:s31] =	ssyncadd.s32 $0xFFFFFF80  }
0x254: {  	_ =	swait.ge [sflag:s31], $0x80  }
0x255: {  	[sflag:s31] =	ssyncset.done $0x0  }
0x256: {  	[sflag:s31] =	ssyncadd.s32 $0xFFFFFF80  }
0x257: {  	_ =	swait.ge [sflag:s31], $0x80  }
0x258: {  	[sflag:s31] =	ssyncset.done $0x0  }
0x259: {  	[sflag:s31] =	ssyncadd.s32 $0xFFFFFF80  }
0x25a: {  	_ =	swait.ge [sflag:s31], $0x80  }
0x25b: {  	[sflag:s31] =	ssyncset.done $0x0  }
0x25c: {  	[sflag:s31] =	ssyncadd.s32 $0xFFFFFF80  }
0x25d: {  	_ =	swait.ge [sflag:s31], $0x80  }
0x25e: {  	[sflag:s31] =	ssyncset.done $0x0  }
0x25f: {  	[sflag:s31] =	ssyncadd.s32 $0xFFFFFF80  }
0x260: {  	_ =	swait.ge [sflag:s31], $0x80  }
0x261: {  	[sflag:s31] =	ssyncset.done $0x0  }
0x262: {  	[sflag:s31] =	ssyncadd.s32 $0xFFFFFF80  }
0x263: {  	_ =	swait.ge [sflag:s31], $0x80  }
0x264: {  	[sflag:s31] =	ssyncset.done $0x0  }
0x265: {  	[sflag:s31] =	ssyncadd.s32 $0xFFFFFF80  }
0x266: {  	_ =	swait.ge [sflag:s31], $0x80  }
0x267: {  	[sflag:s31] =	ssyncset.done $0x0  }
0x268: {  	[sflag:s31] =	ssyncadd.s32 $0xFFFFFF80  }
0x269: {  	_ =	swait.ge [sflag:s31], $0x80  }
0x26a: {  	[sflag:s31] =	ssyncset.done $0x0  }
0x26b: {  	[sflag:s31] =	ssyncadd.s32 $0xFFFFFF80  }
0x26c: {  	_ =	swait.ge [sflag:s31], $0x80  }
0x26d: {  	[sflag:s31] =	ssyncset.done $0x0  }
0x26e: {  	[sflag:s31] =	ssyncadd.s32 $0xFFFFFF80  }
0x26f: {  	_ =	swait.ge [sflag:s31], $0x80  }
0x270: {  	[sflag:s31] =	ssyncset.done $0x0  }
0x271: {  	[sflag:s31] =	ssyncadd.s32 $0xFFFFFF80  }
0x272: {  	_ =	swait.ge [sflag:s31], $0x80  }
0x273: {  	[sflag:s31] =	ssyncset.done $0x0  }
0x274: {  	s14 =	sadd.s32 $0x1, s14;
	[sflag:s31] =	ssyncadd.s32 $0xFFFFFF80  }
0x275: {  	p0 =	sne.s32 s14, $0x62;
	_ =	swait.ge [sflag:s31], $0x80  }
.Ltmp1:
0x276: {  	[sflag:s31] =	ssyncset.done $0x0;
	(pc) =	sbr.rel @p0 .LBB2_2-.Ltmp1, $4  }
0x277: {  	[sflag:s31] =	ssyncadd.s32 $0xFFFFFF80  }
0x278: {  	_ =	swait.ge [sflag:s31], $0x80  }
0x279: {  	[sflag:s31] =	ssyncset.done $0x0  }
0x27a: {  	[sflag:s31] =	ssyncadd.s32 $0xFFFFFF80  }
0x27b: {  	[bflag:$0x0] =	sbarrier.arrive $0xFFFF  }
0x27c: {  	s14 =	rddreg [dreg:$0x9]  }
0x27d: {  	s0 =	rddreg [dreg:$0xb]  }
0x27e: {  	s11 =	simm.s32 $0x20;
	s23 =	simm.s32 $0x10;
	s7 =	rddreg [dreg:$0xe]  }
0x27f: {  	[hbm:s0@s11], [sflag:s14] =	dma.strided [spmem:s7@s23], $0x310, s30, $0x10   }
0x280: {  	_ =	swait.ge [sflag:s16], $0x310  }
0x281: {  	[sflag:s16] =	ssyncset.done $0x0;
	s29 =	rddreg [dreg:$0xc]  }
0x282: {  	s18 =	rddreg [dreg:$0xf];
	[sflag:s16] =	ssyncadd.s32 $0xFFFFFCF0  }
0x283: {  	[hbm:s29@s11], [sflag:s14] =	dma.strided [spmem:s18@s23], $0x310, s30, $0x10   }
0x284: {  	_ =	swait.ge [sflag:s16], $0x310  }
0x285: {  	s23 =	rddreg [dreg:$0x5]  }
0x286: {  	s29 =	rddreg [dreg:$0xd];
	s11 =	sadd.s32 $0x1, s23  }
0x287: {  	p0 =	sne.s32 s11, s29  }
.Ltmp2:
0x288: {  	_ = 	snop;
	(pc) =	sbr.rel @p0 .LBB2_1-.Ltmp2, $3  }
0x289: {  	_ =	sdelay $0x1  }
0x28a: {  	[sflag:s16] =	ssyncset.done $0x0  }
0x28b: {  	[sflag:s16] =	ssyncadd.s32 $0xFFFFFCF0  }
0x28c: {  	_ =	sfence.sel $0x180000  }
0x28d: {  	[bflag:$0x0] =	sbarrier.arrive $0xFFFF  }
0x28e: {  	_ =	strace $0x90000047  }
0x28f: {  	s0 =	stileid.u32;
	[bflag:$0x2] =	sbarrier.arrive $0xFFFF  }
0x290: {  	p0 =	sne.s32 s0, $0x0;
	s0 =	rddreg [dreg:$0x4]  }
0x291: {  	s0 =	sadd.s32 @!p0 $0x100000, s0  }
0x292: {  	[sflag:s0] =	ssyncadd.tile.s32 @!p0 $0x1;
	_ =	shalt  }
.Lfunc_end2:
_tile_overlayer_lowered:
.L_overlay_start_2:
0x293: {  	(tag) =	ssettag $0x2  }
0x294: {  	s0 =	rddreg [dreg:$0x0];
	s2 =	stileid.u32  }
0x295: {  	s1 =	rddreg [dreg:$0x1];
	p0 =	sne.s32 s2, $0x0  }
0x296: {  	s3 =	rddreg [dreg:$0x2];
	[bflag:$0x3] =	sbarrier.arrive $0xFFFF;
	s2 =	simm.s32 @!p0 $0x1C03  }
0x297: {  	[timem:s3], [sflag:s2] =	dma.local @!p0 [hbm:s0], s1  }
0x298: {  	s0 =	simm.s32 @!p0 $0x3  }
0x299: {  	_ =	swait.ge @!p0 [sflag:s0], s1  }
0x29a: {  	s1 =	ssub.s32 @!p0 $0x0, s1;
	[sflag:s0] =	ssyncset.done @!p0 $0x0  }
0x29b: {  	[sflag:s0] =	ssyncadd.s32 @!p0 s1  }
0x29c: {  	[bflag:$0x3] =	sbarrier.arrive $0xFFFF  }
0x29d: {  	_ =	shalt  }

</sc_bundles>
